<compile_context>
chip_gen: v7x
topology: tpu7x:2x2x1
jax: 0.10.2.dev20260603
libtpu: 0.0.44.dev20260713+nightly
codegen_flags: <defaults>
</compile_context>

<pallas_src>
import jax
import jax.numpy as jnp
from jax import lax
from jax.experimental import pallas as pl
from jax.experimental.pallas import tpu as pltpu
from jax.experimental.pallas import tpu_sc as plsc

_D = 64
_NC, _NS = 2, 16
_NW = _NC * _NS
_BB = 128
_NG = 4
_DRAIN = 2


def _body(idxT_hbm, table_hbm, out_hbm, idx_v, t_v, g0, g1, g2, g3, *sems):
    h_tot, b_tot = idxT_hbm.shape
    g_v = [g0, g1, g2, g3]
    gsems, osems = sems[:_NG], sems[_NG:]
    wid = lax.axis_index("s") * _NC + lax.axis_index("c")
    blocks_per_w = b_tot // _BB // _NW
    pairs = blocks_per_w * h_tot
    c0 = wid * blocks_per_w

    iota16 = lax.iota(jnp.int32, 16)
    rowidx = [iota16 + (l0 * 16) for l0 in range(8)]

    def gather_copy(i, u, sem):
        cl, hh = i // h_tot, lax.rem(i, h_tot)
        return pltpu.make_async_copy(
            table_hbm.at[idx_v.at[lax.rem(cl, 2), hh]], g_v[u], sem)

    def out_copy(k, u2, sem):
        cl, hh = k // h_tot, lax.rem(k, h_tot)
        return pltpu.make_async_copy(
            t_v.at[u2], out_hbm.at[hh, :, c0 + cl], sem)

    def step(t, u, carry):
        i = t * _NG + u

        @pl.when(i < pairs)
        def _():
            cl = i // h_tot

            @pl.when(lax.rem(i, h_tot) == 0)
            def _():
                pltpu.sync_copy(
                    idxT_hbm.at[:, pl.ds((c0 + cl) * _BB, _BB)],
                    idx_v.at[lax.rem(cl, 2)])
            gather_copy(i, u, gsems[u]).start()

        k = i - _DRAIN
        up, u2 = (u - _DRAIN) % _NG, u % 2

        @pl.when((k >= 0) & (k < pairs))
        def _():
            gather_copy(0, up, gsems[up]).wait()

            @pl.when(k >= 2)
            def _():
                out_copy(0, u2, osems[u2]).wait()
            gsrc = g_v[up]

            @plsc.parallel_loop(0, _D, unroll=8)
            def _(d):
                di, dm = d // 8, lax.rem(d, 8)
                col16 = jnp.full((16,), d, jnp.int32)
                for l0 in range(8):
                    v = plsc.load_gather(gsrc, [rowidx[l0], col16])
                    t_v[u2, di, dm, pl.ds(l0 * 16, 16)] = v
            out_copy(k, u2, osems[u2]).start()
        return carry

    outer = -(-(pairs + _DRAIN) // _NG)
    lax.fori_loop(
        0, outer,
        lambda t, cr: [step(t, u, cr) for u in range(_NG)][-1], 0)
    for u2 in range(2):
        out_copy(0, u2, osems[u2]).wait()


def kernel(input, weight):
    b, h = input.shape
    f = pl.kernel(
        _body,
        out_type=jax.ShapeDtypeStruct((h, 8, b // _BB, 8, _BB), jnp.float32),
        mesh=plsc.VectorSubcoreMesh(core_axis_name="c", subcore_axis_name="s"),
        scratch_types=(
            [pltpu.VMEM((2, h, _BB), jnp.int32),
             pltpu.VMEM((2, 8, 8, _BB), jnp.float32)]
            + [pltpu.VMEM((_BB, _BB), jnp.float32)] * _NG
            + [pltpu.SemaphoreType.DMA] * (_NG + 2)
        ),
        compiler_params=pltpu.CompilerParams(
            use_tc_tiling_on_sc=False, needs_layout_passes=False),
    )
    out5 = f(input.T.astype(jnp.int32), jnp.pad(weight, ((0, 0), (0, _BB - _D))))
    return out5.transpose(2, 4, 0, 1, 3).reshape(b, h, _D)

# --- scband reference (transcript-rebuilt; emitter-appended) ---
"""Pipeline reference for scband-vocab-parallel-embedding-1726576857125 (READ-ONLY COPY).

The authoritative reference and input builder live on the scoring server;
editing this copy changes nothing except your own understanding.
"""

import jax, jax.numpy as jnp
import numpy as np

VOCAB = 1000000
EMBED_DIM = 64
BATCH = 16384
HIST = 50
# single-rank simulation: world_size=1, tp_rank=0
VOCAB_START = 0
VOCAB_END = VOCAB

def setup_inputs(seed: int = 0) -> dict:
    key = jax.random.key(seed)
    k1, k2 = jax.random.split(key)
    indices = jax.random.randint(k1, (BATCH, HIST), 0, VOCAB, dtype=jnp.int64) if jax.config.jax_enable_x64 else jax.random.randint(k1, (BATCH, HIST), 0, VOCAB, dtype=jnp.int32)
    weight = jax.random.normal(k2, (VOCAB, EMBED_DIM), dtype=jnp.float32)
    return {"input": indices, "weight": weight}

def reference(input, weight):
    # VocabParallelEmbedding.forward with vocab_start_idx=0, vocab_end_idx=VOCAB (world_size=1)
    input_mask = (input < VOCAB_START) | (input >= VOCAB_END)
    masked_input = jnp.where(input_mask, 0, input - VOCAB_START)
    output = jnp.take(weight, masked_input, axis=0)
    output = jnp.where(input_mask[..., None], 0.0, output)
    # differentiable_all_reduce_sum over a single-rank group is identity
    return output

if __name__ == "__main__":
    import jax
    _d = setup_inputs()
    print(jax.jit(kernel)(*tuple(_d.values())))

</pallas_src>

<mosaic_0001>
#map = affine_map<(d0, d1) -> (0, 0)>
#map1 = affine_map<(d0, d1) -> (0, 0, 0, 0, 0)>
module attributes {stable_mosaic.version = 14 : i64} {
  func.func @_body(%arg0: i32, %arg1: i32, %arg2: memref<50x16384xi32, #tpu.memory_space<hbm>>, %arg3: memref<1000000x128xf32, #tpu.memory_space<hbm>>, %arg4: memref<50x8x128x8x128xf32, #tpu.memory_space<hbm>>, %arg5: memref<2x50x128xi32, #tpu.memory_space<vmem>>, %arg6: memref<2x8x8x128xf32, #tpu.memory_space<vmem>>, %arg7: memref<128x128xf32, #tpu.memory_space<vmem>>, %arg8: memref<128x128xf32, #tpu.memory_space<vmem>>, %arg9: memref<128x128xf32, #tpu.memory_space<vmem>>, %arg10: memref<128x128xf32, #tpu.memory_space<vmem>>, %arg11: memref<!tpu.dma_semaphore, #tpu.memory_space<semaphore_mem>>, %arg12: memref<!tpu.dma_semaphore, #tpu.memory_space<semaphore_mem>>, %arg13: memref<!tpu.dma_semaphore, #tpu.memory_space<semaphore_mem>>, %arg14: memref<!tpu.dma_semaphore, #tpu.memory_space<semaphore_mem>>, %arg15: memref<!tpu.dma_semaphore, #tpu.memory_space<semaphore_mem>>, %arg16: memref<!tpu.dma_semaphore, #tpu.memory_space<semaphore_mem>>) attributes {dimension_semantics = [#tpu.dimension_semantics<core_parallel>, #tpu.dimension_semantics<subcore_parallel>], iteration_bounds = array<i64: 2, 16>, scalar_prefetch = 0 : i64, scratch_operands = 12 : i64, tpu.core_type = #tpu.core_type<sc_vector_subcore>, window_params = [{transform_indices = #map}, {transform_indices = #map}, {transform_indices = #map1}]} {
    %mul3A = arith.constant 2 : i32
    %mul3A_0 = arith.muli %arg1, %mul3A : i32
    %add3A = arith.addi %mul3A_0, %arg0 : i32
    %mul3A_1 = arith.constant 4 : i32
    %mul3A_2 = arith.muli %add3A, %mul3A_1 : i32
    %iota3A = tpu.iota {dimensions = array<i32: 0>} : vector<16xi32>
    %add3A_3 = arith.constant 0 : i32
    %add3A_4 = vector.broadcast %add3A_3 : i32 to vector<16xi32>
    %add3A_5 = arith.addi %iota3A, %add3A_4 : vector<16xi32>
    %add3A_6 = arith.constant 16 : i32
    %add3A_7 = vector.broadcast %add3A_6 : i32 to vector<16xi32>
    %add3A_8 = arith.addi %iota3A, %add3A_7 : vector<16xi32>
    %add3A_9 = arith.constant 32 : i32
    %add3A_10 = vector.broadcast %add3A_9 : i32 to vector<16xi32>
    %add3A_11 = arith.addi %iota3A, %add3A_10 : vector<16xi32>
    %add3A_12 = arith.constant 48 : i32
    %add3A_13 = vector.broadcast %add3A_12 : i32 to vector<16xi32>
    %add3A_14 = arith.addi %iota3A, %add3A_13 : vector<16xi32>
    %add3A_15 = arith.constant 64 : i32
    %add3A_16 = vector.broadcast %add3A_15 : i32 to vector<16xi32>
    %add3A_17 = arith.addi %iota3A, %add3A_16 : vector<16xi32>
    %add3A_18 = arith.constant 80 : i32
    %add3A_19 = vector.broadcast %add3A_18 : i32 to vector<16xi32>
    %add3A_20 = arith.addi %iota3A, %add3A_19 : vector<16xi32>
    %add3A_21 = arith.constant 96 : i32
    %add3A_22 = vector.broadcast %add3A_21 : i32 to vector<16xi32>
    %add3A_23 = arith.addi %iota3A, %add3A_22 : vector<16xi32>
    %add3A_24 = arith.constant 112 : i32
    %add3A_25 = vector.broadcast %add3A_24 : i32 to vector<16xi32>
    %add3A_26 = arith.addi %iota3A, %add3A_25 : vector<16xi32>
    %scan3A = arith.constant 0 : i32
    %scan3A_27 = arith.constant 0 : i32
    %scan3A_28 = arith.constant 51 : i32
    %scan3A_29 = arith.addi %scan3A_27, %scan3A_28 : i32
    %scan3A_30 = arith.constant 1 : i32
    scf.for %scan3A_82 = %scan3A_27 to %scan3A_29 step %scan3A_30  : i32 {
      %mul3A_83 = arith.constant 4 : i32
      %mul3A_84 = arith.muli %scan3A_82, %mul3A_83 : i32
      %add3A_85 = arith.constant 0 : i32
      %add3A_86 = arith.addi %mul3A_84, %add3A_85 : i32
      %lt3A = arith.constant 200 : i32
      %lt3A_87 = arith.cmpi slt, %add3A_86, %lt3A : i32
      %convert_element_type3A = arith.extui %lt3A_87 : i1 to i32
      %cond3A = arith.constant 0 : i32
      %cond3A_88 = arith.cmpi ne, %convert_element_type3A, %cond3A : i32
      scf.if %cond3A_88 {
        %jit3A = arith.constant 50 : i32
        %div3A = arith.divsi %add3A_86, %jit3A : i32
        %sign3A = arith.constant 0 : i32
        %sign3A_153 = arith.cmpi sgt, %add3A_86, %sign3A : i32
        %sign3A_154 = arith.extui %sign3A_153 : i1 to i32
        %sign3A_155 = arith.constant 0 : i32
        %sign3A_156 = arith.cmpi slt, %add3A_86, %sign3A_155 : i32
        %sign3A_157 = arith.extui %sign3A_156 : i1 to i32
        %sign3A_158 = arith.subi %sign3A_154, %sign3A_157 : i32
        %sign3A_159 = arith.constant 0 : i32
        %sign3A_160 = arith.cmpi sgt, %jit3A, %sign3A_159 : i32
        %sign3A_161 = arith.extui %sign3A_160 : i1 to i32
        %sign3A_162 = arith.constant 0 : i32
        %sign3A_163 = arith.cmpi slt, %jit3A, %sign3A_162 : i32
        %sign3A_164 = arith.extui %sign3A_163 : i1 to i32
        %sign3A_165 = arith.subi %sign3A_161, %sign3A_164 : i32
        %ne3A = arith.cmpi ne, %sign3A_158, %sign3A_165 : i32
        %rem3A_166 = arith.remsi %add3A_86, %jit3A : i32
        %ne3A_167 = arith.constant 0 : i32
        %ne3A_168 = arith.cmpi ne, %rem3A_166, %ne3A_167 : i32
        %and3A_169 = arith.andi %ne3A, %ne3A_168 : i1
        %sub3A_170 = arith.constant 1 : i32
        %sub3A_171 = arith.subi %div3A, %sub3A_170 : i32
        %select_n3A = arith.select %and3A_169, %sub3A_171, %div3A : i32
        %rem3A_172 = arith.constant 50 : i32
        %rem3A_173 = arith.remsi %add3A_86, %rem3A_172 : i32
        %eq3A = arith.constant 0 : i32
        %eq3A_174 = arith.cmpi eq, %rem3A_173, %eq3A : i32
        %convert_element_type3A_175 = arith.extui %eq3A_174 : i1 to i32
        %cond3A_176 = arith.constant 0 : i32
        %cond3A_177 = arith.cmpi ne, %convert_element_type3A_175, %cond3A_176 : i32
        scf.if %cond3A_177 {
          %add3A_211 = arith.addi %mul3A_2, %select_n3A : i32
          %mul3A_212 = arith.constant 128 : i32
          %mul3A_213 = arith.muli %add3A_211, %mul3A_212 : i32
          %rem3A_214 = arith.constant 2 : i32
          %rem3A_215 = arith.remsi %select_n3A, %rem3A_214 : i32
          "tpu.region"() ({
            %run_scoped3A = tpu.sem_alloc : memref<!tpu.dma_semaphore, #tpu.memory_space<semaphore_mem>>
            %dma_start3A_216 = arith.constant 0 : i32
            %dma_start3A_217 = arith.constant 0 : i32
            %dma_start3A_218 = tpu.memref_slice %arg5[%rem3A_215, %dma_start3A_216, %dma_start3A_217] : memref<2x50x128xi32, #tpu.memory_space<vmem>> -> memref<1x50x128xi32, #tpu.memory_space<vmem>>
            %dma_start3A_219 = tpu.memref_squeeze %dma_start3A_218 : memref<1x50x128xi32, #tpu.memory_space<vmem>> -> memref<50x128xi32, #tpu.memory_space<vmem>>
            %dma_start3A_220 = arith.constant 0 : i32
            %dma_start3A_221 = tpu.memref_slice %arg2[%dma_start3A_220, %mul3A_213] : memref<50x16384xi32, #tpu.memory_space<hbm>> -> memref<50x128xi32, #tpu.memory_space<hbm>>
            %dma_start3A_222 = arith.constant 0 : i32
            %dma_start3A_223 = arith.constant 0 : i32
            %dma_start3A_224 = tpu.memref_slice %arg5[%rem3A_215, %dma_start3A_222, %dma_start3A_223] : memref<2x50x128xi32, #tpu.memory_space<vmem>> -> memref<1x50x128xi32, #tpu.memory_space<vmem>>
            %dma_start3A_225 = tpu.memref_squeeze %dma_start3A_224 : memref<1x50x128xi32, #tpu.memory_space<vmem>> -> memref<50x128xi32, #tpu.memory_space<vmem>>
            %dma_start3A_226 = arith.constant 0 : i32
            %dma_start3A_227 = tpu.memref_slice %arg2[%dma_start3A_226, %mul3A_213] : memref<50x16384xi32, #tpu.memory_space<hbm>> -> memref<50x128xi32, #tpu.memory_space<hbm>>
            tpu.enqueue_dma source(%dma_start3A_227 : memref<50x128xi32, #tpu.memory_space<hbm>>) target(%dma_start3A_225 : memref<50x128xi32, #tpu.memory_space<vmem>>) target_semaphore(%run_scoped3A : memref<!tpu.dma_semaphore, #tpu.memory_space<semaphore_mem>>)
            %dma_wait3A_228 = arith.constant 0 : i32
            %dma_wait3A_229 = arith.constant 0 : i32
            %dma_wait3A_230 = tpu.memref_slice %arg5[%rem3A_215, %dma_wait3A_228, %dma_wait3A_229] : memref<2x50x128xi32, #tpu.memory_space<vmem>> -> memref<1x50x128xi32, #tpu.memory_space<vmem>>
            %dma_wait3A_231 = tpu.memref_squeeze %dma_wait3A_230 : memref<1x50x128xi32, #tpu.memory_space<vmem>> -> memref<50x128xi32, #tpu.memory_space<vmem>>
            %dma_wait3A_232 = arith.constant 0 : i32
            %dma_wait3A_233 = tpu.memref_slice %arg2[%dma_wait3A_232, %mul3A_213] : memref<50x16384xi32, #tpu.memory_space<hbm>> -> memref<50x128xi32, #tpu.memory_space<hbm>>
            %dma_wait3A_234 = arith.constant 0 : i32
            %dma_wait3A_235 = arith.constant 0 : i32
            %dma_wait3A_236 = tpu.memref_slice %arg5[%rem3A_215, %dma_wait3A_234, %dma_wait3A_235] : memref<2x50x128xi32, #tpu.memory_space<vmem>> -> memref<1x50x128xi32, #tpu.memory_space<vmem>>
            %dma_wait3A_237 = tpu.memref_squeeze %dma_wait3A_236 : memref<1x50x128xi32, #tpu.memory_space<vmem>> -> memref<50x128xi32, #tpu.memory_space<vmem>>
            %dma_wait3A_238 = arith.constant 0 : i32
            %dma_wait3A_239 = tpu.memref_slice %arg2[%dma_wait3A_238, %mul3A_213] : memref<50x16384xi32, #tpu.memory_space<hbm>> -> memref<50x128xi32, #tpu.memory_space<hbm>>
            tpu.wait_dma2 semaphore(%run_scoped3A : memref<!tpu.dma_semaphore, #tpu.memory_space<semaphore_mem>>) src(%dma_wait3A_239 : memref<50x128xi32, #tpu.memory_space<hbm>>) dst(%dma_wait3A_237 : memref<50x128xi32, #tpu.memory_space<vmem>>)
            tpu.yield
          }) : () -> ()
        } else {
        }
        %jit3A_178 = arith.constant 50 : i32
        %div3A_179 = arith.divsi %add3A_86, %jit3A_178 : i32
        %sign3A_180 = arith.constant 0 : i32
        %sign3A_181 = arith.cmpi sgt, %add3A_86, %sign3A_180 : i32
        %sign3A_182 = arith.extui %sign3A_181 : i1 to i32
        %sign3A_183 = arith.constant 0 : i32
        %sign3A_184 = arith.cmpi slt, %add3A_86, %sign3A_183 : i32
        %sign3A_185 = arith.extui %sign3A_184 : i1 to i32
        %sign3A_186 = arith.subi %sign3A_182, %sign3A_185 : i32
        %sign3A_187 = arith.constant 0 : i32
        %sign3A_188 = arith.cmpi sgt, %jit3A_178, %sign3A_187 : i32
        %sign3A_189 = arith.extui %sign3A_188 : i1 to i32
        %sign3A_190 = arith.constant 0 : i32
        %sign3A_191 = arith.cmpi slt, %jit3A_178, %sign3A_190 : i32
        %sign3A_192 = arith.extui %sign3A_191 : i1 to i32
        %sign3A_193 = arith.subi %sign3A_189, %sign3A_192 : i32
        %ne3A_194 = arith.cmpi ne, %sign3A_186, %sign3A_193 : i32
        %rem3A_195 = arith.remsi %add3A_86, %jit3A_178 : i32
        %ne3A_196 = arith.constant 0 : i32
        %ne3A_197 = arith.cmpi ne, %rem3A_195, %ne3A_196 : i32
        %and3A_198 = arith.andi %ne3A_194, %ne3A_197 : i1
        %sub3A_199 = arith.constant 1 : i32
        %sub3A_200 = arith.subi %div3A_179, %sub3A_199 : i32
        %select_n3A_201 = arith.select %and3A_198, %sub3A_200, %div3A_179 : i32
        %rem3A_202 = arith.constant 50 : i32
        %rem3A_203 = arith.remsi %add3A_86, %rem3A_202 : i32
        %rem3A_204 = arith.constant 2 : i32
        %rem3A_205 = arith.remsi %select_n3A_201, %rem3A_204 : i32
        %dma_start3A = arith.constant 0 : i32
        %dma_start3A_206 = tpu.memref_slice %arg5[%rem3A_205, %rem3A_203, %dma_start3A] : memref<2x50x128xi32, #tpu.memory_space<vmem>> -> memref<1x1x128xi32, #tpu.memory_space<vmem>>
        %dma_start3A_207 = tpu.memref_squeeze %dma_start3A_206 : memref<1x1x128xi32, #tpu.memory_space<vmem>> -> memref<128xi32, #tpu.memory_space<vmem>>
        %dma_start3A_208 = arith.constant 0 : i32
        %dma_start3A_209 = arith.constant 0 : i32
        %dma_start3A_210 = tpu.memref_slice %arg3[%dma_start3A_208, %dma_start3A_209] : memref<1000000x128xf32, #tpu.memory_space<hbm>> -> memref<1000000x128xf32, #tpu.memory_space<hbm>>
        tpu.enqueue_indirect_dma source(%dma_start3A_210 : memref<1000000x128xf32, #tpu.memory_space<hbm>>) target(%arg7 : memref<128x128xf32, #tpu.memory_space<vmem>>) offsets(%dma_start3A_207 : memref<128xi32, #tpu.memory_space<vmem>>) semaphore(%arg11 : memref<!tpu.dma_semaphore, #tpu.memory_space<semaphore_mem>>)
      } else {
      }
      %sub3A = arith.constant 2 : i32
      %sub3A_89 = arith.subi %add3A_86, %sub3A : i32
      %ge3A = arith.constant 0 : i32
      %ge3A_90 = arith.cmpi sge, %sub3A_89, %ge3A : i32
      %lt3A_91 = arith.constant 200 : i32
      %lt3A_92 = arith.cmpi slt, %sub3A_89, %lt3A_91 : i32
      %and3A = arith.andi %ge3A_90, %lt3A_92 : i1
      %convert_element_type3A_93 = arith.extui %and3A : i1 to i32
      %cond3A_94 = arith.constant 0 : i32
      %cond3A_95 = arith.cmpi ne, %convert_element_type3A_93, %cond3A_94 : i32
      scf.if %cond3A_95 {
        %rem3A_153 = arith.constant 0 : i32
        %rem3A_154 = arith.constant 50 : i32
        %rem3A_155 = arith.remsi %rem3A_153, %rem3A_154 : i32
        %rem3A_156 = arith.constant 0 : i32
        %rem3A_157 = arith.constant 2 : i32
        %rem3A_158 = arith.remsi %rem3A_156, %rem3A_157 : i32
        %dma_wait3A_159 = arith.constant 0 : i32
        %dma_wait3A_160 = tpu.memref_slice %arg5[%rem3A_158, %rem3A_155, %dma_wait3A_159] : memref<2x50x128xi32, #tpu.memory_space<vmem>> -> memref<1x1x128xi32, #tpu.memory_space<vmem>>
        %dma_wait3A_161 = tpu.memref_squeeze %dma_wait3A_160 : memref<1x1x128xi32, #tpu.memory_space<vmem>> -> memref<128xi32, #tpu.memory_space<vmem>>
        %dma_wait3A_162 = arith.constant 0 : i32
        %dma_wait3A_163 = arith.constant 0 : i32
        %dma_wait3A_164 = tpu.memref_slice %arg3[%dma_wait3A_162, %dma_wait3A_163] : memref<1000000x128xf32, #tpu.memory_space<hbm>> -> memref<1000000x128xf32, #tpu.memory_space<hbm>>
        tpu.wait_indirect_dma semaphore(%arg13 : memref<!tpu.dma_semaphore, #tpu.memory_space<semaphore_mem>>) src(%dma_wait3A_164 : memref<1000000x128xf32, #tpu.memory_space<hbm>>) dst(%arg9 : memref<128x128xf32, #tpu.memory_space<vmem>>)
        %ge3A_165 = arith.constant 2 : i32
        %ge3A_166 = arith.cmpi sge, %sub3A_89, %ge3A_165 : i32
        %convert_element_type3A_167 = arith.extui %ge3A_166 : i1 to i32
        %cond3A_168 = arith.constant 0 : i32
        %cond3A_169 = arith.cmpi ne, %convert_element_type3A_167, %cond3A_168 : i32
        scf.if %cond3A_169 {
          %rem3A_214 = arith.constant 0 : i32
          %rem3A_215 = arith.constant 50 : i32
          %rem3A_216 = arith.remsi %rem3A_214, %rem3A_215 : i32
          %add3A_217 = arith.constant 0 : i32
          %add3A_218 = arith.addi %mul3A_2, %add3A_217 : i32
          %dma_wait3A_219 = arith.constant 0 : i32
          %dma_wait3A_220 = arith.constant 0 : i32
          %dma_wait3A_221 = arith.constant 0 : i32
          %dma_wait3A_222 = arith.constant 0 : i32
          %dma_wait3A_223 = tpu.memref_slice %arg6[%dma_wait3A_219, %dma_wait3A_220, %dma_wait3A_221, %dma_wait3A_222] : memref<2x8x8x128xf32, #tpu.memory_space<vmem>> -> memref<1x8x8x128xf32, #tpu.memory_space<vmem>>
          %dma_wait3A_224 = tpu.memref_squeeze %dma_wait3A_223 : memref<1x8x8x128xf32, #tpu.memory_space<vmem>> -> memref<8x8x128xf32, #tpu.memory_space<vmem>>
          %dma_wait3A_225 = arith.constant 0 : i32
          %dma_wait3A_226 = arith.constant 0 : i32
          %dma_wait3A_227 = arith.constant 0 : i32
          %dma_wait3A_228 = tpu.memref_slice %arg4[%rem3A_216, %dma_wait3A_225, %add3A_218, %dma_wait3A_226, %dma_wait3A_227] : memref<50x8x128x8x128xf32, #tpu.memory_space<hbm>> -> memref<1x8x1x8x128xf32, #tpu.memory_space<hbm>>
          %dma_wait3A_229 = tpu.memref_squeeze %dma_wait3A_228 : memref<1x8x1x8x128xf32, #tpu.memory_space<hbm>> -> memref<8x8x128xf32, #tpu.memory_space<hbm>>
          %dma_wait3A_230 = arith.constant 0 : i32
          %dma_wait3A_231 = arith.constant 0 : i32
          %dma_wait3A_232 = arith.constant 0 : i32
          %dma_wait3A_233 = tpu.memref_slice %arg4[%rem3A_216, %dma_wait3A_230, %add3A_218, %dma_wait3A_231, %dma_wait3A_232] : memref<50x8x128x8x128xf32, #tpu.memory_space<hbm>> -> memref<1x8x1x8x128xf32, #tpu.memory_space<hbm>>
          %dma_wait3A_234 = tpu.memref_squeeze %dma_wait3A_233 : memref<1x8x1x8x128xf32, #tpu.memory_space<hbm>> -> memref<8x8x128xf32, #tpu.memory_space<hbm>>
          %dma_wait3A_235 = arith.constant 0 : i32
          %dma_wait3A_236 = arith.constant 0 : i32
          %dma_wait3A_237 = arith.constant 0 : i32
          %dma_wait3A_238 = tpu.memref_slice %arg6[%dma_wait3A_219, %dma_wait3A_235, %dma_wait3A_236, %dma_wait3A_237] : memref<2x8x8x128xf32, #tpu.memory_space<vmem>> -> memref<1x8x8x128xf32, #tpu.memory_space<vmem>>
          %dma_wait3A_239 = tpu.memref_squeeze %dma_wait3A_238 : memref<1x8x8x128xf32, #tpu.memory_space<vmem>> -> memref<8x8x128xf32, #tpu.memory_space<vmem>>
          tpu.wait_dma2 semaphore(%arg15 : memref<!tpu.dma_semaphore, #tpu.memory_space<semaphore_mem>>) src(%dma_wait3A_239 : memref<8x8x128xf32, #tpu.memory_space<vmem>>) dst(%dma_wait3A_234 : memref<8x8x128xf32, #tpu.memory_space<hbm>>)
        } else {
        }
        %parallel_loop3A = arith.constant 0 : i32
        %parallel_loop3A_170 = arith.constant 64 : i32
        %parallel_loop3A_171 = arith.constant 1 : i32
        scf.for %parallel_loop3A_214 = %parallel_loop3A to %parallel_loop3A_170 step %parallel_loop3A_171  : i32 {
          %parallel_loop3A_215 = arith.constant 8 : i32
          %parallel_loop3A_216 = arith.divsi %parallel_loop3A_214, %parallel_loop3A_215 : i32
          %parallel_loop3A_217 = arith.constant 0 : i32
          %parallel_loop3A_218 = arith.cmpi sgt, %parallel_loop3A_214, %parallel_loop3A_217 : i32
          %parallel_loop3A_219 = arith.extui %parallel_loop3A_218 : i1 to i32
          %parallel_loop3A_220 = arith.constant 0 : i32
          %parallel_loop3A_221 = arith.cmpi slt, %parallel_loop3A_214, %parallel_loop3A_220 : i32
          %parallel_loop3A_222 = arith.extui %parallel_loop3A_221 : i1 to i32
          %parallel_loop3A_223 = arith.subi %parallel_loop3A_219, %parallel_loop3A_222 : i32
          %parallel_loop3A_224 = arith.constant 0 : i32
          %parallel_loop3A_225 = arith.cmpi sgt, %parallel_loop3A_215, %parallel_loop3A_224 : i32
          %parallel_loop3A_226 = arith.extui %parallel_loop3A_225 : i1 to i32
          %parallel_loop3A_227 = arith.constant 0 : i32
          %parallel_loop3A_228 = arith.cmpi slt, %parallel_loop3A_215, %parallel_loop3A_227 : i32
          %parallel_loop3A_229 = arith.extui %parallel_loop3A_228 : i1 to i32
          %parallel_loop3A_230 = arith.subi %parallel_loop3A_226, %parallel_loop3A_229 : i32
          %parallel_loop3A_231 = arith.cmpi ne, %parallel_loop3A_223, %parallel_loop3A_230 : i32
          %parallel_loop3A_232 = arith.remsi %parallel_loop3A_214, %parallel_loop3A_215 : i32
          %parallel_loop3A_233 = arith.constant 0 : i32
          %parallel_loop3A_234 = arith.cmpi ne, %parallel_loop3A_232, %parallel_loop3A_233 : i32
          %parallel_loop3A_235 = arith.andi %parallel_loop3A_231, %parallel_loop3A_234 : i1
          %parallel_loop3A_236 = arith.constant 1 : i32
          %parallel_loop3A_237 = arith.subi %parallel_loop3A_216, %parallel_loop3A_236 : i32
          %parallel_loop3A_238 = arith.select %parallel_loop3A_235, %parallel_loop3A_237, %parallel_loop3A_216 : i32
          %parallel_loop3A_239 = arith.constant 8 : i32
          %parallel_loop3A_240 = arith.remsi %parallel_loop3A_214, %parallel_loop3A_239 : i32
          %parallel_loop3A_241 = vector.broadcast %parallel_loop3A_214 : i32 to vector<16xi32>
          %parallel_loop3A_242 = tpu.vector_load_idx %arg9[%add3A_5, %parallel_loop3A_241] : memref<128x128xf32, #tpu.memory_space<vmem>>[vector<16xi32>, vector<16xi32>], vector<16xf32>,
          %parallel_loop3A_243 = arith.constant 0 : i32
          %parallel_loop3A_244 = arith.index_cast %parallel_loop3A_243 : i32 to index
          %parallel_loop3A_245 = arith.index_cast %parallel_loop3A_238 : i32 to index
          %parallel_loop3A_246 = arith.index_cast %parallel_loop3A_240 : i32 to index
          %parallel_loop3A_247 = arith.constant 0 : index
          %parallel_loop3A_248 = tpu.vector_load %arg6[%parallel_loop3A_244, %parallel_loop3A_245, %parallel_loop3A_246, %parallel_loop3A_247] {strides = array<i32>} : memref<2x8x8x128xf32, #tpu.memory_space<vmem>>, vector<16xf32>,
          tpu.vector_store %arg6[%parallel_loop3A_244, %parallel_loop3A_245, %parallel_loop3A_246, %parallel_loop3A_247], %parallel_loop3A_242 {strides = array<i32>} : memref<2x8x8x128xf32, #tpu.memory_space<vmem>>, vector<16xf32>,
          %parallel_loop3A_249 = tpu.vector_load_idx %arg9[%add3A_8, %parallel_loop3A_241] : memref<128x128xf32, #tpu.memory_space<vmem>>[vector<16xi32>, vector<16xi32>], vector<16xf32>,
          %parallel_loop3A_250 = arith.constant 0 : i32
          %parallel_loop3A_251 = arith.index_cast %parallel_loop3A_250 : i32 to index
          %parallel_loop3A_252 = arith.index_cast %parallel_loop3A_238 : i32 to index
          %parallel_loop3A_253 = arith.index_cast %parallel_loop3A_240 : i32 to index
          %parallel_loop3A_254 = arith.constant 16 : index
          %parallel_loop3A_255 = tpu.vector_load %arg6[%parallel_loop3A_251, %parallel_loop3A_252, %parallel_loop3A_253, %parallel_loop3A_254] {strides = array<i32>} : memref<2x8x8x128xf32, #tpu.memory_space<vmem>>, vector<16xf32>,
          tpu.vector_store %arg6[%parallel_loop3A_251, %parallel_loop3A_252, %parallel_loop3A_253, %parallel_loop3A_254], %parallel_loop3A_249 {strides = array<i32>} : memref<2x8x8x128xf32, #tpu.memory_space<vmem>>, vector<16xf32>,
          %parallel_loop3A_256 = tpu.vector_load_idx %arg9[%add3A_11, %parallel_loop3A_241] : memref<128x128xf32, #tpu.memory_space<vmem>>[vector<16xi32>, vector<16xi32>], vector<16xf32>,
          %parallel_loop3A_257 = arith.constant 0 : i32
          %parallel_loop3A_258 = arith.index_cast %parallel_loop3A_257 : i32 to index
          %parallel_loop3A_259 = arith.index_cast %parallel_loop3A_238 : i32 to index
          %parallel_loop3A_260 = arith.index_cast %parallel_loop3A_240 : i32 to index
          %parallel_loop3A_261 = arith.constant 32 : index
          %parallel_loop3A_262 = tpu.vector_load %arg6[%parallel_loop3A_258, %parallel_loop3A_259, %parallel_loop3A_260, %parallel_loop3A_261] {strides = array<i32>} : memref<2x8x8x128xf32, #tpu.memory_space<vmem>>, vector<16xf32>,
          tpu.vector_store %arg6[%parallel_loop3A_258, %parallel_loop3A_259, %parallel_loop3A_260, %parallel_loop3A_261], %parallel_loop3A_256 {strides = array<i32>} : memref<2x8x8x128xf32, #tpu.memory_space<vmem>>, vector<16xf32>,
          %parallel_loop3A_263 = tpu.vector_load_idx %arg9[%add3A_14, %parallel_loop3A_241] : memref<128x128xf32, #tpu.memory_space<vmem>>[vector<16xi32>, vector<16xi32>], vector<16xf32>,
          %parallel_loop3A_264 = arith.constant 0 : i32
          %parallel_loop3A_265 = arith.index_cast %parallel_loop3A_264 : i32 to index
          %parallel_loop3A_266 = arith.index_cast %parallel_loop3A_238 : i32 to index
          %parallel_loop3A_267 = arith.index_cast %parallel_loop3A_240 : i32 to index
          %parallel_loop3A_268 = arith.constant 48 : index
          %parallel_loop3A_269 = tpu.vector_load %arg6[%parallel_loop3A_265, %parallel_loop3A_266, %parallel_loop3A_267, %parallel_loop3A_268] {strides = array<i32>} : memref<2x8x8x128xf32, #tpu.memory_space<vmem>>, vector<16xf32>,
          tpu.vector_store %arg6[%parallel_loop3A_265, %parallel_loop3A_266, %parallel_loop3A_267, %parallel_loop3A_268], %parallel_loop3A_263 {strides = array<i32>} : memref<2x8x8x128xf32, #tpu.memory_space<vmem>>, vector<16xf32>,
          %parallel_loop3A_270 = tpu.vector_load_idx %arg9[%add3A_17, %parallel_loop3A_241] : memref<128x128xf32, #tpu.memory_space<vmem>>[vector<16xi32>, vector<16xi32>], vector<16xf32>,
          %parallel_loop3A_271 = arith.constant 0 : i32
          %parallel_loop3A_272 = arith.index_cast %parallel_loop3A_271 : i32 to index
          %parallel_loop3A_273 = arith.index_cast %parallel_loop3A_238 : i32 to index
          %parallel_loop3A_274 = arith.index_cast %parallel_loop3A_240 : i32 to index
          %parallel_loop3A_275 = arith.constant 64 : index
          %parallel_loop3A_276 = tpu.vector_load %arg6[%parallel_loop3A_272, %parallel_loop3A_273, %parallel_loop3A_274, %parallel_loop3A_275] {strides = array<i32>} : memref<2x8x8x128xf32, #tpu.memory_space<vmem>>, vector<16xf32>,
          tpu.vector_store %arg6[%parallel_loop3A_272, %parallel_loop3A_273, %parallel_loop3A_274, %parallel_loop3A_275], %parallel_loop3A_270 {strides = array<i32>} : memref<2x8x8x128xf32, #tpu.memory_space<vmem>>, vector<16xf32>,
          %parallel_loop3A_277 = tpu.vector_load_idx %arg9[%add3A_20, %parallel_loop3A_241] : memref<128x128xf32, #tpu.memory_space<vmem>>[vector<16xi32>, vector<16xi32>], vector<16xf32>,
          %parallel_loop3A_278 = arith.constant 0 : i32
          %parallel_loop3A_279 = arith.index_cast %parallel_loop3A_278 : i32 to index
          %parallel_loop3A_280 = arith.index_cast %parallel_loop3A_238 : i32 to index
          %parallel_loop3A_281 = arith.index_cast %parallel_loop3A_240 : i32 to index
          %parallel_loop3A_282 = arith.constant 80 : index
          %parallel_loop3A_283 = tpu.vector_load %arg6[%parallel_loop3A_279, %parallel_loop3A_280, %parallel_loop3A_281, %parallel_loop3A_282] {strides = array<i32>} : memref<2x8x8x128xf32, #tpu.memory_space<vmem>>, vector<16xf32>,
          tpu.vector_store %arg6[%parallel_loop3A_279, %parallel_loop3A_280, %parallel_loop3A_281, %parallel_loop3A_282], %parallel_loop3A_277 {strides = array<i32>} : memref<2x8x8x128xf32, #tpu.memory_space<vmem>>, vector<16xf32>,
          %parallel_loop3A_284 = tpu.vector_load_idx %arg9[%add3A_23, %parallel_loop3A_241] : memref<128x128xf32, #tpu.memory_space<vmem>>[vector<16xi32>, vector<16xi32>], vector<16xf32>,
          %parallel_loop3A_285 = arith.constant 0 : i32
          %parallel_loop3A_286 = arith.index_cast %parallel_loop3A_285 : i32 to index
          %parallel_loop3A_287 = arith.index_cast %parallel_loop3A_238 : i32 to index
          %parallel_loop3A_288 = arith.index_cast %parallel_loop3A_240 : i32 to index
          %parallel_loop3A_289 = arith.constant 96 : index
          %parallel_loop3A_290 = tpu.vector_load %arg6[%parallel_loop3A_286, %parallel_loop3A_287, %parallel_loop3A_288, %parallel_loop3A_289] {strides = array<i32>} : memref<2x8x8x128xf32, #tpu.memory_space<vmem>>, vector<16xf32>,
          tpu.vector_store %arg6[%parallel_loop3A_286, %parallel_loop3A_287, %parallel_loop3A_288, %parallel_loop3A_289], %parallel_loop3A_284 {strides = array<i32>} : memref<2x8x8x128xf32, #tpu.memory_space<vmem>>, vector<16xf32>,
          %parallel_loop3A_291 = tpu.vector_load_idx %arg9[%add3A_26, %parallel_loop3A_241] : memref<128x128xf32, #tpu.memory_space<vmem>>[vector<16xi32>, vector<16xi32>], vector<16xf32>,
          %parallel_loop3A_292 = arith.constant 0 : i32
          %parallel_loop3A_293 = arith.index_cast %parallel_loop3A_292 : i32 to index
          %parallel_loop3A_294 = arith.index_cast %parallel_loop3A_238 : i32 to index
          %parallel_loop3A_295 = arith.index_cast %parallel_loop3A_240 : i32 to index
          %parallel_loop3A_296 = arith.constant 112 : index
          %parallel_loop3A_297 = tpu.vector_load %arg6[%parallel_loop3A_293, %parallel_loop3A_294, %parallel_loop3A_295, %parallel_loop3A_296] {strides = array<i32>} : memref<2x8x8x128xf32, #tpu.memory_space<vmem>>, vector<16xf32>,
          tpu.vector_store %arg6[%parallel_loop3A_293, %parallel_loop3A_294, %parallel_loop3A_295, %parallel_loop3A_296], %parallel_loop3A_291 {strides = array<i32>} : memref<2x8x8x128xf32, #tpu.memory_space<vmem>>, vector<16xf32>,
        } {sc.loop_unroll_factor = 8 : i64, sc.parallel_access}
        %jit3A = arith.constant 50 : i32
        %div3A = arith.divsi %sub3A_89, %jit3A : i32
        %sign3A = arith.constant 0 : i32
        %sign3A_172 = arith.cmpi sgt, %sub3A_89, %sign3A : i32
        %sign3A_173 = arith.extui %sign3A_172 : i1 to i32
        %sign3A_174 = arith.constant 0 : i32
        %sign3A_175 = arith.cmpi slt, %sub3A_89, %sign3A_174 : i32
        %sign3A_176 = arith.extui %sign3A_175 : i1 to i32
        %sign3A_177 = arith.subi %sign3A_173, %sign3A_176 : i32
        %sign3A_178 = arith.constant 0 : i32
        %sign3A_179 = arith.cmpi sgt, %jit3A, %sign3A_178 : i32
        %sign3A_180 = arith.extui %sign3A_179 : i1 to i32
        %sign3A_181 = arith.constant 0 : i32
        %sign3A_182 = arith.cmpi slt, %jit3A, %sign3A_181 : i32
        %sign3A_183 = arith.extui %sign3A_182 : i1 to i32
        %sign3A_184 = arith.subi %sign3A_180, %sign3A_183 : i32
        %ne3A = arith.cmpi ne, %sign3A_177, %sign3A_184 : i32
        %rem3A_185 = arith.remsi %sub3A_89, %jit3A : i32
        %ne3A_186 = arith.constant 0 : i32
        %ne3A_187 = arith.cmpi ne, %rem3A_185, %ne3A_186 : i32
        %and3A_188 = arith.andi %ne3A, %ne3A_187 : i1
        %sub3A_189 = arith.constant 1 : i32
        %sub3A_190 = arith.subi %div3A, %sub3A_189 : i32
        %select_n3A = arith.select %and3A_188, %sub3A_190, %div3A : i32
        %rem3A_191 = arith.constant 50 : i32
        %rem3A_192 = arith.remsi %sub3A_89, %rem3A_191 : i32
        %add3A_193 = arith.addi %mul3A_2, %select_n3A : i32
        %dma_start3A = arith.constant 0 : i32
        %dma_start3A_194 = arith.constant 0 : i32
        %dma_start3A_195 = arith.constant 0 : i32
        %dma_start3A_196 = arith.constant 0 : i32
        %dma_start3A_197 = tpu.memref_slice %arg6[%dma_start3A, %dma_start3A_194, %dma_start3A_195, %dma_start3A_196] : memref<2x8x8x128xf32, #tpu.memory_space<vmem>> -> memref<1x8x8x128xf32, #tpu.memory_space<vmem>>
        %dma_start3A_198 = tpu.memref_squeeze %dma_start3A_197 : memref<1x8x8x128xf32, #tpu.memory_space<vmem>> -> memref<8x8x128xf32, #tpu.memory_space<vmem>>
        %dma_start3A_199 = arith.constant 0 : i32
        %dma_start3A_200 = arith.constant 0 : i32
        %dma_start3A_201 = arith.constant 0 : i32
        %dma_start3A_202 = tpu.memref_slice %arg4[%rem3A_192, %dma_start3A_199, %add3A_193, %dma_start3A_200, %dma_start3A_201] : memref<50x8x128x8x128xf32, #tpu.memory_space<hbm>> -> memref<1x8x1x8x128xf32, #tpu.memory_space<hbm>>
        %dma_start3A_203 = tpu.memref_squeeze %dma_start3A_202 : memref<1x8x1x8x128xf32, #tpu.memory_space<hbm>> -> memref<8x8x128xf32, #tpu.memory_space<hbm>>
        %dma_start3A_204 = arith.constant 0 : i32
        %dma_start3A_205 = arith.constant 0 : i32
        %dma_start3A_206 = arith.constant 0 : i32
        %dma_start3A_207 = tpu.memref_slice %arg4[%rem3A_192, %dma_start3A_204, %add3A_193, %dma_start3A_205, %dma_start3A_206] : memref<50x8x128x8x128xf32, #tpu.memory_space<hbm>> -> memref<1x8x1x8x128xf32, #tpu.memory_space<hbm>>
        %dma_start3A_208 = tpu.memref_squeeze %dma_start3A_207 : memref<1x8x1x8x128xf32, #tpu.memory_space<hbm>> -> memref<8x8x128xf32, #tpu.memory_space<hbm>>
        %dma_start3A_209 = arith.constant 0 : i32
        %dma_start3A_210 = arith.constant 0 : i32
        %dma_start3A_211 = arith.constant 0 : i32
        %dma_start3A_212 = tpu.memref_slice %arg6[%dma_start3A, %dma_start3A_209, %dma_start3A_210, %dma_start3A_211] : memref<2x8x8x128xf32, #tpu.memory_space<vmem>> -> memref<1x8x8x128xf32, #tpu.memory_space<vmem>>
        %dma_start3A_213 = tpu.memref_squeeze %dma_start3A_212 : memref<1x8x8x128xf32, #tpu.memory_space<vmem>> -> memref<8x8x128xf32, #tpu.memory_space<vmem>>
        tpu.enqueue_dma source(%dma_start3A_213 : memref<8x8x128xf32, #tpu.memory_space<vmem>>) target(%dma_start3A_208 : memref<8x8x128xf32, #tpu.memory_space<hbm>>) target_semaphore(%arg15 : memref<!tpu.dma_semaphore, #tpu.memory_space<semaphore_mem>>)
      } else {
      }
      %mul3A_96 = arith.constant 4 : i32
      %mul3A_97 = arith.muli %scan3A_82, %mul3A_96 : i32
      %add3A_98 = arith.constant 1 : i32
      %add3A_99 = arith.addi %mul3A_97, %add3A_98 : i32
      %lt3A_100 = arith.constant 200 : i32
      %lt3A_101 = arith.cmpi slt, %add3A_99, %lt3A_100 : i32
      %convert_element_type3A_102 = arith.extui %lt3A_101 : i1 to i32
      %cond3A_103 = arith.constant 0 : i32
      %cond3A_104 = arith.cmpi ne, %convert_element_type3A_102, %cond3A_103 : i32
      scf.if %cond3A_104 {
        %jit3A = arith.constant 50 : i32
        %div3A = arith.divsi %add3A_99, %jit3A : i32
        %sign3A = arith.constant 0 : i32
        %sign3A_153 = arith.cmpi sgt, %add3A_99, %sign3A : i32
        %sign3A_154 = arith.extui %sign3A_153 : i1 to i32
        %sign3A_155 = arith.constant 0 : i32
        %sign3A_156 = arith.cmpi slt, %add3A_99, %sign3A_155 : i32
        %sign3A_157 = arith.extui %sign3A_156 : i1 to i32
        %sign3A_158 = arith.subi %sign3A_154, %sign3A_157 : i32
        %sign3A_159 = arith.constant 0 : i32
        %sign3A_160 = arith.cmpi sgt, %jit3A, %sign3A_159 : i32
        %sign3A_161 = arith.extui %sign3A_160 : i1 to i32
        %sign3A_162 = arith.constant 0 : i32
        %sign3A_163 = arith.cmpi slt, %jit3A, %sign3A_162 : i32
        %sign3A_164 = arith.extui %sign3A_163 : i1 to i32
        %sign3A_165 = arith.subi %sign3A_161, %sign3A_164 : i32
        %ne3A = arith.cmpi ne, %sign3A_158, %sign3A_165 : i32
        %rem3A_166 = arith.remsi %add3A_99, %jit3A : i32
        %ne3A_167 = arith.constant 0 : i32
        %ne3A_168 = arith.cmpi ne, %rem3A_166, %ne3A_167 : i32
        %and3A_169 = arith.andi %ne3A, %ne3A_168 : i1
        %sub3A_170 = arith.constant 1 : i32
        %sub3A_171 = arith.subi %div3A, %sub3A_170 : i32
        %select_n3A = arith.select %and3A_169, %sub3A_171, %div3A : i32
        %rem3A_172 = arith.constant 50 : i32
        %rem3A_173 = arith.remsi %add3A_99, %rem3A_172 : i32
        %eq3A = arith.constant 0 : i32
        %eq3A_174 = arith.cmpi eq, %rem3A_173, %eq3A : i32
        %convert_element_type3A_175 = arith.extui %eq3A_174 : i1 to i32
        %cond3A_176 = arith.constant 0 : i32
        %cond3A_177 = arith.cmpi ne, %convert_element_type3A_175, %cond3A_176 : i32
        scf.if %cond3A_177 {
          %add3A_211 = arith.addi %mul3A_2, %select_n3A : i32
          %mul3A_212 = arith.constant 128 : i32
          %mul3A_213 = arith.muli %add3A_211, %mul3A_212 : i32
          %rem3A_214 = arith.constant 2 : i32
          %rem3A_215 = arith.remsi %select_n3A, %rem3A_214 : i32
          "tpu.region"() ({
            %run_scoped3A = tpu.sem_alloc : memref<!tpu.dma_semaphore, #tpu.memory_space<semaphore_mem>>
            %dma_start3A_216 = arith.constant 0 : i32
            %dma_start3A_217 = arith.constant 0 : i32
            %dma_start3A_218 = tpu.memref_slice %arg5[%rem3A_215, %dma_start3A_216, %dma_start3A_217] : memref<2x50x128xi32, #tpu.memory_space<vmem>> -> memref<1x50x128xi32, #tpu.memory_space<vmem>>
            %dma_start3A_219 = tpu.memref_squeeze %dma_start3A_218 : memref<1x50x128xi32, #tpu.memory_space<vmem>> -> memref<50x128xi32, #tpu.memory_space<vmem>>
            %dma_start3A_220 = arith.constant 0 : i32
            %dma_start3A_221 = tpu.memref_slice %arg2[%dma_start3A_220, %mul3A_213] : memref<50x16384xi32, #tpu.memory_space<hbm>> -> memref<50x128xi32, #tpu.memory_space<hbm>>
            %dma_start3A_222 = arith.constant 0 : i32
            %dma_start3A_223 = arith.constant 0 : i32
            %dma_start3A_224 = tpu.memref_slice %arg5[%rem3A_215, %dma_start3A_222, %dma_start3A_223] : memref<2x50x128xi32, #tpu.memory_space<vmem>> -> memref<1x50x128xi32, #tpu.memory_space<vmem>>
            %dma_start3A_225 = tpu.memref_squeeze %dma_start3A_224 : memref<1x50x128xi32, #tpu.memory_space<vmem>> -> memref<50x128xi32, #tpu.memory_space<vmem>>
            %dma_start3A_226 = arith.constant 0 : i32
            %dma_start3A_227 = tpu.memref_slice %arg2[%dma_start3A_226, %mul3A_213] : memref<50x16384xi32, #tpu.memory_space<hbm>> -> memref<50x128xi32, #tpu.memory_space<hbm>>
            tpu.enqueue_dma source(%dma_start3A_227 : memref<50x128xi32, #tpu.memory_space<hbm>>) target(%dma_start3A_225 : memref<50x128xi32, #tpu.memory_space<vmem>>) target_semaphore(%run_scoped3A : memref<!tpu.dma_semaphore, #tpu.memory_space<semaphore_mem>>)
            %dma_wait3A_228 = arith.constant 0 : i32
            %dma_wait3A_229 = arith.constant 0 : i32
            %dma_wait3A_230 = tpu.memref_slice %arg5[%rem3A_215, %dma_wait3A_228, %dma_wait3A_229] : memref<2x50x128xi32, #tpu.memory_space<vmem>> -> memref<1x50x128xi32, #tpu.memory_space<vmem>>
            %dma_wait3A_231 = tpu.memref_squeeze %dma_wait3A_230 : memref<1x50x128xi32, #tpu.memory_space<vmem>> -> memref<50x128xi32, #tpu.memory_space<vmem>>
            %dma_wait3A_232 = arith.constant 0 : i32
            %dma_wait3A_233 = tpu.memref_slice %arg2[%dma_wait3A_232, %mul3A_213] : memref<50x16384xi32, #tpu.memory_space<hbm>> -> memref<50x128xi32, #tpu.memory_space<hbm>>
            %dma_wait3A_234 = arith.constant 0 : i32
            %dma_wait3A_235 = arith.constant 0 : i32
            %dma_wait3A_236 = tpu.memref_slice %arg5[%rem3A_215, %dma_wait3A_234, %dma_wait3A_235] : memref<2x50x128xi32, #tpu.memory_space<vmem>> -> memref<1x50x128xi32, #tpu.memory_space<vmem>>
            %dma_wait3A_237 = tpu.memref_squeeze %dma_wait3A_236 : memref<1x50x128xi32, #tpu.memory_space<vmem>> -> memref<50x128xi32, #tpu.memory_space<vmem>>
            %dma_wait3A_238 = arith.constant 0 : i32
            %dma_wait3A_239 = tpu.memref_slice %arg2[%dma_wait3A_238, %mul3A_213] : memref<50x16384xi32, #tpu.memory_space<hbm>> -> memref<50x128xi32, #tpu.memory_space<hbm>>
            tpu.wait_dma2 semaphore(%run_scoped3A : memref<!tpu.dma_semaphore, #tpu.memory_space<semaphore_mem>>) src(%dma_wait3A_239 : memref<50x128xi32, #tpu.memory_space<hbm>>) dst(%dma_wait3A_237 : memref<50x128xi32, #tpu.memory_space<vmem>>)
            tpu.yield
          }) : () -> ()
        } else {
        }
        %jit3A_178 = arith.constant 50 : i32
        %div3A_179 = arith.divsi %add3A_99, %jit3A_178 : i32
        %sign3A_180 = arith.constant 0 : i32
        %sign3A_181 = arith.cmpi sgt, %add3A_99, %sign3A_180 : i32
        %sign3A_182 = arith.extui %sign3A_181 : i1 to i32
        %sign3A_183 = arith.constant 0 : i32
        %sign3A_184 = arith.cmpi slt, %add3A_99, %sign3A_183 : i32
        %sign3A_185 = arith.extui %sign3A_184 : i1 to i32
        %sign3A_186 = arith.subi %sign3A_182, %sign3A_185 : i32
        %sign3A_187 = arith.constant 0 : i32
        %sign3A_188 = arith.cmpi sgt, %jit3A_178, %sign3A_187 : i32
        %sign3A_189 = arith.extui %sign3A_188 : i1 to i32
        %sign3A_190 = arith.constant 0 : i32
        %sign3A_191 = arith.cmpi slt, %jit3A_178, %sign3A_190 : i32
        %sign3A_192 = arith.extui %sign3A_191 : i1 to i32
        %sign3A_193 = arith.subi %sign3A_189, %sign3A_192 : i32
        %ne3A_194 = arith.cmpi ne, %sign3A_186, %sign3A_193 : i32
        %rem3A_195 = arith.remsi %add3A_99, %jit3A_178 : i32
        %ne3A_196 = arith.constant 0 : i32
        %ne3A_197 = arith.cmpi ne, %rem3A_195, %ne3A_196 : i32
        %and3A_198 = arith.andi %ne3A_194, %ne3A_197 : i1
        %sub3A_199 = arith.constant 1 : i32
        %sub3A_200 = arith.subi %div3A_179, %sub3A_199 : i32
        %select_n3A_201 = arith.select %and3A_198, %sub3A_200, %div3A_179 : i32
        %rem3A_202 = arith.constant 50 : i32
        %rem3A_203 = arith.remsi %add3A_99, %rem3A_202 : i32
        %rem3A_204 = arith.constant 2 : i32
        %rem3A_205 = arith.remsi %select_n3A_201, %rem3A_204 : i32
        %dma_start3A = arith.constant 0 : i32
        %dma_start3A_206 = tpu.memref_slice %arg5[%rem3A_205, %rem3A_203, %dma_start3A] : memref<2x50x128xi32, #tpu.memory_space<vmem>> -> memref<1x1x128xi32, #tpu.memory_space<vmem>>
        %dma_start3A_207 = tpu.memref_squeeze %dma_start3A_206 : memref<1x1x128xi32, #tpu.memory_space<vmem>> -> memref<128xi32, #tpu.memory_space<vmem>>
        %dma_start3A_208 = arith.constant 0 : i32
        %dma_start3A_209 = arith.constant 0 : i32
        %dma_start3A_210 = tpu.memref_slice %arg3[%dma_start3A_208, %dma_start3A_209] : memref<1000000x128xf32, #tpu.memory_space<hbm>> -> memref<1000000x128xf32, #tpu.memory_space<hbm>>
        tpu.enqueue_indirect_dma source(%dma_start3A_210 : memref<1000000x128xf32, #tpu.memory_space<hbm>>) target(%arg8 : memref<128x128xf32, #tpu.memory_space<vmem>>) offsets(%dma_start3A_207 : memref<128xi32, #tpu.memory_space<vmem>>) semaphore(%arg12 : memref<!tpu.dma_semaphore, #tpu.memory_space<semaphore_mem>>)
      } else {
      }
      %sub3A_105 = arith.constant 2 : i32
      %sub3A_106 = arith.subi %add3A_99, %sub3A_105 : i32
      %ge3A_107 = arith.constant 0 : i32
      %ge3A_108 = arith.cmpi sge, %sub3A_106, %ge3A_107 : i32
      %lt3A_109 = arith.constant 200 : i32
      %lt3A_110 = arith.cmpi slt, %sub3A_106, %lt3A_109 : i32
      %and3A_111 = arith.andi %ge3A_108, %lt3A_110 : i1
      %convert_element_type3A_112 = arith.extui %and3A_111 : i1 to i32
      %cond3A_113 = arith.constant 0 : i32
      %cond3A_114 = arith.cmpi ne, %convert_element_type3A_112, %cond3A_113 : i32
      scf.if %cond3A_114 {
        %rem3A_153 = arith.constant 0 : i32
        %rem3A_154 = arith.constant 50 : i32
        %rem3A_155 = arith.remsi %rem3A_153, %rem3A_154 : i32
        %rem3A_156 = arith.constant 0 : i32
        %rem3A_157 = arith.constant 2 : i32
        %rem3A_158 = arith.remsi %rem3A_156, %rem3A_157 : i32
        %dma_wait3A_159 = arith.constant 0 : i32
        %dma_wait3A_160 = tpu.memref_slice %arg5[%rem3A_158, %rem3A_155, %dma_wait3A_159] : memref<2x50x128xi32, #tpu.memory_space<vmem>> -> memref<1x1x128xi32, #tpu.memory_space<vmem>>
        %dma_wait3A_161 = tpu.memref_squeeze %dma_wait3A_160 : memref<1x1x128xi32, #tpu.memory_space<vmem>> -> memref<128xi32, #tpu.memory_space<vmem>>
        %dma_wait3A_162 = arith.constant 0 : i32
        %dma_wait3A_163 = arith.constant 0 : i32
        %dma_wait3A_164 = tpu.memref_slice %arg3[%dma_wait3A_162, %dma_wait3A_163] : memref<1000000x128xf32, #tpu.memory_space<hbm>> -> memref<1000000x128xf32, #tpu.memory_space<hbm>>
        tpu.wait_indirect_dma semaphore(%arg14 : memref<!tpu.dma_semaphore, #tpu.memory_space<semaphore_mem>>) src(%dma_wait3A_164 : memref<1000000x128xf32, #tpu.memory_space<hbm>>) dst(%arg10 : memref<128x128xf32, #tpu.memory_space<vmem>>)
        %ge3A_165 = arith.constant 2 : i32
        %ge3A_166 = arith.cmpi sge, %sub3A_106, %ge3A_165 : i32
        %convert_element_type3A_167 = arith.extui %ge3A_166 : i1 to i32
        %cond3A_168 = arith.constant 0 : i32
        %cond3A_169 = arith.cmpi ne, %convert_element_type3A_167, %cond3A_168 : i32
        scf.if %cond3A_169 {
          %rem3A_214 = arith.constant 0 : i32
          %rem3A_215 = arith.constant 50 : i32
          %rem3A_216 = arith.remsi %rem3A_214, %rem3A_215 : i32
          %add3A_217 = arith.constant 0 : i32
          %add3A_218 = arith.addi %mul3A_2, %add3A_217 : i32
          %dma_wait3A_219 = arith.constant 1 : i32
          %dma_wait3A_220 = arith.constant 0 : i32
          %dma_wait3A_221 = arith.constant 0 : i32
          %dma_wait3A_222 = arith.constant 0 : i32
          %dma_wait3A_223 = tpu.memref_slice %arg6[%dma_wait3A_219, %dma_wait3A_220, %dma_wait3A_221, %dma_wait3A_222] : memref<2x8x8x128xf32, #tpu.memory_space<vmem>> -> memref<1x8x8x128xf32, #tpu.memory_space<vmem>>
          %dma_wait3A_224 = tpu.memref_squeeze %dma_wait3A_223 : memref<1x8x8x128xf32, #tpu.memory_space<vmem>> -> memref<8x8x128xf32, #tpu.memory_space<vmem>>
          %dma_wait3A_225 = arith.constant 0 : i32
          %dma_wait3A_226 = arith.constant 0 : i32
          %dma_wait3A_227 = arith.constant 0 : i32
          %dma_wait3A_228 = tpu.memref_slice %arg4[%rem3A_216, %dma_wait3A_225, %add3A_218, %dma_wait3A_226, %dma_wait3A_227] : memref<50x8x128x8x128xf32, #tpu.memory_space<hbm>> -> memref<1x8x1x8x128xf32, #tpu.memory_space<hbm>>
          %dma_wait3A_229 = tpu.memref_squeeze %dma_wait3A_228 : memref<1x8x1x8x128xf32, #tpu.memory_space<hbm>> -> memref<8x8x128xf32, #tpu.memory_space<hbm>>
          %dma_wait3A_230 = arith.constant 0 : i32
          %dma_wait3A_231 = arith.constant 0 : i32
          %dma_wait3A_232 = arith.constant 0 : i32
          %dma_wait3A_233 = tpu.memref_slice %arg4[%rem3A_216, %dma_wait3A_230, %add3A_218, %dma_wait3A_231, %dma_wait3A_232] : memref<50x8x128x8x128xf32, #tpu.memory_space<hbm>> -> memref<1x8x1x8x128xf32, #tpu.memory_space<hbm>>
          %dma_wait3A_234 = tpu.memref_squeeze %dma_wait3A_233 : memref<1x8x1x8x128xf32, #tpu.memory_space<hbm>> -> memref<8x8x128xf32, #tpu.memory_space<hbm>>
          %dma_wait3A_235 = arith.constant 0 : i32
          %dma_wait3A_236 = arith.constant 0 : i32
          %dma_wait3A_237 = arith.constant 0 : i32
          %dma_wait3A_238 = tpu.memref_slice %arg6[%dma_wait3A_219, %dma_wait3A_235, %dma_wait3A_236, %dma_wait3A_237] : memref<2x8x8x128xf32, #tpu.memory_space<vmem>> -> memref<1x8x8x128xf32, #tpu.memory_space<vmem>>
          %dma_wait3A_239 = tpu.memref_squeeze %dma_wait3A_238 : memref<1x8x8x128xf32, #tpu.memory_space<vmem>> -> memref<8x8x128xf32, #tpu.memory_space<vmem>>
          tpu.wait_dma2 semaphore(%arg16 : memref<!tpu.dma_semaphore, #tpu.memory_space<semaphore_mem>>) src(%dma_wait3A_239 : memref<8x8x128xf32, #tpu.memory_space<vmem>>) dst(%dma_wait3A_234 : memref<8x8x128xf32, #tpu.memory_space<hbm>>)
        } else {
        }
        %parallel_loop3A = arith.constant 0 : i32
        %parallel_loop3A_170 = arith.constant 64 : i32
        %parallel_loop3A_171 = arith.constant 1 : i32
        scf.for %parallel_loop3A_214 = %parallel_loop3A to %parallel_loop3A_170 step %parallel_loop3A_171  : i32 {
          %parallel_loop3A_215 = arith.constant 8 : i32
          %parallel_loop3A_216 = arith.divsi %parallel_loop3A_214, %parallel_loop3A_215 : i32
          %parallel_loop3A_217 = arith.constant 0 : i32
          %parallel_loop3A_218 = arith.cmpi sgt, %parallel_loop3A_214, %parallel_loop3A_217 : i32
          %parallel_loop3A_219 = arith.extui %parallel_loop3A_218 : i1 to i32
          %parallel_loop3A_220 = arith.constant 0 : i32
          %parallel_loop3A_221 = arith.cmpi slt, %parallel_loop3A_214, %parallel_loop3A_220 : i32
          %parallel_loop3A_222 = arith.extui %parallel_loop3A_221 : i1 to i32
          %parallel_loop3A_223 = arith.subi %parallel_loop3A_219, %parallel_loop3A_222 : i32
          %parallel_loop3A_224 = arith.constant 0 : i32
          %parallel_loop3A_225 = arith.cmpi sgt, %parallel_loop3A_215, %parallel_loop3A_224 : i32
          %parallel_loop3A_226 = arith.extui %parallel_loop3A_225 : i1 to i32
          %parallel_loop3A_227 = arith.constant 0 : i32
          %parallel_loop3A_228 = arith.cmpi slt, %parallel_loop3A_215, %parallel_loop3A_227 : i32
          %parallel_loop3A_229 = arith.extui %parallel_loop3A_228 : i1 to i32
          %parallel_loop3A_230 = arith.subi %parallel_loop3A_226, %parallel_loop3A_229 : i32
          %parallel_loop3A_231 = arith.cmpi ne, %parallel_loop3A_223, %parallel_loop3A_230 : i32
          %parallel_loop3A_232 = arith.remsi %parallel_loop3A_214, %parallel_loop3A_215 : i32
          %parallel_loop3A_233 = arith.constant 0 : i32
          %parallel_loop3A_234 = arith.cmpi ne, %parallel_loop3A_232, %parallel_loop3A_233 : i32
          %parallel_loop3A_235 = arith.andi %parallel_loop3A_231, %parallel_loop3A_234 : i1
          %parallel_loop3A_236 = arith.constant 1 : i32
          %parallel_loop3A_237 = arith.subi %parallel_loop3A_216, %parallel_loop3A_236 : i32
          %parallel_loop3A_238 = arith.select %parallel_loop3A_235, %parallel_loop3A_237, %parallel_loop3A_216 : i32
          %parallel_loop3A_239 = arith.constant 8 : i32
          %parallel_loop3A_240 = arith.remsi %parallel_loop3A_214, %parallel_loop3A_239 : i32
          %parallel_loop3A_241 = vector.broadcast %parallel_loop3A_214 : i32 to vector<16xi32>
          %parallel_loop3A_242 = tpu.vector_load_idx %arg10[%add3A_5, %parallel_loop3A_241] : memref<128x128xf32, #tpu.memory_space<vmem>>[vector<16xi32>, vector<16xi32>], vector<16xf32>,
          %parallel_loop3A_243 = arith.constant 1 : i32
          %parallel_loop3A_244 = arith.index_cast %parallel_loop3A_243 : i32 to index
          %parallel_loop3A_245 = arith.index_cast %parallel_loop3A_238 : i32 to index
          %parallel_loop3A_246 = arith.index_cast %parallel_loop3A_240 : i32 to index
          %parallel_loop3A_247 = arith.constant 0 : index
          %parallel_loop3A_248 = tpu.vector_load %arg6[%parallel_loop3A_244, %parallel_loop3A_245, %parallel_loop3A_246, %parallel_loop3A_247] {strides = array<i32>} : memref<2x8x8x128xf32, #tpu.memory_space<vmem>>, vector<16xf32>,
          tpu.vector_store %arg6[%parallel_loop3A_244, %parallel_loop3A_245, %parallel_loop3A_246, %parallel_loop3A_247], %parallel_loop3A_242 {strides = array<i32>} : memref<2x8x8x128xf32, #tpu.memory_space<vmem>>, vector<16xf32>,
          %parallel_loop3A_249 = tpu.vector_load_idx %arg10[%add3A_8, %parallel_loop3A_241] : memref<128x128xf32, #tpu.memory_space<vmem>>[vector<16xi32>, vector<16xi32>], vector<16xf32>,
          %parallel_loop3A_250 = arith.constant 1 : i32
          %parallel_loop3A_251 = arith.index_cast %parallel_loop3A_250 : i32 to index
          %parallel_loop3A_252 = arith.index_cast %parallel_loop3A_238 : i32 to index
          %parallel_loop3A_253 = arith.index_cast %parallel_loop3A_240 : i32 to index
          %parallel_loop3A_254 = arith.constant 16 : index
          %parallel_loop3A_255 = tpu.vector_load %arg6[%parallel_loop3A_251, %parallel_loop3A_252, %parallel_loop3A_253, %parallel_loop3A_254] {strides = array<i32>} : memref<2x8x8x128xf32, #tpu.memory_space<vmem>>, vector<16xf32>,
          tpu.vector_store %arg6[%parallel_loop3A_251, %parallel_loop3A_252, %parallel_loop3A_253, %parallel_loop3A_254], %parallel_loop3A_249 {strides = array<i32>} : memref<2x8x8x128xf32, #tpu.memory_space<vmem>>, vector<16xf32>,
          %parallel_loop3A_256 = tpu.vector_load_idx %arg10[%add3A_11, %parallel_loop3A_241] : memref<128x128xf32, #tpu.memory_space<vmem>>[vector<16xi32>, vector<16xi32>], vector<16xf32>,
          %parallel_loop3A_257 = arith.constant 1 : i32
          %parallel_loop3A_258 = arith.index_cast %parallel_loop3A_257 : i32 to index
          %parallel_loop3A_259 = arith.index_cast %parallel_loop3A_238 : i32 to index
          %parallel_loop3A_260 = arith.index_cast %parallel_loop3A_240 : i32 to index
          %parallel_loop3A_261 = arith.constant 32 : index
          %parallel_loop3A_262 = tpu.vector_load %arg6[%parallel_loop3A_258, %parallel_loop3A_259, %parallel_loop3A_260, %parallel_loop3A_261] {strides = array<i32>} : memref<2x8x8x128xf32, #tpu.memory_space<vmem>>, vector<16xf32>,
          tpu.vector_store %arg6[%parallel_loop3A_258, %parallel_loop3A_259, %parallel_loop3A_260, %parallel_loop3A_261], %parallel_loop3A_256 {strides = array<i32>} : memref<2x8x8x128xf32, #tpu.memory_space<vmem>>, vector<16xf32>,
          %parallel_loop3A_263 = tpu.vector_load_idx %arg10[%add3A_14, %parallel_loop3A_241] : memref<128x128xf32, #tpu.memory_space<vmem>>[vector<16xi32>, vector<16xi32>], vector<16xf32>,
          %parallel_loop3A_264 = arith.constant 1 : i32
          %parallel_loop3A_265 = arith.index_cast %parallel_loop3A_264 : i32 to index
          %parallel_loop3A_266 = arith.index_cast %parallel_loop3A_238 : i32 to index
          %parallel_loop3A_267 = arith.index_cast %parallel_loop3A_240 : i32 to index
          %parallel_loop3A_268 = arith.constant 48 : index
          %parallel_loop3A_269 = tpu.vector_load %arg6[%parallel_loop3A_265, %parallel_loop3A_266, %parallel_loop3A_267, %parallel_loop3A_268] {strides = array<i32>} : memref<2x8x8x128xf32, #tpu.memory_space<vmem>>, vector<16xf32>,
          tpu.vector_store %arg6[%parallel_loop3A_265, %parallel_loop3A_266, %parallel_loop3A_267, %parallel_loop3A_268], %parallel_loop3A_263 {strides = array<i32>} : memref<2x8x8x128xf32, #tpu.memory_space<vmem>>, vector<16xf32>,
          %parallel_loop3A_270 = tpu.vector_load_idx %arg10[%add3A_17, %parallel_loop3A_241] : memref<128x128xf32, #tpu.memory_space<vmem>>[vector<16xi32>, vector<16xi32>], vector<16xf32>,
          %parallel_loop3A_271 = arith.constant 1 : i32
          %parallel_loop3A_272 = arith.index_cast %parallel_loop3A_271 : i32 to index
          %parallel_loop3A_273 = arith.index_cast %parallel_loop3A_238 : i32 to index
          %parallel_loop3A_274 = arith.index_cast %parallel_loop3A_240 : i32 to index
          %parallel_loop3A_275 = arith.constant 64 : index
          %parallel_loop3A_276 = tpu.vector_load %arg6[%parallel_loop3A_272, %parallel_loop3A_273, %parallel_loop3A_274, %parallel_loop3A_275] {strides = array<i32>} : memref<2x8x8x128xf32, #tpu.memory_space<vmem>>, vector<16xf32>,
          tpu.vector_store %arg6[%parallel_loop3A_272, %parallel_loop3A_273, %parallel_loop3A_274, %parallel_loop3A_275], %parallel_loop3A_270 {strides = array<i32>} : memref<2x8x8x128xf32, #tpu.memory_space<vmem>>, vector<16xf32>,
          %parallel_loop3A_277 = tpu.vector_load_idx %arg10[%add3A_20, %parallel_loop3A_241] : memref<128x128xf32, #tpu.memory_space<vmem>>[vector<16xi32>, vector<16xi32>], vector<16xf32>,
          %parallel_loop3A_278 = arith.constant 1 : i32
          %parallel_loop3A_279 = arith.index_cast %parallel_loop3A_278 : i32 to index
          %parallel_loop3A_280 = arith.index_cast %parallel_loop3A_238 : i32 to index
          %parallel_loop3A_281 = arith.index_cast %parallel_loop3A_240 : i32 to index
          %parallel_loop3A_282 = arith.constant 80 : index
          %parallel_loop3A_283 = tpu.vector_load %arg6[%parallel_loop3A_279, %parallel_loop3A_280, %parallel_loop3A_281, %parallel_loop3A_282] {strides = array<i32>} : memref<2x8x8x128xf32, #tpu.memory_space<vmem>>, vector<16xf32>,
          tpu.vector_store %arg6[%parallel_loop3A_279, %parallel_loop3A_280, %parallel_loop3A_281, %parallel_loop3A_282], %parallel_loop3A_277 {strides = array<i32>} : memref<2x8x8x128xf32, #tpu.memory_space<vmem>>, vector<16xf32>,
          %parallel_loop3A_284 = tpu.vector_load_idx %arg10[%add3A_23, %parallel_loop3A_241] : memref<128x128xf32, #tpu.memory_space<vmem>>[vector<16xi32>, vector<16xi32>], vector<16xf32>,
          %parallel_loop3A_285 = arith.constant 1 : i32
          %parallel_loop3A_286 = arith.index_cast %parallel_loop3A_285 : i32 to index
          %parallel_loop3A_287 = arith.index_cast %parallel_loop3A_238 : i32 to index
          %parallel_loop3A_288 = arith.index_cast %parallel_loop3A_240 : i32 to index
          %parallel_loop3A_289 = arith.constant 96 : index
          %parallel_loop3A_290 = tpu.vector_load %arg6[%parallel_loop3A_286, %parallel_loop3A_287, %parallel_loop3A_288, %parallel_loop3A_289] {strides = array<i32>} : memref<2x8x8x128xf32, #tpu.memory_space<vmem>>, vector<16xf32>,
          tpu.vector_store %arg6[%parallel_loop3A_286, %parallel_loop3A_287, %parallel_loop3A_288, %parallel_loop3A_289], %parallel_loop3A_284 {strides = array<i32>} : memref<2x8x8x128xf32, #tpu.memory_space<vmem>>, vector<16xf32>,
          %parallel_loop3A_291 = tpu.vector_load_idx %arg10[%add3A_26, %parallel_loop3A_241] : memref<128x128xf32, #tpu.memory_space<vmem>>[vector<16xi32>, vector<16xi32>], vector<16xf32>,
          %parallel_loop3A_292 = arith.constant 1 : i32
          %parallel_loop3A_293 = arith.index_cast %parallel_loop3A_292 : i32 to index
          %parallel_loop3A_294 = arith.index_cast %parallel_loop3A_238 : i32 to index
          %parallel_loop3A_295 = arith.index_cast %parallel_loop3A_240 : i32 to index
          %parallel_loop3A_296 = arith.constant 112 : index
          %parallel_loop3A_297 = tpu.vector_load %arg6[%parallel_loop3A_293, %parallel_loop3A_294, %parallel_loop3A_295, %parallel_loop3A_296] {strides = array<i32>} : memref<2x8x8x128xf32, #tpu.memory_space<vmem>>, vector<16xf32>,
          tpu.vector_store %arg6[%parallel_loop3A_293, %parallel_loop3A_294, %parallel_loop3A_295, %parallel_loop3A_296], %parallel_loop3A_291 {strides = array<i32>} : memref<2x8x8x128xf32, #tpu.memory_space<vmem>>, vector<16xf32>,
        } {sc.loop_unroll_factor = 8 : i64, sc.parallel_access}
        %jit3A = arith.constant 50 : i32
        %div3A = arith.divsi %sub3A_106, %jit3A : i32
        %sign3A = arith.constant 0 : i32
        %sign3A_172 = arith.cmpi sgt, %sub3A_106, %sign3A : i32
        %sign3A_173 = arith.extui %sign3A_172 : i1 to i32
        %sign3A_174 = arith.constant 0 : i32
        %sign3A_175 = arith.cmpi slt, %sub3A_106, %sign3A_174 : i32
        %sign3A_176 = arith.extui %sign3A_175 : i1 to i32
        %sign3A_177 = arith.subi %sign3A_173, %sign3A_176 : i32
        %sign3A_178 = arith.constant 0 : i32
        %sign3A_179 = arith.cmpi sgt, %jit3A, %sign3A_178 : i32
        %sign3A_180 = arith.extui %sign3A_179 : i1 to i32
        %sign3A_181 = arith.constant 0 : i32
        %sign3A_182 = arith.cmpi slt, %jit3A, %sign3A_181 : i32
        %sign3A_183 = arith.extui %sign3A_182 : i1 to i32
        %sign3A_184 = arith.subi %sign3A_180, %sign3A_183 : i32
        %ne3A = arith.cmpi ne, %sign3A_177, %sign3A_184 : i32
        %rem3A_185 = arith.remsi %sub3A_106, %jit3A : i32
        %ne3A_186 = arith.constant 0 : i32
        %ne3A_187 = arith.cmpi ne, %rem3A_185, %ne3A_186 : i32
        %and3A_188 = arith.andi %ne3A, %ne3A_187 : i1
        %sub3A_189 = arith.constant 1 : i32
        %sub3A_190 = arith.subi %div3A, %sub3A_189 : i32
        %select_n3A = arith.select %and3A_188, %sub3A_190, %div3A : i32
        %rem3A_191 = arith.constant 50 : i32
        %rem3A_192 = arith.remsi %sub3A_106, %rem3A_191 : i32
        %add3A_193 = arith.addi %mul3A_2, %select_n3A : i32
        %dma_start3A = arith.constant 1 : i32
        %dma_start3A_194 = arith.constant 0 : i32
        %dma_start3A_195 = arith.constant 0 : i32
        %dma_start3A_196 = arith.constant 0 : i32
        %dma_start3A_197 = tpu.memref_slice %arg6[%dma_start3A, %dma_start3A_194, %dma_start3A_195, %dma_start3A_196] : memref<2x8x8x128xf32, #tpu.memory_space<vmem>> -> memref<1x8x8x128xf32, #tpu.memory_space<vmem>>
        %dma_start3A_198 = tpu.memref_squeeze %dma_start3A_197 : memref<1x8x8x128xf32, #tpu.memory_space<vmem>> -> memref<8x8x128xf32, #tpu.memory_space<vmem>>
        %dma_start3A_199 = arith.constant 0 : i32
        %dma_start3A_200 = arith.constant 0 : i32
        %dma_start3A_201 = arith.constant 0 : i32
        %dma_start3A_202 = tpu.memref_slice %arg4[%rem3A_192, %dma_start3A_199, %add3A_193, %dma_start3A_200, %dma_start3A_201] : memref<50x8x128x8x128xf32, #tpu.memory_space<hbm>> -> memref<1x8x1x8x128xf32, #tpu.memory_space<hbm>>
        %dma_start3A_203 = tpu.memref_squeeze %dma_start3A_202 : memref<1x8x1x8x128xf32, #tpu.memory_space<hbm>> -> memref<8x8x128xf32, #tpu.memory_space<hbm>>
        %dma_start3A_204 = arith.constant 0 : i32
        %dma_start3A_205 = arith.constant 0 : i32
        %dma_start3A_206 = arith.constant 0 : i32
        %dma_start3A_207 = tpu.memref_slice %arg4[%rem3A_192, %dma_start3A_204, %add3A_193, %dma_start3A_205, %dma_start3A_206] : memref<50x8x128x8x128xf32, #tpu.memory_space<hbm>> -> memref<1x8x1x8x128xf32, #tpu.memory_space<hbm>>
        %dma_start3A_208 = tpu.memref_squeeze %dma_start3A_207 : memref<1x8x1x8x128xf32, #tpu.memory_space<hbm>> -> memref<8x8x128xf32, #tpu.memory_space<hbm>>
        %dma_start3A_209 = arith.constant 0 : i32
        %dma_start3A_210 = arith.constant 0 : i32
        %dma_start3A_211 = arith.constant 0 : i32
        %dma_start3A_212 = tpu.memref_slice %arg6[%dma_start3A, %dma_start3A_209, %dma_start3A_210, %dma_start3A_211] : memref<2x8x8x128xf32, #tpu.memory_space<vmem>> -> memref<1x8x8x128xf32, #tpu.memory_space<vmem>>
        %dma_start3A_213 = tpu.memref_squeeze %dma_start3A_212 : memref<1x8x8x128xf32, #tpu.memory_space<vmem>> -> memref<8x8x128xf32, #tpu.memory_space<vmem>>
        tpu.enqueue_dma source(%dma_start3A_213 : memref<8x8x128xf32, #tpu.memory_space<vmem>>) target(%dma_start3A_208 : memref<8x8x128xf32, #tpu.memory_space<hbm>>) target_semaphore(%arg16 : memref<!tpu.dma_semaphore, #tpu.memory_space<semaphore_mem>>)
      } else {
      }
      %mul3A_115 = arith.constant 4 : i32
      %mul3A_116 = arith.muli %scan3A_82, %mul3A_115 : i32
      %add3A_117 = arith.constant 2 : i32
      %add3A_118 = arith.addi %mul3A_116, %add3A_117 : i32
      %lt3A_119 = arith.constant 200 : i32
      %lt3A_120 = arith.cmpi slt, %add3A_118, %lt3A_119 : i32
      %convert_element_type3A_121 = arith.extui %lt3A_120 : i1 to i32
      %cond3A_122 = arith.constant 0 : i32
      %cond3A_123 = arith.cmpi ne, %convert_element_type3A_121, %cond3A_122 : i32
      scf.if %cond3A_123 {
        %jit3A = arith.constant 50 : i32
        %div3A = arith.divsi %add3A_118, %jit3A : i32
        %sign3A = arith.constant 0 : i32
        %sign3A_153 = arith.cmpi sgt, %add3A_118, %sign3A : i32
        %sign3A_154 = arith.extui %sign3A_153 : i1 to i32
        %sign3A_155 = arith.constant 0 : i32
        %sign3A_156 = arith.cmpi slt, %add3A_118, %sign3A_155 : i32
        %sign3A_157 = arith.extui %sign3A_156 : i1 to i32
        %sign3A_158 = arith.subi %sign3A_154, %sign3A_157 : i32
        %sign3A_159 = arith.constant 0 : i32
        %sign3A_160 = arith.cmpi sgt, %jit3A, %sign3A_159 : i32
        %sign3A_161 = arith.extui %sign3A_160 : i1 to i32
        %sign3A_162 = arith.constant 0 : i32
        %sign3A_163 = arith.cmpi slt, %jit3A, %sign3A_162 : i32
        %sign3A_164 = arith.extui %sign3A_163 : i1 to i32
        %sign3A_165 = arith.subi %sign3A_161, %sign3A_164 : i32
        %ne3A = arith.cmpi ne, %sign3A_158, %sign3A_165 : i32
        %rem3A_166 = arith.remsi %add3A_118, %jit3A : i32
        %ne3A_167 = arith.constant 0 : i32
        %ne3A_168 = arith.cmpi ne, %rem3A_166, %ne3A_167 : i32
        %and3A_169 = arith.andi %ne3A, %ne3A_168 : i1
        %sub3A_170 = arith.constant 1 : i32
        %sub3A_171 = arith.subi %div3A, %sub3A_170 : i32
        %select_n3A = arith.select %and3A_169, %sub3A_171, %div3A : i32
        %rem3A_172 = arith.constant 50 : i32
        %rem3A_173 = arith.remsi %add3A_118, %rem3A_172 : i32
        %eq3A = arith.constant 0 : i32
        %eq3A_174 = arith.cmpi eq, %rem3A_173, %eq3A : i32
        %convert_element_type3A_175 = arith.extui %eq3A_174 : i1 to i32
        %cond3A_176 = arith.constant 0 : i32
        %cond3A_177 = arith.cmpi ne, %convert_element_type3A_175, %cond3A_176 : i32
        scf.if %cond3A_177 {
          %add3A_211 = arith.addi %mul3A_2, %select_n3A : i32
          %mul3A_212 = arith.constant 128 : i32
          %mul3A_213 = arith.muli %add3A_211, %mul3A_212 : i32
          %rem3A_214 = arith.constant 2 : i32
          %rem3A_215 = arith.remsi %select_n3A, %rem3A_214 : i32
          "tpu.region"() ({
            %run_scoped3A = tpu.sem_alloc : memref<!tpu.dma_semaphore, #tpu.memory_space<semaphore_mem>>
            %dma_start3A_216 = arith.constant 0 : i32
            %dma_start3A_217 = arith.constant 0 : i32
            %dma_start3A_218 = tpu.memref_slice %arg5[%rem3A_215, %dma_start3A_216, %dma_start3A_217] : memref<2x50x128xi32, #tpu.memory_space<vmem>> -> memref<1x50x128xi32, #tpu.memory_space<vmem>>
            %dma_start3A_219 = tpu.memref_squeeze %dma_start3A_218 : memref<1x50x128xi32, #tpu.memory_space<vmem>> -> memref<50x128xi32, #tpu.memory_space<vmem>>
            %dma_start3A_220 = arith.constant 0 : i32
            %dma_start3A_221 = tpu.memref_slice %arg2[%dma_start3A_220, %mul3A_213] : memref<50x16384xi32, #tpu.memory_space<hbm>> -> memref<50x128xi32, #tpu.memory_space<hbm>>
            %dma_start3A_222 = arith.constant 0 : i32
            %dma_start3A_223 = arith.constant 0 : i32
            %dma_start3A_224 = tpu.memref_slice %arg5[%rem3A_215, %dma_start3A_222, %dma_start3A_223] : memref<2x50x128xi32, #tpu.memory_space<vmem>> -> memref<1x50x128xi32, #tpu.memory_space<vmem>>
            %dma_start3A_225 = tpu.memref_squeeze %dma_start3A_224 : memref<1x50x128xi32, #tpu.memory_space<vmem>> -> memref<50x128xi32, #tpu.memory_space<vmem>>
            %dma_start3A_226 = arith.constant 0 : i32
            %dma_start3A_227 = tpu.memref_slice %arg2[%dma_start3A_226, %mul3A_213] : memref<50x16384xi32, #tpu.memory_space<hbm>> -> memref<50x128xi32, #tpu.memory_space<hbm>>
            tpu.enqueue_dma source(%dma_start3A_227 : memref<50x128xi32, #tpu.memory_space<hbm>>) target(%dma_start3A_225 : memref<50x128xi32, #tpu.memory_space<vmem>>) target_semaphore(%run_scoped3A : memref<!tpu.dma_semaphore, #tpu.memory_space<semaphore_mem>>)
            %dma_wait3A_228 = arith.constant 0 : i32
            %dma_wait3A_229 = arith.constant 0 : i32
            %dma_wait3A_230 = tpu.memref_slice %arg5[%rem3A_215, %dma_wait3A_228, %dma_wait3A_229] : memref<2x50x128xi32, #tpu.memory_space<vmem>> -> memref<1x50x128xi32, #tpu.memory_space<vmem>>
            %dma_wait3A_231 = tpu.memref_squeeze %dma_wait3A_230 : memref<1x50x128xi32, #tpu.memory_space<vmem>> -> memref<50x128xi32, #tpu.memory_space<vmem>>
            %dma_wait3A_232 = arith.constant 0 : i32
            %dma_wait3A_233 = tpu.memref_slice %arg2[%dma_wait3A_232, %mul3A_213] : memref<50x16384xi32, #tpu.memory_space<hbm>> -> memref<50x128xi32, #tpu.memory_space<hbm>>
            %dma_wait3A_234 = arith.constant 0 : i32
            %dma_wait3A_235 = arith.constant 0 : i32
            %dma_wait3A_236 = tpu.memref_slice %arg5[%rem3A_215, %dma_wait3A_234, %dma_wait3A_235] : memref<2x50x128xi32, #tpu.memory_space<vmem>> -> memref<1x50x128xi32, #tpu.memory_space<vmem>>
            %dma_wait3A_237 = tpu.memref_squeeze %dma_wait3A_236 : memref<1x50x128xi32, #tpu.memory_space<vmem>> -> memref<50x128xi32, #tpu.memory_space<vmem>>
            %dma_wait3A_238 = arith.constant 0 : i32
            %dma_wait3A_239 = tpu.memref_slice %arg2[%dma_wait3A_238, %mul3A_213] : memref<50x16384xi32, #tpu.memory_space<hbm>> -> memref<50x128xi32, #tpu.memory_space<hbm>>
            tpu.wait_dma2 semaphore(%run_scoped3A : memref<!tpu.dma_semaphore, #tpu.memory_space<semaphore_mem>>) src(%dma_wait3A_239 : memref<50x128xi32, #tpu.memory_space<hbm>>) dst(%dma_wait3A_237 : memref<50x128xi32, #tpu.memory_space<vmem>>)
            tpu.yield
          }) : () -> ()
        } else {
        }
        %jit3A_178 = arith.constant 50 : i32
        %div3A_179 = arith.divsi %add3A_118, %jit3A_178 : i32
        %sign3A_180 = arith.constant 0 : i32
        %sign3A_181 = arith.cmpi sgt, %add3A_118, %sign3A_180 : i32
        %sign3A_182 = arith.extui %sign3A_181 : i1 to i32
        %sign3A_183 = arith.constant 0 : i32
        %sign3A_184 = arith.cmpi slt, %add3A_118, %sign3A_183 : i32
        %sign3A_185 = arith.extui %sign3A_184 : i1 to i32
        %sign3A_186 = arith.subi %sign3A_182, %sign3A_185 : i32
        %sign3A_187 = arith.constant 0 : i32
        %sign3A_188 = arith.cmpi sgt, %jit3A_178, %sign3A_187 : i32
        %sign3A_189 = arith.extui %sign3A_188 : i1 to i32
        %sign3A_190 = arith.constant 0 : i32
        %sign3A_191 = arith.cmpi slt, %jit3A_178, %sign3A_190 : i32
        %sign3A_192 = arith.extui %sign3A_191 : i1 to i32
        %sign3A_193 = arith.subi %sign3A_189, %sign3A_192 : i32
        %ne3A_194 = arith.cmpi ne, %sign3A_186, %sign3A_193 : i32
        %rem3A_195 = arith.remsi %add3A_118, %jit3A_178 : i32
        %ne3A_196 = arith.constant 0 : i32
        %ne3A_197 = arith.cmpi ne, %rem3A_195, %ne3A_196 : i32
        %and3A_198 = arith.andi %ne3A_194, %ne3A_197 : i1
        %sub3A_199 = arith.constant 1 : i32
        %sub3A_200 = arith.subi %div3A_179, %sub3A_199 : i32
        %select_n3A_201 = arith.select %and3A_198, %sub3A_200, %div3A_179 : i32
        %rem3A_202 = arith.constant 50 : i32
        %rem3A_203 = arith.remsi %add3A_118, %rem3A_202 : i32
        %rem3A_204 = arith.constant 2 : i32
        %rem3A_205 = arith.remsi %select_n3A_201, %rem3A_204 : i32
        %dma_start3A = arith.constant 0 : i32
        %dma_start3A_206 = tpu.memref_slice %arg5[%rem3A_205, %rem3A_203, %dma_start3A] : memref<2x50x128xi32, #tpu.memory_space<vmem>> -> memref<1x1x128xi32, #tpu.memory_space<vmem>>
        %dma_start3A_207 = tpu.memref_squeeze %dma_start3A_206 : memref<1x1x128xi32, #tpu.memory_space<vmem>> -> memref<128xi32, #tpu.memory_space<vmem>>
        %dma_start3A_208 = arith.constant 0 : i32
        %dma_start3A_209 = arith.constant 0 : i32
        %dma_start3A_210 = tpu.memref_slice %arg3[%dma_start3A_208, %dma_start3A_209] : memref<1000000x128xf32, #tpu.memory_space<hbm>> -> memref<1000000x128xf32, #tpu.memory_space<hbm>>
        tpu.enqueue_indirect_dma source(%dma_start3A_210 : memref<1000000x128xf32, #tpu.memory_space<hbm>>) target(%arg9 : memref<128x128xf32, #tpu.memory_space<vmem>>) offsets(%dma_start3A_207 : memref<128xi32, #tpu.memory_space<vmem>>) semaphore(%arg13 : memref<!tpu.dma_semaphore, #tpu.memory_space<semaphore_mem>>)
      } else {
      }
      %sub3A_124 = arith.constant 2 : i32
      %sub3A_125 = arith.subi %add3A_118, %sub3A_124 : i32
      %ge3A_126 = arith.constant 0 : i32
      %ge3A_127 = arith.cmpi sge, %sub3A_125, %ge3A_126 : i32
      %lt3A_128 = arith.constant 200 : i32
      %lt3A_129 = arith.cmpi slt, %sub3A_125, %lt3A_128 : i32
      %and3A_130 = arith.andi %ge3A_127, %lt3A_129 : i1
      %convert_element_type3A_131 = arith.extui %and3A_130 : i1 to i32
      %cond3A_132 = arith.constant 0 : i32
      %cond3A_133 = arith.cmpi ne, %convert_element_type3A_131, %cond3A_132 : i32
      scf.if %cond3A_133 {
        %rem3A_153 = arith.constant 0 : i32
        %rem3A_154 = arith.constant 50 : i32
        %rem3A_155 = arith.remsi %rem3A_153, %rem3A_154 : i32
        %rem3A_156 = arith.constant 0 : i32
        %rem3A_157 = arith.constant 2 : i32
        %rem3A_158 = arith.remsi %rem3A_156, %rem3A_157 : i32
        %dma_wait3A_159 = arith.constant 0 : i32
        %dma_wait3A_160 = tpu.memref_slice %arg5[%rem3A_158, %rem3A_155, %dma_wait3A_159] : memref<2x50x128xi32, #tpu.memory_space<vmem>> -> memref<1x1x128xi32, #tpu.memory_space<vmem>>
        %dma_wait3A_161 = tpu.memref_squeeze %dma_wait3A_160 : memref<1x1x128xi32, #tpu.memory_space<vmem>> -> memref<128xi32, #tpu.memory_space<vmem>>
        %dma_wait3A_162 = arith.constant 0 : i32
        %dma_wait3A_163 = arith.constant 0 : i32
        %dma_wait3A_164 = tpu.memref_slice %arg3[%dma_wait3A_162, %dma_wait3A_163] : memref<1000000x128xf32, #tpu.memory_space<hbm>> -> memref<1000000x128xf32, #tpu.memory_space<hbm>>
        tpu.wait_indirect_dma semaphore(%arg11 : memref<!tpu.dma_semaphore, #tpu.memory_space<semaphore_mem>>) src(%dma_wait3A_164 : memref<1000000x128xf32, #tpu.memory_space<hbm>>) dst(%arg7 : memref<128x128xf32, #tpu.memory_space<vmem>>)
        %ge3A_165 = arith.constant 2 : i32
        %ge3A_166 = arith.cmpi sge, %sub3A_125, %ge3A_165 : i32
        %convert_element_type3A_167 = arith.extui %ge3A_166 : i1 to i32
        %cond3A_168 = arith.constant 0 : i32
        %cond3A_169 = arith.cmpi ne, %convert_element_type3A_167, %cond3A_168 : i32
        scf.if %cond3A_169 {
          %rem3A_214 = arith.constant 0 : i32
          %rem3A_215 = arith.constant 50 : i32
          %rem3A_216 = arith.remsi %rem3A_214, %rem3A_215 : i32
          %add3A_217 = arith.constant 0 : i32
          %add3A_218 = arith.addi %mul3A_2, %add3A_217 : i32
          %dma_wait3A_219 = arith.constant 0 : i32
          %dma_wait3A_220 = arith.constant 0 : i32
          %dma_wait3A_221 = arith.constant 0 : i32
          %dma_wait3A_222 = arith.constant 0 : i32
          %dma_wait3A_223 = tpu.memref_slice %arg6[%dma_wait3A_219, %dma_wait3A_220, %dma_wait3A_221, %dma_wait3A_222] : memref<2x8x8x128xf32, #tpu.memory_space<vmem>> -> memref<1x8x8x128xf32, #tpu.memory_space<vmem>>
          %dma_wait3A_224 = tpu.memref_squeeze %dma_wait3A_223 : memref<1x8x8x128xf32, #tpu.memory_space<vmem>> -> memref<8x8x128xf32, #tpu.memory_space<vmem>>
          %dma_wait3A_225 = arith.constant 0 : i32
          %dma_wait3A_226 = arith.constant 0 : i32
          %dma_wait3A_227 = arith.constant 0 : i32
          %dma_wait3A_228 = tpu.memref_slice %arg4[%rem3A_216, %dma_wait3A_225, %add3A_218, %dma_wait3A_226, %dma_wait3A_227] : memref<50x8x128x8x128xf32, #tpu.memory_space<hbm>> -> memref<1x8x1x8x128xf32, #tpu.memory_space<hbm>>
          %dma_wait3A_229 = tpu.memref_squeeze %dma_wait3A_228 : memref<1x8x1x8x128xf32, #tpu.memory_space<hbm>> -> memref<8x8x128xf32, #tpu.memory_space<hbm>>
          %dma_wait3A_230 = arith.constant 0 : i32
          %dma_wait3A_231 = arith.constant 0 : i32
          %dma_wait3A_232 = arith.constant 0 : i32
          %dma_wait3A_233 = tpu.memref_slice %arg4[%rem3A_216, %dma_wait3A_230, %add3A_218, %dma_wait3A_231, %dma_wait3A_232] : memref<50x8x128x8x128xf32, #tpu.memory_space<hbm>> -> memref<1x8x1x8x128xf32, #tpu.memory_space<hbm>>
          %dma_wait3A_234 = tpu.memref_squeeze %dma_wait3A_233 : memref<1x8x1x8x128xf32, #tpu.memory_space<hbm>> -> memref<8x8x128xf32, #tpu.memory_space<hbm>>
          %dma_wait3A_235 = arith.constant 0 : i32
          %dma_wait3A_236 = arith.constant 0 : i32
          %dma_wait3A_237 = arith.constant 0 : i32
          %dma_wait3A_238 = tpu.memref_slice %arg6[%dma_wait3A_219, %dma_wait3A_235, %dma_wait3A_236, %dma_wait3A_237] : memref<2x8x8x128xf32, #tpu.memory_space<vmem>> -> memref<1x8x8x128xf32, #tpu.memory_space<vmem>>
          %dma_wait3A_239 = tpu.memref_squeeze %dma_wait3A_238 : memref<1x8x8x128xf32, #tpu.memory_space<vmem>> -> memref<8x8x128xf32, #tpu.memory_space<vmem>>
          tpu.wait_dma2 semaphore(%arg15 : memref<!tpu.dma_semaphore, #tpu.memory_space<semaphore_mem>>) src(%dma_wait3A_239 : memref<8x8x128xf32, #tpu.memory_space<vmem>>) dst(%dma_wait3A_234 : memref<8x8x128xf32, #tpu.memory_space<hbm>>)
        } else {
        }
        %parallel_loop3A = arith.constant 0 : i32
        %parallel_loop3A_170 = arith.constant 64 : i32
        %parallel_loop3A_171 = arith.constant 1 : i32
        scf.for %parallel_loop3A_214 = %parallel_loop3A to %parallel_loop3A_170 step %parallel_loop3A_171  : i32 {
          %parallel_loop3A_215 = arith.constant 8 : i32
          %parallel_loop3A_216 = arith.divsi %parallel_loop3A_214, %parallel_loop3A_215 : i32
          %parallel_loop3A_217 = arith.constant 0 : i32
          %parallel_loop3A_218 = arith.cmpi sgt, %parallel_loop3A_214, %parallel_loop3A_217 : i32
          %parallel_loop3A_219 = arith.extui %parallel_loop3A_218 : i1 to i32
          %parallel_loop3A_220 = arith.constant 0 : i32
          %parallel_loop3A_221 = arith.cmpi slt, %parallel_loop3A_214, %parallel_loop3A_220 : i32
          %parallel_loop3A_222 = arith.extui %parallel_loop3A_221 : i1 to i32
          %parallel_loop3A_223 = arith.subi %parallel_loop3A_219, %parallel_loop3A_222 : i32
          %parallel_loop3A_224 = arith.constant 0 : i32
          %parallel_loop3A_225 = arith.cmpi sgt, %parallel_loop3A_215, %parallel_loop3A_224 : i32
          %parallel_loop3A_226 = arith.extui %parallel_loop3A_225 : i1 to i32
          %parallel_loop3A_227 = arith.constant 0 : i32
          %parallel_loop3A_228 = arith.cmpi slt, %parallel_loop3A_215, %parallel_loop3A_227 : i32
          %parallel_loop3A_229 = arith.extui %parallel_loop3A_228 : i1 to i32
          %parallel_loop3A_230 = arith.subi %parallel_loop3A_226, %parallel_loop3A_229 : i32
          %parallel_loop3A_231 = arith.cmpi ne, %parallel_loop3A_223, %parallel_loop3A_230 : i32
          %parallel_loop3A_232 = arith.remsi %parallel_loop3A_214, %parallel_loop3A_215 : i32
          %parallel_loop3A_233 = arith.constant 0 : i32
          %parallel_loop3A_234 = arith.cmpi ne, %parallel_loop3A_232, %parallel_loop3A_233 : i32
          %parallel_loop3A_235 = arith.andi %parallel_loop3A_231, %parallel_loop3A_234 : i1
          %parallel_loop3A_236 = arith.constant 1 : i32
          %parallel_loop3A_237 = arith.subi %parallel_loop3A_216, %parallel_loop3A_236 : i32
          %parallel_loop3A_238 = arith.select %parallel_loop3A_235, %parallel_loop3A_237, %parallel_loop3A_216 : i32
          %parallel_loop3A_239 = arith.constant 8 : i32
          %parallel_loop3A_240 = arith.remsi %parallel_loop3A_214, %parallel_loop3A_239 : i32
          %parallel_loop3A_241 = vector.broadcast %parallel_loop3A_214 : i32 to vector<16xi32>
          %parallel_loop3A_242 = tpu.vector_load_idx %arg7[%add3A_5, %parallel_loop3A_241] : memref<128x128xf32, #tpu.memory_space<vmem>>[vector<16xi32>, vector<16xi32>], vector<16xf32>,
          %parallel_loop3A_243 = arith.constant 0 : i32
          %parallel_loop3A_244 = arith.index_cast %parallel_loop3A_243 : i32 to index
          %parallel_loop3A_245 = arith.index_cast %parallel_loop3A_238 : i32 to index
          %parallel_loop3A_246 = arith.index_cast %parallel_loop3A_240 : i32 to index
          %parallel_loop3A_247 = arith.constant 0 : index
          %parallel_loop3A_248 = tpu.vector_load %arg6[%parallel_loop3A_244, %parallel_loop3A_245, %parallel_loop3A_246, %parallel_loop3A_247] {strides = array<i32>} : memref<2x8x8x128xf32, #tpu.memory_space<vmem>>, vector<16xf32>,
          tpu.vector_store %arg6[%parallel_loop3A_244, %parallel_loop3A_245, %parallel_loop3A_246, %parallel_loop3A_247], %parallel_loop3A_242 {strides = array<i32>} : memref<2x8x8x128xf32, #tpu.memory_space<vmem>>, vector<16xf32>,
          %parallel_loop3A_249 = tpu.vector_load_idx %arg7[%add3A_8, %parallel_loop3A_241] : memref<128x128xf32, #tpu.memory_space<vmem>>[vector<16xi32>, vector<16xi32>], vector<16xf32>,
          %parallel_loop3A_250 = arith.constant 0 : i32
          %parallel_loop3A_251 = arith.index_cast %parallel_loop3A_250 : i32 to index
          %parallel_loop3A_252 = arith.index_cast %parallel_loop3A_238 : i32 to index
          %parallel_loop3A_253 = arith.index_cast %parallel_loop3A_240 : i32 to index
          %parallel_loop3A_254 = arith.constant 16 : index
          %parallel_loop3A_255 = tpu.vector_load %arg6[%parallel_loop3A_251, %parallel_loop3A_252, %parallel_loop3A_253, %parallel_loop3A_254] {strides = array<i32>} : memref<2x8x8x128xf32, #tpu.memory_space<vmem>>, vector<16xf32>,
          tpu.vector_store %arg6[%parallel_loop3A_251, %parallel_loop3A_252, %parallel_loop3A_253, %parallel_loop3A_254], %parallel_loop3A_249 {strides = array<i32>} : memref<2x8x8x128xf32, #tpu.memory_space<vmem>>, vector<16xf32>,
          %parallel_loop3A_256 = tpu.vector_load_idx %arg7[%add3A_11, %parallel_loop3A_241] : memref<128x128xf32, #tpu.memory_space<vmem>>[vector<16xi32>, vector<16xi32>], vector<16xf32>,
          %parallel_loop3A_257 = arith.constant 0 : i32
          %parallel_loop3A_258 = arith.index_cast %parallel_loop3A_257 : i32 to index
          %parallel_loop3A_259 = arith.index_cast %parallel_loop3A_238 : i32 to index
          %parallel_loop3A_260 = arith.index_cast %parallel_loop3A_240 : i32 to index
          %parallel_loop3A_261 = arith.constant 32 : index
          %parallel_loop3A_262 = tpu.vector_load %arg6[%parallel_loop3A_258, %parallel_loop3A_259, %parallel_loop3A_260, %parallel_loop3A_261] {strides = array<i32>} : memref<2x8x8x128xf32, #tpu.memory_space<vmem>>, vector<16xf32>,
          tpu.vector_store %arg6[%parallel_loop3A_258, %parallel_loop3A_259, %parallel_loop3A_260, %parallel_loop3A_261], %parallel_loop3A_256 {strides = array<i32>} : memref<2x8x8x128xf32, #tpu.memory_space<vmem>>, vector<16xf32>,
          %parallel_loop3A_263 = tpu.vector_load_idx %arg7[%add3A_14, %parallel_loop3A_241] : memref<128x128xf32, #tpu.memory_space<vmem>>[vector<16xi32>, vector<16xi32>], vector<16xf32>,
          %parallel_loop3A_264 = arith.constant 0 : i32
          %parallel_loop3A_265 = arith.index_cast %parallel_loop3A_264 : i32 to index
          %parallel_loop3A_266 = arith.index_cast %parallel_loop3A_238 : i32 to index
          %parallel_loop3A_267 = arith.index_cast %parallel_loop3A_240 : i32 to index
          %parallel_loop3A_268 = arith.constant 48 : index
          %parallel_loop3A_269 = tpu.vector_load %arg6[%parallel_loop3A_265, %parallel_loop3A_266, %parallel_loop3A_267, %parallel_loop3A_268] {strides = array<i32>} : memref<2x8x8x128xf32, #tpu.memory_space<vmem>>, vector<16xf32>,
          tpu.vector_store %arg6[%parallel_loop3A_265, %parallel_loop3A_266, %parallel_loop3A_267, %parallel_loop3A_268], %parallel_loop3A_263 {strides = array<i32>} : memref<2x8x8x128xf32, #tpu.memory_space<vmem>>, vector<16xf32>,
          %parallel_loop3A_270 = tpu.vector_load_idx %arg7[%add3A_17, %parallel_loop3A_241] : memref<128x128xf32, #tpu.memory_space<vmem>>[vector<16xi32>, vector<16xi32>], vector<16xf32>,
          %parallel_loop3A_271 = arith.constant 0 : i32
          %parallel_loop3A_272 = arith.index_cast %parallel_loop3A_271 : i32 to index
          %parallel_loop3A_273 = arith.index_cast %parallel_loop3A_238 : i32 to index
          %parallel_loop3A_274 = arith.index_cast %parallel_loop3A_240 : i32 to index
          %parallel_loop3A_275 = arith.constant 64 : index
          %parallel_loop3A_276 = tpu.vector_load %arg6[%parallel_loop3A_272, %parallel_loop3A_273, %parallel_loop3A_274, %parallel_loop3A_275] {strides = array<i32>} : memref<2x8x8x128xf32, #tpu.memory_space<vmem>>, vector<16xf32>,
          tpu.vector_store %arg6[%parallel_loop3A_272, %parallel_loop3A_273, %parallel_loop3A_274, %parallel_loop3A_275], %parallel_loop3A_270 {strides = array<i32>} : memref<2x8x8x128xf32, #tpu.memory_space<vmem>>, vector<16xf32>,
          %parallel_loop3A_277 = tpu.vector_load_idx %arg7[%add3A_20, %parallel_loop3A_241] : memref<128x128xf32, #tpu.memory_space<vmem>>[vector<16xi32>, vector<16xi32>], vector<16xf32>,
          %parallel_loop3A_278 = arith.constant 0 : i32
          %parallel_loop3A_279 = arith.index_cast %parallel_loop3A_278 : i32 to index
          %parallel_loop3A_280 = arith.index_cast %parallel_loop3A_238 : i32 to index
          %parallel_loop3A_281 = arith.index_cast %parallel_loop3A_240 : i32 to index
          %parallel_loop3A_282 = arith.constant 80 : index
          %parallel_loop3A_283 = tpu.vector_load %arg6[%parallel_loop3A_279, %parallel_loop3A_280, %parallel_loop3A_281, %parallel_loop3A_282] {strides = array<i32>} : memref<2x8x8x128xf32, #tpu.memory_space<vmem>>, vector<16xf32>,
          tpu.vector_store %arg6[%parallel_loop3A_279, %parallel_loop3A_280, %parallel_loop3A_281, %parallel_loop3A_282], %parallel_loop3A_277 {strides = array<i32>} : memref<2x8x8x128xf32, #tpu.memory_space<vmem>>, vector<16xf32>,
          %parallel_loop3A_284 = tpu.vector_load_idx %arg7[%add3A_23, %parallel_loop3A_241] : memref<128x128xf32, #tpu.memory_space<vmem>>[vector<16xi32>, vector<16xi32>], vector<16xf32>,
          %parallel_loop3A_285 = arith.constant 0 : i32
          %parallel_loop3A_286 = arith.index_cast %parallel_loop3A_285 : i32 to index
          %parallel_loop3A_287 = arith.index_cast %parallel_loop3A_238 : i32 to index
          %parallel_loop3A_288 = arith.index_cast %parallel_loop3A_240 : i32 to index
          %parallel_loop3A_289 = arith.constant 96 : index
          %parallel_loop3A_290 = tpu.vector_load %arg6[%parallel_loop3A_286, %parallel_loop3A_287, %parallel_loop3A_288, %parallel_loop3A_289] {strides = array<i32>} : memref<2x8x8x128xf32, #tpu.memory_space<vmem>>, vector<16xf32>,
          tpu.vector_store %arg6[%parallel_loop3A_286, %parallel_loop3A_287, %parallel_loop3A_288, %parallel_loop3A_289], %parallel_loop3A_284 {strides = array<i32>} : memref<2x8x8x128xf32, #tpu.memory_space<vmem>>, vector<16xf32>,
          %parallel_loop3A_291 = tpu.vector_load_idx %arg7[%add3A_26, %parallel_loop3A_241] : memref<128x128xf32, #tpu.memory_space<vmem>>[vector<16xi32>, vector<16xi32>], vector<16xf32>,
          %parallel_loop3A_292 = arith.constant 0 : i32
          %parallel_loop3A_293 = arith.index_cast %parallel_loop3A_292 : i32 to index
          %parallel_loop3A_294 = arith.index_cast %parallel_loop3A_238 : i32 to index
          %parallel_loop3A_295 = arith.index_cast %parallel_loop3A_240 : i32 to index
          %parallel_loop3A_296 = arith.constant 112 : index
          %parallel_loop3A_297 = tpu.vector_load %arg6[%parallel_loop3A_293, %parallel_loop3A_294, %parallel_loop3A_295, %parallel_loop3A_296] {strides = array<i32>} : memref<2x8x8x128xf32, #tpu.memory_space<vmem>>, vector<16xf32>,
          tpu.vector_store %arg6[%parallel_loop3A_293, %parallel_loop3A_294, %parallel_loop3A_295, %parallel_loop3A_296], %parallel_loop3A_291 {strides = array<i32>} : memref<2x8x8x128xf32, #tpu.memory_space<vmem>>, vector<16xf32>,
        } {sc.loop_unroll_factor = 8 : i64, sc.parallel_access}
        %jit3A = arith.constant 50 : i32
        %div3A = arith.divsi %sub3A_125, %jit3A : i32
        %sign3A = arith.constant 0 : i32
        %sign3A_172 = arith.cmpi sgt, %sub3A_125, %sign3A : i32
        %sign3A_173 = arith.extui %sign3A_172 : i1 to i32
        %sign3A_174 = arith.constant 0 : i32
        %sign3A_175 = arith.cmpi slt, %sub3A_125, %sign3A_174 : i32
        %sign3A_176 = arith.extui %sign3A_175 : i1 to i32
        %sign3A_177 = arith.subi %sign3A_173, %sign3A_176 : i32
        %sign3A_178 = arith.constant 0 : i32
        %sign3A_179 = arith.cmpi sgt, %jit3A, %sign3A_178 : i32
        %sign3A_180 = arith.extui %sign3A_179 : i1 to i32
        %sign3A_181 = arith.constant 0 : i32
        %sign3A_182 = arith.cmpi slt, %jit3A, %sign3A_181 : i32
        %sign3A_183 = arith.extui %sign3A_182 : i1 to i32
        %sign3A_184 = arith.subi %sign3A_180, %sign3A_183 : i32
        %ne3A = arith.cmpi ne, %sign3A_177, %sign3A_184 : i32
        %rem3A_185 = arith.remsi %sub3A_125, %jit3A : i32
        %ne3A_186 = arith.constant 0 : i32
        %ne3A_187 = arith.cmpi ne, %rem3A_185, %ne3A_186 : i32
        %and3A_188 = arith.andi %ne3A, %ne3A_187 : i1
        %sub3A_189 = arith.constant 1 : i32
        %sub3A_190 = arith.subi %div3A, %sub3A_189 : i32
        %select_n3A = arith.select %and3A_188, %sub3A_190, %div3A : i32
        %rem3A_191 = arith.constant 50 : i32
        %rem3A_192 = arith.remsi %sub3A_125, %rem3A_191 : i32
        %add3A_193 = arith.addi %mul3A_2, %select_n3A : i32
        %dma_start3A = arith.constant 0 : i32
        %dma_start3A_194 = arith.constant 0 : i32
        %dma_start3A_195 = arith.constant 0 : i32
        %dma_start3A_196 = arith.constant 0 : i32
        %dma_start3A_197 = tpu.memref_slice %arg6[%dma_start3A, %dma_start3A_194, %dma_start3A_195, %dma_start3A_196] : memref<2x8x8x128xf32, #tpu.memory_space<vmem>> -> memref<1x8x8x128xf32, #tpu.memory_space<vmem>>
        %dma_start3A_198 = tpu.memref_squeeze %dma_start3A_197 : memref<1x8x8x128xf32, #tpu.memory_space<vmem>> -> memref<8x8x128xf32, #tpu.memory_space<vmem>>
        %dma_start3A_199 = arith.constant 0 : i32
        %dma_start3A_200 = arith.constant 0 : i32
        %dma_start3A_201 = arith.constant 0 : i32
        %dma_start3A_202 = tpu.memref_slice %arg4[%rem3A_192, %dma_start3A_199, %add3A_193, %dma_start3A_200, %dma_start3A_201] : memref<50x8x128x8x128xf32, #tpu.memory_space<hbm>> -> memref<1x8x1x8x128xf32, #tpu.memory_space<hbm>>
        %dma_start3A_203 = tpu.memref_squeeze %dma_start3A_202 : memref<1x8x1x8x128xf32, #tpu.memory_space<hbm>> -> memref<8x8x128xf32, #tpu.memory_space<hbm>>
        %dma_start3A_204 = arith.constant 0 : i32
        %dma_start3A_205 = arith.constant 0 : i32
        %dma_start3A_206 = arith.constant 0 : i32
        %dma_start3A_207 = tpu.memref_slice %arg4[%rem3A_192, %dma_start3A_204, %add3A_193, %dma_start3A_205, %dma_start3A_206] : memref<50x8x128x8x128xf32, #tpu.memory_space<hbm>> -> memref<1x8x1x8x128xf32, #tpu.memory_space<hbm>>
        %dma_start3A_208 = tpu.memref_squeeze %dma_start3A_207 : memref<1x8x1x8x128xf32, #tpu.memory_space<hbm>> -> memref<8x8x128xf32, #tpu.memory_space<hbm>>
        %dma_start3A_209 = arith.constant 0 : i32
        %dma_start3A_210 = arith.constant 0 : i32
        %dma_start3A_211 = arith.constant 0 : i32
        %dma_start3A_212 = tpu.memref_slice %arg6[%dma_start3A, %dma_start3A_209, %dma_start3A_210, %dma_start3A_211] : memref<2x8x8x128xf32, #tpu.memory_space<vmem>> -> memref<1x8x8x128xf32, #tpu.memory_space<vmem>>
        %dma_start3A_213 = tpu.memref_squeeze %dma_start3A_212 : memref<1x8x8x128xf32, #tpu.memory_space<vmem>> -> memref<8x8x128xf32, #tpu.memory_space<vmem>>
        tpu.enqueue_dma source(%dma_start3A_213 : memref<8x8x128xf32, #tpu.memory_space<vmem>>) target(%dma_start3A_208 : memref<8x8x128xf32, #tpu.memory_space<hbm>>) target_semaphore(%arg15 : memref<!tpu.dma_semaphore, #tpu.memory_space<semaphore_mem>>)
      } else {
      }
      %mul3A_134 = arith.constant 4 : i32
      %mul3A_135 = arith.muli %scan3A_82, %mul3A_134 : i32
      %add3A_136 = arith.constant 3 : i32
      %add3A_137 = arith.addi %mul3A_135, %add3A_136 : i32
      %lt3A_138 = arith.constant 200 : i32
      %lt3A_139 = arith.cmpi slt, %add3A_137, %lt3A_138 : i32
      %convert_element_type3A_140 = arith.extui %lt3A_139 : i1 to i32
      %cond3A_141 = arith.constant 0 : i32
      %cond3A_142 = arith.cmpi ne, %convert_element_type3A_140, %cond3A_141 : i32
      scf.if %cond3A_142 {
        %jit3A = arith.constant 50 : i32
        %div3A = arith.divsi %add3A_137, %jit3A : i32
        %sign3A = arith.constant 0 : i32
        %sign3A_153 = arith.cmpi sgt, %add3A_137, %sign3A : i32
        %sign3A_154 = arith.extui %sign3A_153 : i1 to i32
        %sign3A_155 = arith.constant 0 : i32
        %sign3A_156 = arith.cmpi slt, %add3A_137, %sign3A_155 : i32
        %sign3A_157 = arith.extui %sign3A_156 : i1 to i32
        %sign3A_158 = arith.subi %sign3A_154, %sign3A_157 : i32
        %sign3A_159 = arith.constant 0 : i32
        %sign3A_160 = arith.cmpi sgt, %jit3A, %sign3A_159 : i32
        %sign3A_161 = arith.extui %sign3A_160 : i1 to i32
        %sign3A_162 = arith.constant 0 : i32
        %sign3A_163 = arith.cmpi slt, %jit3A, %sign3A_162 : i32
        %sign3A_164 = arith.extui %sign3A_163 : i1 to i32
        %sign3A_165 = arith.subi %sign3A_161, %sign3A_164 : i32
        %ne3A = arith.cmpi ne, %sign3A_158, %sign3A_165 : i32
        %rem3A_166 = arith.remsi %add3A_137, %jit3A : i32
        %ne3A_167 = arith.constant 0 : i32
        %ne3A_168 = arith.cmpi ne, %rem3A_166, %ne3A_167 : i32
        %and3A_169 = arith.andi %ne3A, %ne3A_168 : i1
        %sub3A_170 = arith.constant 1 : i32
        %sub3A_171 = arith.subi %div3A, %sub3A_170 : i32
        %select_n3A = arith.select %and3A_169, %sub3A_171, %div3A : i32
        %rem3A_172 = arith.constant 50 : i32
        %rem3A_173 = arith.remsi %add3A_137, %rem3A_172 : i32
        %eq3A = arith.constant 0 : i32
        %eq3A_174 = arith.cmpi eq, %rem3A_173, %eq3A : i32
        %convert_element_type3A_175 = arith.extui %eq3A_174 : i1 to i32
        %cond3A_176 = arith.constant 0 : i32
        %cond3A_177 = arith.cmpi ne, %convert_element_type3A_175, %cond3A_176 : i32
        scf.if %cond3A_177 {
          %add3A_211 = arith.addi %mul3A_2, %select_n3A : i32
          %mul3A_212 = arith.constant 128 : i32
          %mul3A_213 = arith.muli %add3A_211, %mul3A_212 : i32
          %rem3A_214 = arith.constant 2 : i32
          %rem3A_215 = arith.remsi %select_n3A, %rem3A_214 : i32
          "tpu.region"() ({
            %run_scoped3A = tpu.sem_alloc : memref<!tpu.dma_semaphore, #tpu.memory_space<semaphore_mem>>
            %dma_start3A_216 = arith.constant 0 : i32
            %dma_start3A_217 = arith.constant 0 : i32
            %dma_start3A_218 = tpu.memref_slice %arg5[%rem3A_215, %dma_start3A_216, %dma_start3A_217] : memref<2x50x128xi32, #tpu.memory_space<vmem>> -> memref<1x50x128xi32, #tpu.memory_space<vmem>>
            %dma_start3A_219 = tpu.memref_squeeze %dma_start3A_218 : memref<1x50x128xi32, #tpu.memory_space<vmem>> -> memref<50x128xi32, #tpu.memory_space<vmem>>
            %dma_start3A_220 = arith.constant 0 : i32
            %dma_start3A_221 = tpu.memref_slice %arg2[%dma_start3A_220, %mul3A_213] : memref<50x16384xi32, #tpu.memory_space<hbm>> -> memref<50x128xi32, #tpu.memory_space<hbm>>
            %dma_start3A_222 = arith.constant 0 : i32
            %dma_start3A_223 = arith.constant 0 : i32
            %dma_start3A_224 = tpu.memref_slice %arg5[%rem3A_215, %dma_start3A_222, %dma_start3A_223] : memref<2x50x128xi32, #tpu.memory_space<vmem>> -> memref<1x50x128xi32, #tpu.memory_space<vmem>>
            %dma_start3A_225 = tpu.memref_squeeze %dma_start3A_224 : memref<1x50x128xi32, #tpu.memory_space<vmem>> -> memref<50x128xi32, #tpu.memory_space<vmem>>
            %dma_start3A_226 = arith.constant 0 : i32
            %dma_start3A_227 = tpu.memref_slice %arg2[%dma_start3A_226, %mul3A_213] : memref<50x16384xi32, #tpu.memory_space<hbm>> -> memref<50x128xi32, #tpu.memory_space<hbm>>
            tpu.enqueue_dma source(%dma_start3A_227 : memref<50x128xi32, #tpu.memory_space<hbm>>) target(%dma_start3A_225 : memref<50x128xi32, #tpu.memory_space<vmem>>) target_semaphore(%run_scoped3A : memref<!tpu.dma_semaphore, #tpu.memory_space<semaphore_mem>>)
            %dma_wait3A_228 = arith.constant 0 : i32
            %dma_wait3A_229 = arith.constant 0 : i32
            %dma_wait3A_230 = tpu.memref_slice %arg5[%rem3A_215, %dma_wait3A_228, %dma_wait3A_229] : memref<2x50x128xi32, #tpu.memory_space<vmem>> -> memref<1x50x128xi32, #tpu.memory_space<vmem>>
            %dma_wait3A_231 = tpu.memref_squeeze %dma_wait3A_230 : memref<1x50x128xi32, #tpu.memory_space<vmem>> -> memref<50x128xi32, #tpu.memory_space<vmem>>
            %dma_wait3A_232 = arith.constant 0 : i32
            %dma_wait3A_233 = tpu.memref_slice %arg2[%dma_wait3A_232, %mul3A_213] : memref<50x16384xi32, #tpu.memory_space<hbm>> -> memref<50x128xi32, #tpu.memory_space<hbm>>
            %dma_wait3A_234 = arith.constant 0 : i32
            %dma_wait3A_235 = arith.constant 0 : i32
            %dma_wait3A_236 = tpu.memref_slice %arg5[%rem3A_215, %dma_wait3A_234, %dma_wait3A_235] : memref<2x50x128xi32, #tpu.memory_space<vmem>> -> memref<1x50x128xi32, #tpu.memory_space<vmem>>
            %dma_wait3A_237 = tpu.memref_squeeze %dma_wait3A_236 : memref<1x50x128xi32, #tpu.memory_space<vmem>> -> memref<50x128xi32, #tpu.memory_space<vmem>>
            %dma_wait3A_238 = arith.constant 0 : i32
            %dma_wait3A_239 = tpu.memref_slice %arg2[%dma_wait3A_238, %mul3A_213] : memref<50x16384xi32, #tpu.memory_space<hbm>> -> memref<50x128xi32, #tpu.memory_space<hbm>>
            tpu.wait_dma2 semaphore(%run_scoped3A : memref<!tpu.dma_semaphore, #tpu.memory_space<semaphore_mem>>) src(%dma_wait3A_239 : memref<50x128xi32, #tpu.memory_space<hbm>>) dst(%dma_wait3A_237 : memref<50x128xi32, #tpu.memory_space<vmem>>)
            tpu.yield
          }) : () -> ()
        } else {
        }
        %jit3A_178 = arith.constant 50 : i32
        %div3A_179 = arith.divsi %add3A_137, %jit3A_178 : i32
        %sign3A_180 = arith.constant 0 : i32
        %sign3A_181 = arith.cmpi sgt, %add3A_137, %sign3A_180 : i32
        %sign3A_182 = arith.extui %sign3A_181 : i1 to i32
        %sign3A_183 = arith.constant 0 : i32
        %sign3A_184 = arith.cmpi slt, %add3A_137, %sign3A_183 : i32
        %sign3A_185 = arith.extui %sign3A_184 : i1 to i32
        %sign3A_186 = arith.subi %sign3A_182, %sign3A_185 : i32
        %sign3A_187 = arith.constant 0 : i32
        %sign3A_188 = arith.cmpi sgt, %jit3A_178, %sign3A_187 : i32
        %sign3A_189 = arith.extui %sign3A_188 : i1 to i32
        %sign3A_190 = arith.constant 0 : i32
        %sign3A_191 = arith.cmpi slt, %jit3A_178, %sign3A_190 : i32
        %sign3A_192 = arith.extui %sign3A_191 : i1 to i32
        %sign3A_193 = arith.subi %sign3A_189, %sign3A_192 : i32
        %ne3A_194 = arith.cmpi ne, %sign3A_186, %sign3A_193 : i32
        %rem3A_195 = arith.remsi %add3A_137, %jit3A_178 : i32
        %ne3A_196 = arith.constant 0 : i32
        %ne3A_197 = arith.cmpi ne, %rem3A_195, %ne3A_196 : i32
        %and3A_198 = arith.andi %ne3A_194, %ne3A_197 : i1
        %sub3A_199 = arith.constant 1 : i32
        %sub3A_200 = arith.subi %div3A_179, %sub3A_199 : i32
        %select_n3A_201 = arith.select %and3A_198, %sub3A_200, %div3A_179 : i32
        %rem3A_202 = arith.constant 50 : i32
        %rem3A_203 = arith.remsi %add3A_137, %rem3A_202 : i32
        %rem3A_204 = arith.constant 2 : i32
        %rem3A_205 = arith.remsi %select_n3A_201, %rem3A_204 : i32
        %dma_start3A = arith.constant 0 : i32
        %dma_start3A_206 = tpu.memref_slice %arg5[%rem3A_205, %rem3A_203, %dma_start3A] : memref<2x50x128xi32, #tpu.memory_space<vmem>> -> memref<1x1x128xi32, #tpu.memory_space<vmem>>
        %dma_start3A_207 = tpu.memref_squeeze %dma_start3A_206 : memref<1x1x128xi32, #tpu.memory_space<vmem>> -> memref<128xi32, #tpu.memory_space<vmem>>
        %dma_start3A_208 = arith.constant 0 : i32
        %dma_start3A_209 = arith.constant 0 : i32
        %dma_start3A_210 = tpu.memref_slice %arg3[%dma_start3A_208, %dma_start3A_209] : memref<1000000x128xf32, #tpu.memory_space<hbm>> -> memref<1000000x128xf32, #tpu.memory_space<hbm>>
        tpu.enqueue_indirect_dma source(%dma_start3A_210 : memref<1000000x128xf32, #tpu.memory_space<hbm>>) target(%arg10 : memref<128x128xf32, #tpu.memory_space<vmem>>) offsets(%dma_start3A_207 : memref<128xi32, #tpu.memory_space<vmem>>) semaphore(%arg14 : memref<!tpu.dma_semaphore, #tpu.memory_space<semaphore_mem>>)
      } else {
      }
      %sub3A_143 = arith.constant 2 : i32
      %sub3A_144 = arith.subi %add3A_137, %sub3A_143 : i32
      %ge3A_145 = arith.constant 0 : i32
      %ge3A_146 = arith.cmpi sge, %sub3A_144, %ge3A_145 : i32
      %lt3A_147 = arith.constant 200 : i32
      %lt3A_148 = arith.cmpi slt, %sub3A_144, %lt3A_147 : i32
      %and3A_149 = arith.andi %ge3A_146, %lt3A_148 : i1
      %convert_element_type3A_150 = arith.extui %and3A_149 : i1 to i32
      %cond3A_151 = arith.constant 0 : i32
      %cond3A_152 = arith.cmpi ne, %convert_element_type3A_150, %cond3A_151 : i32
      scf.if %cond3A_152 {
        %rem3A_153 = arith.constant 0 : i32
        %rem3A_154 = arith.constant 50 : i32
        %rem3A_155 = arith.remsi %rem3A_153, %rem3A_154 : i32
        %rem3A_156 = arith.constant 0 : i32
        %rem3A_157 = arith.constant 2 : i32
        %rem3A_158 = arith.remsi %rem3A_156, %rem3A_157 : i32
        %dma_wait3A_159 = arith.constant 0 : i32
        %dma_wait3A_160 = tpu.memref_slice %arg5[%rem3A_158, %rem3A_155, %dma_wait3A_159] : memref<2x50x128xi32, #tpu.memory_space<vmem>> -> memref<1x1x128xi32, #tpu.memory_space<vmem>>
        %dma_wait3A_161 = tpu.memref_squeeze %dma_wait3A_160 : memref<1x1x128xi32, #tpu.memory_space<vmem>> -> memref<128xi32, #tpu.memory_space<vmem>>
        %dma_wait3A_162 = arith.constant 0 : i32
        %dma_wait3A_163 = arith.constant 0 : i32
        %dma_wait3A_164 = tpu.memref_slice %arg3[%dma_wait3A_162, %dma_wait3A_163] : memref<1000000x128xf32, #tpu.memory_space<hbm>> -> memref<1000000x128xf32, #tpu.memory_space<hbm>>
        tpu.wait_indirect_dma semaphore(%arg12 : memref<!tpu.dma_semaphore, #tpu.memory_space<semaphore_mem>>) src(%dma_wait3A_164 : memref<1000000x128xf32, #tpu.memory_space<hbm>>) dst(%arg8 : memref<128x128xf32, #tpu.memory_space<vmem>>)
        %ge3A_165 = arith.constant 2 : i32
        %ge3A_166 = arith.cmpi sge, %sub3A_144, %ge3A_165 : i32
        %convert_element_type3A_167 = arith.extui %ge3A_166 : i1 to i32
        %cond3A_168 = arith.constant 0 : i32
        %cond3A_169 = arith.cmpi ne, %convert_element_type3A_167, %cond3A_168 : i32
        scf.if %cond3A_169 {
          %rem3A_214 = arith.constant 0 : i32
          %rem3A_215 = arith.constant 50 : i32
          %rem3A_216 = arith.remsi %rem3A_214, %rem3A_215 : i32
          %add3A_217 = arith.constant 0 : i32
          %add3A_218 = arith.addi %mul3A_2, %add3A_217 : i32
          %dma_wait3A_219 = arith.constant 1 : i32
          %dma_wait3A_220 = arith.constant 0 : i32
          %dma_wait3A_221 = arith.constant 0 : i32
          %dma_wait3A_222 = arith.constant 0 : i32
          %dma_wait3A_223 = tpu.memref_slice %arg6[%dma_wait3A_219, %dma_wait3A_220, %dma_wait3A_221, %dma_wait3A_222] : memref<2x8x8x128xf32, #tpu.memory_space<vmem>> -> memref<1x8x8x128xf32, #tpu.memory_space<vmem>>
          %dma_wait3A_224 = tpu.memref_squeeze %dma_wait3A_223 : memref<1x8x8x128xf32, #tpu.memory_space<vmem>> -> memref<8x8x128xf32, #tpu.memory_space<vmem>>
          %dma_wait3A_225 = arith.constant 0 : i32
          %dma_wait3A_226 = arith.constant 0 : i32
          %dma_wait3A_227 = arith.constant 0 : i32
          %dma_wait3A_228 = tpu.memref_slice %arg4[%rem3A_216, %dma_wait3A_225, %add3A_218, %dma_wait3A_226, %dma_wait3A_227] : memref<50x8x128x8x128xf32, #tpu.memory_space<hbm>> -> memref<1x8x1x8x128xf32, #tpu.memory_space<hbm>>
          %dma_wait3A_229 = tpu.memref_squeeze %dma_wait3A_228 : memref<1x8x1x8x128xf32, #tpu.memory_space<hbm>> -> memref<8x8x128xf32, #tpu.memory_space<hbm>>
          %dma_wait3A_230 = arith.constant 0 : i32
          %dma_wait3A_231 = arith.constant 0 : i32
          %dma_wait3A_232 = arith.constant 0 : i32
          %dma_wait3A_233 = tpu.memref_slice %arg4[%rem3A_216, %dma_wait3A_230, %add3A_218, %dma_wait3A_231, %dma_wait3A_232] : memref<50x8x128x8x128xf32, #tpu.memory_space<hbm>> -> memref<1x8x1x8x128xf32, #tpu.memory_space<hbm>>
          %dma_wait3A_234 = tpu.memref_squeeze %dma_wait3A_233 : memref<1x8x1x8x128xf32, #tpu.memory_space<hbm>> -> memref<8x8x128xf32, #tpu.memory_space<hbm>>
          %dma_wait3A_235 = arith.constant 0 : i32
          %dma_wait3A_236 = arith.constant 0 : i32
          %dma_wait3A_237 = arith.constant 0 : i32
          %dma_wait3A_238 = tpu.memref_slice %arg6[%dma_wait3A_219, %dma_wait3A_235, %dma_wait3A_236, %dma_wait3A_237] : memref<2x8x8x128xf32, #tpu.memory_space<vmem>> -> memref<1x8x8x128xf32, #tpu.memory_space<vmem>>
          %dma_wait3A_239 = tpu.memref_squeeze %dma_wait3A_238 : memref<1x8x8x128xf32, #tpu.memory_space<vmem>> -> memref<8x8x128xf32, #tpu.memory_space<vmem>>
          tpu.wait_dma2 semaphore(%arg16 : memref<!tpu.dma_semaphore, #tpu.memory_space<semaphore_mem>>) src(%dma_wait3A_239 : memref<8x8x128xf32, #tpu.memory_space<vmem>>) dst(%dma_wait3A_234 : memref<8x8x128xf32, #tpu.memory_space<hbm>>)
        } else {
        }
        %parallel_loop3A = arith.constant 0 : i32
        %parallel_loop3A_170 = arith.constant 64 : i32
        %parallel_loop3A_171 = arith.constant 1 : i32
        scf.for %parallel_loop3A_214 = %parallel_loop3A to %parallel_loop3A_170 step %parallel_loop3A_171  : i32 {
          %parallel_loop3A_215 = arith.constant 8 : i32
          %parallel_loop3A_216 = arith.divsi %parallel_loop3A_214, %parallel_loop3A_215 : i32
          %parallel_loop3A_217 = arith.constant 0 : i32
          %parallel_loop3A_218 = arith.cmpi sgt, %parallel_loop3A_214, %parallel_loop3A_217 : i32
          %parallel_loop3A_219 = arith.extui %parallel_loop3A_218 : i1 to i32
          %parallel_loop3A_220 = arith.constant 0 : i32
          %parallel_loop3A_221 = arith.cmpi slt, %parallel_loop3A_214, %parallel_loop3A_220 : i32
          %parallel_loop3A_222 = arith.extui %parallel_loop3A_221 : i1 to i32
          %parallel_loop3A_223 = arith.subi %parallel_loop3A_219, %parallel_loop3A_222 : i32
          %parallel_loop3A_224 = arith.constant 0 : i32
          %parallel_loop3A_225 = arith.cmpi sgt, %parallel_loop3A_215, %parallel_loop3A_224 : i32
          %parallel_loop3A_226 = arith.extui %parallel_loop3A_225 : i1 to i32
          %parallel_loop3A_227 = arith.constant 0 : i32
          %parallel_loop3A_228 = arith.cmpi slt, %parallel_loop3A_215, %parallel_loop3A_227 : i32
          %parallel_loop3A_229 = arith.extui %parallel_loop3A_228 : i1 to i32
          %parallel_loop3A_230 = arith.subi %parallel_loop3A_226, %parallel_loop3A_229 : i32
          %parallel_loop3A_231 = arith.cmpi ne, %parallel_loop3A_223, %parallel_loop3A_230 : i32
          %parallel_loop3A_232 = arith.remsi %parallel_loop3A_214, %parallel_loop3A_215 : i32
          %parallel_loop3A_233 = arith.constant 0 : i32
          %parallel_loop3A_234 = arith.cmpi ne, %parallel_loop3A_232, %parallel_loop3A_233 : i32
          %parallel_loop3A_235 = arith.andi %parallel_loop3A_231, %parallel_loop3A_234 : i1
          %parallel_loop3A_236 = arith.constant 1 : i32
          %parallel_loop3A_237 = arith.subi %parallel_loop3A_216, %parallel_loop3A_236 : i32
          %parallel_loop3A_238 = arith.select %parallel_loop3A_235, %parallel_loop3A_237, %parallel_loop3A_216 : i32
          %parallel_loop3A_239 = arith.constant 8 : i32
          %parallel_loop3A_240 = arith.remsi %parallel_loop3A_214, %parallel_loop3A_239 : i32
          %parallel_loop3A_241 = vector.broadcast %parallel_loop3A_214 : i32 to vector<16xi32>
          %parallel_loop3A_242 = tpu.vector_load_idx %arg8[%add3A_5, %parallel_loop3A_241] : memref<128x128xf32, #tpu.memory_space<vmem>>[vector<16xi32>, vector<16xi32>], vector<16xf32>,
          %parallel_loop3A_243 = arith.constant 1 : i32
          %parallel_loop3A_244 = arith.index_cast %parallel_loop3A_243 : i32 to index
          %parallel_loop3A_245 = arith.index_cast %parallel_loop3A_238 : i32 to index
          %parallel_loop3A_246 = arith.index_cast %parallel_loop3A_240 : i32 to index
          %parallel_loop3A_247 = arith.constant 0 : index
          %parallel_loop3A_248 = tpu.vector_load %arg6[%parallel_loop3A_244, %parallel_loop3A_245, %parallel_loop3A_246, %parallel_loop3A_247] {strides = array<i32>} : memref<2x8x8x128xf32, #tpu.memory_space<vmem>>, vector<16xf32>,
          tpu.vector_store %arg6[%parallel_loop3A_244, %parallel_loop3A_245, %parallel_loop3A_246, %parallel_loop3A_247], %parallel_loop3A_242 {strides = array<i32>} : memref<2x8x8x128xf32, #tpu.memory_space<vmem>>, vector<16xf32>,
          %parallel_loop3A_249 = tpu.vector_load_idx %arg8[%add3A_8, %parallel_loop3A_241] : memref<128x128xf32, #tpu.memory_space<vmem>>[vector<16xi32>, vector<16xi32>], vector<16xf32>,
          %parallel_loop3A_250 = arith.constant 1 : i32
          %parallel_loop3A_251 = arith.index_cast %parallel_loop3A_250 : i32 to index
          %parallel_loop3A_252 = arith.index_cast %parallel_loop3A_238 : i32 to index
          %parallel_loop3A_253 = arith.index_cast %parallel_loop3A_240 : i32 to index
          %parallel_loop3A_254 = arith.constant 16 : index
          %parallel_loop3A_255 = tpu.vector_load %arg6[%parallel_loop3A_251, %parallel_loop3A_252, %parallel_loop3A_253, %parallel_loop3A_254] {strides = array<i32>} : memref<2x8x8x128xf32, #tpu.memory_space<vmem>>, vector<16xf32>,
          tpu.vector_store %arg6[%parallel_loop3A_251, %parallel_loop3A_252, %parallel_loop3A_253, %parallel_loop3A_254], %parallel_loop3A_249 {strides = array<i32>} : memref<2x8x8x128xf32, #tpu.memory_space<vmem>>, vector<16xf32>,
          %parallel_loop3A_256 = tpu.vector_load_idx %arg8[%add3A_11, %parallel_loop3A_241] : memref<128x128xf32, #tpu.memory_space<vmem>>[vector<16xi32>, vector<16xi32>], vector<16xf32>,
          %parallel_loop3A_257 = arith.constant 1 : i32
          %parallel_loop3A_258 = arith.index_cast %parallel_loop3A_257 : i32 to index
          %parallel_loop3A_259 = arith.index_cast %parallel_loop3A_238 : i32 to index
          %parallel_loop3A_260 = arith.index_cast %parallel_loop3A_240 : i32 to index
          %parallel_loop3A_261 = arith.constant 32 : index
          %parallel_loop3A_262 = tpu.vector_load %arg6[%parallel_loop3A_258, %parallel_loop3A_259, %parallel_loop3A_260, %parallel_loop3A_261] {strides = array<i32>} : memref<2x8x8x128xf32, #tpu.memory_space<vmem>>, vector<16xf32>,
          tpu.vector_store %arg6[%parallel_loop3A_258, %parallel_loop3A_259, %parallel_loop3A_260, %parallel_loop3A_261], %parallel_loop3A_256 {strides = array<i32>} : memref<2x8x8x128xf32, #tpu.memory_space<vmem>>, vector<16xf32>,
          %parallel_loop3A_263 = tpu.vector_load_idx %arg8[%add3A_14, %parallel_loop3A_241] : memref<128x128xf32, #tpu.memory_space<vmem>>[vector<16xi32>, vector<16xi32>], vector<16xf32>,
          %parallel_loop3A_264 = arith.constant 1 : i32
          %parallel_loop3A_265 = arith.index_cast %parallel_loop3A_264 : i32 to index
          %parallel_loop3A_266 = arith.index_cast %parallel_loop3A_238 : i32 to index
          %parallel_loop3A_267 = arith.index_cast %parallel_loop3A_240 : i32 to index
          %parallel_loop3A_268 = arith.constant 48 : index
          %parallel_loop3A_269 = tpu.vector_load %arg6[%parallel_loop3A_265, %parallel_loop3A_266, %parallel_loop3A_267, %parallel_loop3A_268] {strides = array<i32>} : memref<2x8x8x128xf32, #tpu.memory_space<vmem>>, vector<16xf32>,
          tpu.vector_store %arg6[%parallel_loop3A_265, %parallel_loop3A_266, %parallel_loop3A_267, %parallel_loop3A_268], %parallel_loop3A_263 {strides = array<i32>} : memref<2x8x8x128xf32, #tpu.memory_space<vmem>>, vector<16xf32>,
          %parallel_loop3A_270 = tpu.vector_load_idx %arg8[%add3A_17, %parallel_loop3A_241] : memref<128x128xf32, #tpu.memory_space<vmem>>[vector<16xi32>, vector<16xi32>], vector<16xf32>,
          %parallel_loop3A_271 = arith.constant 1 : i32
          %parallel_loop3A_272 = arith.index_cast %parallel_loop3A_271 : i32 to index
          %parallel_loop3A_273 = arith.index_cast %parallel_loop3A_238 : i32 to index
          %parallel_loop3A_274 = arith.index_cast %parallel_loop3A_240 : i32 to index
          %parallel_loop3A_275 = arith.constant 64 : index
          %parallel_loop3A_276 = tpu.vector_load %arg6[%parallel_loop3A_272, %parallel_loop3A_273, %parallel_loop3A_274, %parallel_loop3A_275] {strides = array<i32>} : memref<2x8x8x128xf32, #tpu.memory_space<vmem>>, vector<16xf32>,
          tpu.vector_store %arg6[%parallel_loop3A_272, %parallel_loop3A_273, %parallel_loop3A_274, %parallel_loop3A_275], %parallel_loop3A_270 {strides = array<i32>} : memref<2x8x8x128xf32, #tpu.memory_space<vmem>>, vector<16xf32>,
          %parallel_loop3A_277 = tpu.vector_load_idx %arg8[%add3A_20, %parallel_loop3A_241] : memref<128x128xf32, #tpu.memory_space<vmem>>[vector<16xi32>, vector<16xi32>], vector<16xf32>,
          %parallel_loop3A_278 = arith.constant 1 : i32
          %parallel_loop3A_279 = arith.index_cast %parallel_loop3A_278 : i32 to index
          %parallel_loop3A_280 = arith.index_cast %parallel_loop3A_238 : i32 to index
          %parallel_loop3A_281 = arith.index_cast %parallel_loop3A_240 : i32 to index
          %parallel_loop3A_282 = arith.constant 80 : index
          %parallel_loop3A_283 = tpu.vector_load %arg6[%parallel_loop3A_279, %parallel_loop3A_280, %parallel_loop3A_281, %parallel_loop3A_282] {strides = array<i32>} : memref<2x8x8x128xf32, #tpu.memory_space<vmem>>, vector<16xf32>,
          tpu.vector_store %arg6[%parallel_loop3A_279, %parallel_loop3A_280, %parallel_loop3A_281, %parallel_loop3A_282], %parallel_loop3A_277 {strides = array<i32>} : memref<2x8x8x128xf32, #tpu.memory_space<vmem>>, vector<16xf32>,
          %parallel_loop3A_284 = tpu.vector_load_idx %arg8[%add3A_23, %parallel_loop3A_241] : memref<128x128xf32, #tpu.memory_space<vmem>>[vector<16xi32>, vector<16xi32>], vector<16xf32>,
          %parallel_loop3A_285 = arith.constant 1 : i32
          %parallel_loop3A_286 = arith.index_cast %parallel_loop3A_285 : i32 to index
          %parallel_loop3A_287 = arith.index_cast %parallel_loop3A_238 : i32 to index
          %parallel_loop3A_288 = arith.index_cast %parallel_loop3A_240 : i32 to index
          %parallel_loop3A_289 = arith.constant 96 : index
          %parallel_loop3A_290 = tpu.vector_load %arg6[%parallel_loop3A_286, %parallel_loop3A_287, %parallel_loop3A_288, %parallel_loop3A_289] {strides = array<i32>} : memref<2x8x8x128xf32, #tpu.memory_space<vmem>>, vector<16xf32>,
          tpu.vector_store %arg6[%parallel_loop3A_286, %parallel_loop3A_287, %parallel_loop3A_288, %parallel_loop3A_289], %parallel_loop3A_284 {strides = array<i32>} : memref<2x8x8x128xf32, #tpu.memory_space<vmem>>, vector<16xf32>,
          %parallel_loop3A_291 = tpu.vector_load_idx %arg8[%add3A_26, %parallel_loop3A_241] : memref<128x128xf32, #tpu.memory_space<vmem>>[vector<16xi32>, vector<16xi32>], vector<16xf32>,
          %parallel_loop3A_292 = arith.constant 1 : i32
          %parallel_loop3A_293 = arith.index_cast %parallel_loop3A_292 : i32 to index
          %parallel_loop3A_294 = arith.index_cast %parallel_loop3A_238 : i32 to index
          %parallel_loop3A_295 = arith.index_cast %parallel_loop3A_240 : i32 to index
          %parallel_loop3A_296 = arith.constant 112 : index
          %parallel_loop3A_297 = tpu.vector_load %arg6[%parallel_loop3A_293, %parallel_loop3A_294, %parallel_loop3A_295, %parallel_loop3A_296] {strides = array<i32>} : memref<2x8x8x128xf32, #tpu.memory_space<vmem>>, vector<16xf32>,
          tpu.vector_store %arg6[%parallel_loop3A_293, %parallel_loop3A_294, %parallel_loop3A_295, %parallel_loop3A_296], %parallel_loop3A_291 {strides = array<i32>} : memref<2x8x8x128xf32, #tpu.memory_space<vmem>>, vector<16xf32>,
        } {sc.loop_unroll_factor = 8 : i64, sc.parallel_access}
        %jit3A = arith.constant 50 : i32
        %div3A = arith.divsi %sub3A_144, %jit3A : i32
        %sign3A = arith.constant 0 : i32
        %sign3A_172 = arith.cmpi sgt, %sub3A_144, %sign3A : i32
        %sign3A_173 = arith.extui %sign3A_172 : i1 to i32
        %sign3A_174 = arith.constant 0 : i32
        %sign3A_175 = arith.cmpi slt, %sub3A_144, %sign3A_174 : i32
        %sign3A_176 = arith.extui %sign3A_175 : i1 to i32
        %sign3A_177 = arith.subi %sign3A_173, %sign3A_176 : i32
        %sign3A_178 = arith.constant 0 : i32
        %sign3A_179 = arith.cmpi sgt, %jit3A, %sign3A_178 : i32
        %sign3A_180 = arith.extui %sign3A_179 : i1 to i32
        %sign3A_181 = arith.constant 0 : i32
        %sign3A_182 = arith.cmpi slt, %jit3A, %sign3A_181 : i32
        %sign3A_183 = arith.extui %sign3A_182 : i1 to i32
        %sign3A_184 = arith.subi %sign3A_180, %sign3A_183 : i32
        %ne3A = arith.cmpi ne, %sign3A_177, %sign3A_184 : i32
        %rem3A_185 = arith.remsi %sub3A_144, %jit3A : i32
        %ne3A_186 = arith.constant 0 : i32
        %ne3A_187 = arith.cmpi ne, %rem3A_185, %ne3A_186 : i32
        %and3A_188 = arith.andi %ne3A, %ne3A_187 : i1
        %sub3A_189 = arith.constant 1 : i32
        %sub3A_190 = arith.subi %div3A, %sub3A_189 : i32
        %select_n3A = arith.select %and3A_188, %sub3A_190, %div3A : i32
        %rem3A_191 = arith.constant 50 : i32
        %rem3A_192 = arith.remsi %sub3A_144, %rem3A_191 : i32
        %add3A_193 = arith.addi %mul3A_2, %select_n3A : i32
        %dma_start3A = arith.constant 1 : i32
        %dma_start3A_194 = arith.constant 0 : i32
        %dma_start3A_195 = arith.constant 0 : i32
        %dma_start3A_196 = arith.constant 0 : i32
        %dma_start3A_197 = tpu.memref_slice %arg6[%dma_start3A, %dma_start3A_194, %dma_start3A_195, %dma_start3A_196] : memref<2x8x8x128xf32, #tpu.memory_space<vmem>> -> memref<1x8x8x128xf32, #tpu.memory_space<vmem>>
        %dma_start3A_198 = tpu.memref_squeeze %dma_start3A_197 : memref<1x8x8x128xf32, #tpu.memory_space<vmem>> -> memref<8x8x128xf32, #tpu.memory_space<vmem>>
        %dma_start3A_199 = arith.constant 0 : i32
        %dma_start3A_200 = arith.constant 0 : i32
        %dma_start3A_201 = arith.constant 0 : i32
        %dma_start3A_202 = tpu.memref_slice %arg4[%rem3A_192, %dma_start3A_199, %add3A_193, %dma_start3A_200, %dma_start3A_201] : memref<50x8x128x8x128xf32, #tpu.memory_space<hbm>> -> memref<1x8x1x8x128xf32, #tpu.memory_space<hbm>>
        %dma_start3A_203 = tpu.memref_squeeze %dma_start3A_202 : memref<1x8x1x8x128xf32, #tpu.memory_space<hbm>> -> memref<8x8x128xf32, #tpu.memory_space<hbm>>
        %dma_start3A_204 = arith.constant 0 : i32
        %dma_start3A_205 = arith.constant 0 : i32
        %dma_start3A_206 = arith.constant 0 : i32
        %dma_start3A_207 = tpu.memref_slice %arg4[%rem3A_192, %dma_start3A_204, %add3A_193, %dma_start3A_205, %dma_start3A_206] : memref<50x8x128x8x128xf32, #tpu.memory_space<hbm>> -> memref<1x8x1x8x128xf32, #tpu.memory_space<hbm>>
        %dma_start3A_208 = tpu.memref_squeeze %dma_start3A_207 : memref<1x8x1x8x128xf32, #tpu.memory_space<hbm>> -> memref<8x8x128xf32, #tpu.memory_space<hbm>>
        %dma_start3A_209 = arith.constant 0 : i32
        %dma_start3A_210 = arith.constant 0 : i32
        %dma_start3A_211 = arith.constant 0 : i32
        %dma_start3A_212 = tpu.memref_slice %arg6[%dma_start3A, %dma_start3A_209, %dma_start3A_210, %dma_start3A_211] : memref<2x8x8x128xf32, #tpu.memory_space<vmem>> -> memref<1x8x8x128xf32, #tpu.memory_space<vmem>>
        %dma_start3A_213 = tpu.memref_squeeze %dma_start3A_212 : memref<1x8x8x128xf32, #tpu.memory_space<vmem>> -> memref<8x8x128xf32, #tpu.memory_space<vmem>>
        tpu.enqueue_dma source(%dma_start3A_213 : memref<8x8x128xf32, #tpu.memory_space<vmem>>) target(%dma_start3A_208 : memref<8x8x128xf32, #tpu.memory_space<hbm>>) target_semaphore(%arg16 : memref<!tpu.dma_semaphore, #tpu.memory_space<semaphore_mem>>)
      } else {
      }
    }
    %scan3A_31 = arith.constant 51 : i32
    %rem3A = arith.constant 0 : i32
    %rem3A_32 = arith.constant 50 : i32
    %rem3A_33 = arith.remsi %rem3A, %rem3A_32 : i32
    %add3A_34 = arith.constant 0 : i32
    %add3A_35 = arith.addi %mul3A_2, %add3A_34 : i32
    %dma_wait3A = arith.constant 0 : i32
    %dma_wait3A_36 = arith.constant 0 : i32
    %dma_wait3A_37 = arith.constant 0 : i32
    %dma_wait3A_38 = arith.constant 0 : i32
    %dma_wait3A_39 = tpu.memref_slice %arg6[%dma_wait3A, %dma_wait3A_36, %dma_wait3A_37, %dma_wait3A_38] : memref<2x8x8x128xf32, #tpu.memory_space<vmem>> -> memref<1x8x8x128xf32, #tpu.memory_space<vmem>>
    %dma_wait3A_40 = tpu.memref_squeeze %dma_wait3A_39 : memref<1x8x8x128xf32, #tpu.memory_space<vmem>> -> memref<8x8x128xf32, #tpu.memory_space<vmem>>
    %dma_wait3A_41 = arith.constant 0 : i32
    %dma_wait3A_42 = arith.constant 0 : i32
    %dma_wait3A_43 = arith.constant 0 : i32
    %dma_wait3A_44 = tpu.memref_slice %arg4[%rem3A_33, %dma_wait3A_41, %add3A_35, %dma_wait3A_42, %dma_wait3A_43] : memref<50x8x128x8x128xf32, #tpu.memory_space<hbm>> -> memref<1x8x1x8x128xf32, #tpu.memory_space<hbm>>
    %dma_wait3A_45 = tpu.memref_squeeze %dma_wait3A_44 : memref<1x8x1x8x128xf32, #tpu.memory_space<hbm>> -> memref<8x8x128xf32, #tpu.memory_space<hbm>>
    %dma_wait3A_46 = arith.constant 0 : i32
    %dma_wait3A_47 = arith.constant 0 : i32
    %dma_wait3A_48 = arith.constant 0 : i32
    %dma_wait3A_49 = tpu.memref_slice %arg4[%rem3A_33, %dma_wait3A_46, %add3A_35, %dma_wait3A_47, %dma_wait3A_48] : memref<50x8x128x8x128xf32, #tpu.memory_space<hbm>> -> memref<1x8x1x8x128xf32, #tpu.memory_space<hbm>>
    %dma_wait3A_50 = tpu.memref_squeeze %dma_wait3A_49 : memref<1x8x1x8x128xf32, #tpu.memory_space<hbm>> -> memref<8x8x128xf32, #tpu.memory_space<hbm>>
    %dma_wait3A_51 = arith.constant 0 : i32
    %dma_wait3A_52 = arith.constant 0 : i32
    %dma_wait3A_53 = arith.constant 0 : i32
    %dma_wait3A_54 = tpu.memref_slice %arg6[%dma_wait3A, %dma_wait3A_51, %dma_wait3A_52, %dma_wait3A_53] : memref<2x8x8x128xf32, #tpu.memory_space<vmem>> -> memref<1x8x8x128xf32, #tpu.memory_space<vmem>>
    %dma_wait3A_55 = tpu.memref_squeeze %dma_wait3A_54 : memref<1x8x8x128xf32, #tpu.memory_space<vmem>> -> memref<8x8x128xf32, #tpu.memory_space<vmem>>
    tpu.wait_dma2 semaphore(%arg15 : memref<!tpu.dma_semaphore, #tpu.memory_space<semaphore_mem>>) src(%dma_wait3A_55 : memref<8x8x128xf32, #tpu.memory_space<vmem>>) dst(%dma_wait3A_50 : memref<8x8x128xf32, #tpu.memory_space<hbm>>)
    %rem3A_56 = arith.constant 0 : i32
    %rem3A_57 = arith.constant 50 : i32
    %rem3A_58 = arith.remsi %rem3A_56, %rem3A_57 : i32
    %add3A_59 = arith.constant 0 : i32
    %add3A_60 = arith.addi %mul3A_2, %add3A_59 : i32
    %dma_wait3A_61 = arith.constant 1 : i32
    %dma_wait3A_62 = arith.constant 0 : i32
    %dma_wait3A_63 = arith.constant 0 : i32
    %dma_wait3A_64 = arith.constant 0 : i32
    %dma_wait3A_65 = tpu.memref_slice %arg6[%dma_wait3A_61, %dma_wait3A_62, %dma_wait3A_63, %dma_wait3A_64] : memref<2x8x8x128xf32, #tpu.memory_space<vmem>> -> memref<1x8x8x128xf32, #tpu.memory_space<vmem>>
    %dma_wait3A_66 = tpu.memref_squeeze %dma_wait3A_65 : memref<1x8x8x128xf32, #tpu.memory_space<vmem>> -> memref<8x8x128xf32, #tpu.memory_space<vmem>>
    %dma_wait3A_67 = arith.constant 0 : i32
    %dma_wait3A_68 = arith.constant 0 : i32
    %dma_wait3A_69 = arith.constant 0 : i32
    %dma_wait3A_70 = tpu.memref_slice %arg4[%rem3A_58, %dma_wait3A_67, %add3A_60, %dma_wait3A_68, %dma_wait3A_69] : memref<50x8x128x8x128xf32, #tpu.memory_space<hbm>> -> memref<1x8x1x8x128xf32, #tpu.memory_space<hbm>>
    %dma_wait3A_71 = tpu.memref_squeeze %dma_wait3A_70 : memref<1x8x1x8x128xf32, #tpu.memory_space<hbm>> -> memref<8x8x128xf32, #tpu.memory_space<hbm>>
    %dma_wait3A_72 = arith.constant 0 : i32
    %dma_wait3A_73 = arith.constant 0 : i32
    %dma_wait3A_74 = arith.constant 0 : i32
    %dma_wait3A_75 = tpu.memref_slice %arg4[%rem3A_58, %dma_wait3A_72, %add3A_60, %dma_wait3A_73, %dma_wait3A_74] : memref<50x8x128x8x128xf32, #tpu.memory_space<hbm>> -> memref<1x8x1x8x128xf32, #tpu.memory_space<hbm>>
    %dma_wait3A_76 = tpu.memref_squeeze %dma_wait3A_75 : memref<1x8x1x8x128xf32, #tpu.memory_space<hbm>> -> memref<8x8x128xf32, #tpu.memory_space<hbm>>
    %dma_wait3A_77 = arith.constant 0 : i32
    %dma_wait3A_78 = arith.constant 0 : i32
    %dma_wait3A_79 = arith.constant 0 : i32
    %dma_wait3A_80 = tpu.memref_slice %arg6[%dma_wait3A_61, %dma_wait3A_77, %dma_wait3A_78, %dma_wait3A_79] : memref<2x8x8x128xf32, #tpu.memory_space<vmem>> -> memref<1x8x8x128xf32, #tpu.memory_space<vmem>>
    %dma_wait3A_81 = tpu.memref_squeeze %dma_wait3A_80 : memref<1x8x8x128xf32, #tpu.memory_space<vmem>> -> memref<8x8x128xf32, #tpu.memory_space<vmem>>
    tpu.wait_dma2 semaphore(%arg16 : memref<!tpu.dma_semaphore, #tpu.memory_space<semaphore_mem>>) src(%dma_wait3A_81 : memref<8x8x128xf32, #tpu.memory_space<vmem>>) dst(%dma_wait3A_76 : memref<8x8x128xf32, #tpu.memory_space<hbm>>)
    return
  }
}

</mosaic_0001>

<sc_bundles>
// kernel: kernel.3.cloned.1.call-start
scs
__scs_entry_jumppad:
0x0: {  	(pc) =	sbr.rel $0x88, $3  }
0x1: {  	(tag) =	ssettag $0x0;
	lr =	simm.s32 $0x1  }
0x2: {  	[smem:$0x3F9F] =	sst lr;
	_ =	strace $0xD0000000  }
0x3: {  	_ = 	snop  }
0x4: {  	_ = 	snop  }
0x5: {  	_ = 	snop  }
0x6: {  	_ = 	snop  }
0x7: {  	_ = 	snop  }
__scs_overlays_trampoline_lowered:
0x8: {  	[smem:$0x3FAE] =	sst s0  }
0x9: {  	[smem:$0x3FAF] =	sst s1  }
0xa: {  	[smem:$0x3FB0] =	sst s2  }
0xb: {  	[smem:$0x3FB1] =	sst s3  }
0xc: {  	[smem:$0x3FB2] =	sst s4  }
0xd: {  	[smem:$0x3FB3] =	sst s5  }
0xe: {  	[smem:$0x3FB4] =	sst s6  }
0xf: {  	[smem:$0x3FB5] =	sst s7  }
0x10: {  	[smem:$0x3FB6] =	sst s8  }
0x11: {  	[smem:$0x3FB7] =	sst s9;
	s0 =	simm.s32 @!p0 $0x0  }
0x12: {  	s1 =	sld [smem:$0x3F9D];
	s0 =	simm.s32 @p0 $0x1  }
0x13: {  	[smem:$0x3FB8] =	sst s0;
	s0 =	simm.s32 @!p1 $0x0  }
0x14: {  	s2 =	sld [smem:$0x3F9C];
	s0 =	simm.s32 @p1 $0x1  }
0x15: {  	[smem:$0x3FB9] =	sst s0;
	s0 =	simm.s32 @!p2 $0x0  }
0x16: {  	s3 =	sld [smem:$0x3FDB];
	s0 =	simm.s32 @p2 $0x1  }
0x17: {  	s4 =	simm.s32 $0x1BF5;
	[smem:$0x3FBB] =	sst s0  }
0x18: {  	s0 =	sld [smem:$0x3F9E];
	_ =	swait.ge [sflag:s4], $0x0  }
0x19: {  	s7 =	sld [smem:$0x3F9F]  }
0x1a: {  	s8 =	sadd.s32 $0xFFFFE003, lr  }
0x1b: {  	s9 =	sadd.s32 $0xFFFFFEF7, lr;
	s5 =	simm.s32 $0xFFFFFFFF;
	p2 =	slt.u32 s8, $0xFFFFF086  }
0x1c: {  	p1 =	slt.u32 s9, $0xF7A;
	s5 =	simm.s32 @!p2 $0x0  }
0x1d: {  	s5 =	simm.s32 @p1 $0x1;
	p0 =	seq.s32 s7, s2  }
0x1e: {  	s7 =	smul.u32 @!p0 $0xF7A, s2;
	p2 =	seq.s32 @!p0 s5, $0x0  }
0x1f: {  	s9 =	smul.u32 $0xF7A, s1;
	s8 =	simm.s32 @!p0 $0x1BF5;
	p2 =	por !p2, p0  }
0x20: {  	[sflag:s8] =	ssyncset.s32 @!p0 $0xFFFFF086;
	s6 =	sadd.s32 @!p0 s3, s7;
	s7 =	simm.s32 @!p0 $0x108  }
0x21: {  	s3 =	sadd.s32 s3, s9;
	s6 =	sadd.s32 @!p0 $0x88, s6;
	s7 =	simm.s32 @p2 $0x1082  }
0x22: {  	[simem:s7], [sflag:s8] =	dma.local @!p0 [hbm:s6], $0xF7A  }
0x23: {  	s9 =	sor.u32 $0xD0000000, s2;
	s6 =	simm.s32 $0x108;
	_ =	swait.ge @!p0 [sflag:s8], $0x0  }
0x24: {  	s3 =	sadd.s32 $0x88, s3;
	s6 =	simm.s32 @!p1 $0x1082;
	[sflag:s4] =	ssyncset.s32 $0xFFFFF086  }
0x25: {  	[simem:s6], [sflag:s4] =	dma.local [hbm:s3], $0xF7A  }
0x26: {  	[smem:$0x3F9F] =	sst s1;
	(tag) =	ssettag s2;
	_ =	strace s9  }
0x27: {  	s1 =	sld [smem:$0x3FAF]  }
0x28: {  	s2 =	sld [smem:$0x3FB0]  }
0x29: {  	s4 =	sld [smem:$0x3FB2]  }
0x2a: {  	p0 =	seq.s32 s5, $0x0;
	s5 =	sld [smem:$0x3FB3]  }
0x2b: {  	s6 =	sld [smem:$0x3FB4]  }
0x2c: {  	s7 =	sld [smem:$0x3FB5]  }
0x2d: {  	s3 =	simm.s32 $0x108;
	s8 =	sld [smem:$0x3FB6]  }
0x2e: {  	s3 =	simm.s32 @!p0 $0x1082;
	s9 =	sld [smem:$0x3FB7]  }
0x2f: {  	lr =	sadd.s32 s0, s3;
	s0 =	sld [smem:$0x3FAE]  }
0x30: {  	s3 =	sld [smem:$0x3FB1]  }
0x31: {  	[smem:$0x3FBA] =	sst s10  }
0x32: {  	s10 =	sld [smem:$0x3FB8];
	_ =	sdelay $0x3  }
0x33: {  	p0 =	seq.s32 s10, $0x1;
	s10 =	sld [smem:$0x3FBA];
	_ =	sdelay $0x3  }
0x34: {  	[smem:$0x3FBA] =	sst s10  }
0x35: {  	s10 =	sld [smem:$0x3FB9];
	_ =	sdelay $0x3  }
0x36: {  	p1 =	seq.s32 s10, $0x1;
	s10 =	sld [smem:$0x3FBA];
	_ =	sdelay $0x3  }
0x37: {  	[smem:$0x3FBA] =	sst s10  }
0x38: {  	s10 =	sld [smem:$0x3FBB]  }
0x39: {  	_ = 	snop;
	(pc) =	sbr.ind lr, $3  }
0x3a: {  	_ = 	snop  }
0x3b: {  	_ = 	snop  }
0x3c: {  	p2 =	seq.s32 s10, $0x1;
	s10 =	sld [smem:$0x3FBA]  }
0x3d: {  	_ =	shalt  }
0x3e: {  	_ =	shalt  }
0x3f: {  	_ =	shalt  }
0x40: {  	_ =	shalt  }
0x41: {  	_ =	shalt  }
0x42: {  	_ =	shalt  }
0x43: {  	_ =	shalt  }
0x44: {  	_ =	shalt  }
0x45: {  	_ =	shalt  }
0x46: {  	_ =	shalt  }
0x47: {  	_ =	shalt  }
0x48: {  	_ =	shalt  }
0x49: {  	_ =	shalt  }
0x4a: {  	_ =	shalt  }
0x4b: {  	_ =	shalt  }
0x4c: {  	_ =	shalt  }
0x4d: {  	_ =	shalt  }
0x4e: {  	_ =	shalt  }
0x4f: {  	_ =	shalt  }
0x50: {  	_ =	shalt  }
0x51: {  	_ =	shalt  }
0x52: {  	_ =	shalt  }
0x53: {  	_ =	shalt  }
0x54: {  	_ =	shalt  }
0x55: {  	_ =	shalt  }
0x56: {  	_ =	shalt  }
0x57: {  	_ =	shalt  }
0x58: {  	_ =	shalt  }
0x59: {  	_ =	shalt  }
0x5a: {  	_ =	shalt  }
0x5b: {  	_ =	shalt  }
0x5c: {  	_ =	shalt  }
0x5d: {  	_ =	shalt  }
0x5e: {  	_ =	shalt  }
0x5f: {  	_ =	shalt  }
0x60: {  	_ =	shalt  }
0x61: {  	_ =	shalt  }
0x62: {  	_ =	shalt  }
0x63: {  	_ =	shalt  }
0x64: {  	_ =	shalt  }
0x65: {  	_ =	shalt  }
0x66: {  	_ =	shalt  }
0x67: {  	_ =	shalt  }
0x68: {  	_ =	shalt  }
0x69: {  	_ =	shalt  }
0x6a: {  	_ =	shalt  }
0x6b: {  	_ =	shalt  }
0x6c: {  	_ =	shalt  }
0x6d: {  	_ =	shalt  }
0x6e: {  	_ =	shalt  }
0x6f: {  	_ =	shalt  }
0x70: {  	_ =	shalt  }
0x71: {  	_ =	shalt  }
0x72: {  	_ =	shalt  }
0x73: {  	_ =	shalt  }
0x74: {  	_ =	shalt  }
0x75: {  	_ =	shalt  }
0x76: {  	_ =	shalt  }
0x77: {  	_ =	shalt  }
0x78: {  	_ =	shalt  }
0x79: {  	_ =	shalt  }
0x7a: {  	_ =	shalt  }
0x7b: {  	_ =	shalt  }
0x7c: {  	_ =	shalt  }
0x7d: {  	_ =	shalt  }
0x7e: {  	_ =	shalt  }
0x7f: {  	_ =	shalt  }
0x80: {  	_ =	shalt  }
0x81: {  	_ =	shalt  }
0x82: {  	_ =	shalt  }
0x83: {  	_ =	shalt  }
0x84: {  	_ =	shalt  }
0x85: {  	_ =	shalt  }
0x86: {  	_ =	shalt  }
0x87: {  	_ =	shalt  }
.Lfunc_end0:
.L_simem_size_0:
called_computation_lowered:
.L_overlay_start_0:
0x88: {  	s2 =	sld [smem:$0x3FD9]  }
0x89: {  	s3 =	sld [smem:$0x3FFE];
	_ =	sdelay $0x1  }
0x8a: {  	s1 =	srdreg.scid  }
0x8b: {  	s0 =	sand.u32 $0x1, s1  }
0x8c: {  	s17 =	sshll.u32 s0, $0xA;
	s2 =	sadd.s32 s3, s2  }
0x8d: {  	s2 =	sadd.s32 s2, s17  }
0x8e: {  	[smem:$0x3FC6] =	sst s2  }
0x8f: {  	_ = 	snop  }
0x90: {  	s2 =	sld [smem:$0x3FD0];
	(tm) =	ssettm $0x1  }
0x91: {  	s18 =	sld [smem:$0x3FFB];
	_ =	sdelay $0x3  }
0x92: {  	_ =	strace s18  }
0x93: {  	s3 =	sld [smem:$0x3FFC];
	_ =	sdelay $0x3  }
0x94: {  	_ =	strace s3  }
0x95: {  	s3 =	sld [smem:$0x3FFD];
	_ =	sdelay $0x3  }
0x96: {  	_ =	strace s3  }
0x97: {  	_ =	strace $0x8FFFFFFF  }
0x98: {  	s19 =	sld [smem:$0x3FDB];
	_ =	sdelay $0x1  }
0x99: {  	s4 =	simm.s32 $_scs_section_size  }
0x9a: {  	s5 =	simm.s32 $_size__tile_overlayer_lowered;
	s6 =	simm.s32 $_tile_overlayer_lowered  }
0x9b: {  	s22 =	simm.s32 $0x1BFF;
	s21 =	sshll.u32 s6, $0x1;
	s3 =	sadd.s32 s4, s19  }
0x9c: {  	s7 =	simm.s32 $0x0;
	s20 =	sshll.u32 s5, $0x1;
	s5 =	sadd.s32 s21, s3  }
0x9d: {  	[timem:s7], [sflag:s22] =	dma.local [hbm:s5], s20  }
0x9e: {  	_ =	swait.ge [sflag:s22], s20  }
0x9f: {  	s4 =	ssub.s32 $0x0, s20;
	[sflag:s22] =	ssyncset.done $0x0  }
0xa0: {  	[sflag:s22] =	ssyncadd.s32 s4;
	_ =	sdelay $0x1  }
0xa1: {  	s23 =	simm.s32 $0x1B8B  }
0xa2: {  	_ =	swait.ge [sflag:s23], $0x1  }
0xa3: {  	[sflag:s23] =	ssyncset.done $0x0  }
0xa4: {  	s25 =	simm.s32 $0x1B8E;
	s24 =	sld [smem:$0x3FFE];
	[sflag:s23] =	ssyncadd.s32 $0xFFFFFFFF  }
0xa5: {  	s26 =	simm.s32 $execute0_lowered;
	[smem:$0x3FD2] =	sst s25  }
0xa6: {  	s5 =	sshll.u32 s26, $0x1;
	_ =	strace $0x80000046;
	[dreg:$0x1] =	wrdreg $0xFFFFFFFF  }
0xa7: {  	s28 =	simm.s32 $_size_execute0_lowered;
	s3 =	sadd.s32 s3, s5;
	[dreg:$0x0] =	wrdreg $0x0  }
0xa8: {  	s5 =	sshll.u32 s28, $0x1;
	[dreg:$0x2] =	wrdreg s3  }
0xa9: {  	[dreg:$0x3] =	wrdreg s5  }
0xaa: {  	[dreg:$0x4] =	wrdreg $0xC0  }
0xab: {  	_ =	task [dreg:s7], $0x5FFFF  }
0xac: {  	[dreg:$0x1] =	wrdreg $0xFFFFFFFF  }
0xad: {  	[dreg:$0x0] =	wrdreg $0x60  }
0xae: {  	[dreg:$0x2] =	wrdreg s24  }
0xaf: {  	[dreg:$0x3] =	wrdreg s2  }
0xb0: {  	[dreg:$0x4] =	wrdreg $0x9  }
0xb1: {  	_ =	task.clear_ibuf [dreg:s7], $0x5FFFF;
	_ =	strace $0x90000046  }
0xb2: {  	s29 =	simm.s32 $0x9;
	_ =	strace $0x80000048  }
0xb3: {  	_ =	swait.ge [sflag:s29], $0x1  }
0xb4: {  	[sflag:s29] =	ssyncadd.s32 $0xFFFFFFFF  }
0xb5: {  	_ =	strace $0x90000048  }
0xb6: {  	_ =	sfence  }
0xb7: {  	s30 =	sld [smem:$0x0];
	_ =	sdelay $0x2  }
0xb8: {  	s31 =	sshll.u32 s1, $0xD;
	s1 =	sshrl.u32 s1, $0x2  }
0xb9: {  	s3 =	sand.u32 $0x4000, s31;
	s1 =	sadd.s32 s1, s30  }
0xba: {  	s0 =	sor.u32 s3, s0;
	s1 =	sshll.u32 s1, $0x11  }
0xbb: {  	s0 =	sor.u32 s1, s0  }
0xbc: {  	s0 =	sadd.s32 $0x8F2B, s0  }
0xbd: {  	[sflag:s0] =	ssyncadd.remote.s32 $0x1  }
0xbe: {  	_ =	sfence.sel $0xFFFF  }
0xbf: {  	[dreg:$0x0] =	wrdreg $0xFFFFFFFF;
	(pc) =	sbr.abs _section_cstart, $3  }
0xc0: {  	[dreg:$0x1] =	wrdreg $0xFFFFFFFF  }
0xc1: {  	_ =	task.clear_ibuf [dreg:s7], $0x2FFFF;
	_ =	strace $0x9FFFFFFF  }
0xc2: {  	(tm) =	ssettm $0x7FFFFFFF  }
0xc3: {  	_ =	shalt  }
tec
execute0_lowered:
.L_overlay_start_1:
0x0: {  	(tag) =	ssettag $0x1  }
0x1: {  	v0 =	vlaneseq.u32  }
0x2: {  	v17 =	vmul.u32 $0x80, v0;
	_ =	sdelay $0x1  }
0x3: {  	v0 =	vor.u32 $0x2800, v17  }
0x4: {  	v41 =	vor.u32 $0x3800, v17;
	[tilespmem:$0x1FC10] =	vst v0  }
0x5: {  	v42 =	vor.u32 $0x1801, v17;
	[tilespmem:$0x1FC20] =	vst v41  }
0x6: {  	v43 =	vor.u32 $0x2001, v17;
	[tilespmem:$0x1FC30] =	vst v42  }
0x7: {  	v44 =	vor.u32 $0x3001, v17;
	[tilespmem:$0x1FC40] =	vst v43  }
0x8: {  	v45 =	vor.u32 $0x3801, v17;
	[tilespmem:$0x1FC50] =	vst v44  }
0x9: {  	v46 =	vor.u32 $0x2002, v17;
	[tilespmem:$0x1FC60] =	vst v45  }
0xa: {  	v47 =	vor.u32 $0x2802, v17;
	[tilespmem:$0x1FC70] =	vst v46  }
0xb: {  	v48 =	vor.u32 $0x3002, v17;
	[tilespmem:$0x1FC80] =	vst v47  }
0xc: {  	v49 =	vor.u32 $0x3802, v17;
	[tilespmem:$0x1FC90] =	vst v48  }
0xd: {  	v50 =	vor.u32 $0x3003, v17;
	[tilespmem:$0x1FCA0] =	vst v49  }
0xe: {  	s5 =	rddreg [dreg:$0x0];
	s2 =	simm.s32 $0x0;
	v51 =	vor.u32 $0x3803, v17;
	[tilespmem:$0x1FCB0] =	vst v50  }
0xf: {  	[smem:$0x7FF] =	sst s2;
	v52 =	vor.u32 $0x3804, v17;
	[tilespmem:$0x1FCC0] =	vst v51  }
0x10: {  	s1 =	rddreg [dreg:$0x1];
	v54 =	vor.u32 $0x6, v17;
	_ =	strace $0x80000047;
	[tilespmem:$0x1FCD0] =	vst v52  }
0x11: {  	v55 =	vor.u32 $0x2806, v17;
	[tilespmem:$0x1FCE0] =	vst v54  }
0x12: {  	v56 =	vor.u32 $0x3007, v17;
	[tilespmem:$0x1FCF0] =	vst v55  }
0x13: {  	v57 =	vor.u32 $0x3807, v17;
	[tilespmem:$0x1FD00] =	vst v56  }
0x14: {  	[tilespmem:$0x1FD10] =	vst v57  }
0x15: {  	v19 =	vor.u32 $0x800, v17;
	[tilespmem:$0x1FD20] =	vst v17  }
0x16: {  	v20 =	vor.u32 $0x1000, v17;
	[tilespmem:$0x1FD30] =	vst v19  }
0x17: {  	v21 =	vor.u32 $0x2000, v17;
	[tilespmem:$0x1FD40] =	vst v20  }
0x18: {  	v36 =	vor.u32 $0x3806, v17;
	[tilespmem:$0x1FD50] =	vst v21  }
0x19: {  	v33 =	vor.u32 $0x2, v17;
	[tilespmem:$0x1FD60] =	vst v36  }
0x1a: {  	v16 =	vor.u32 $0x1, v17;
	[tilespmem:$0x1FD70] =	vst v33  }
0x1b: {  	v7 =	vor.u32 $0x7, v17;
	[tilespmem:$0x1FD80] =	vst v16  }
0x1c: {  	v8 =	vor.u32 $0x802, v17;
	[tilespmem:$0x1FD90] =	vst v7  }
0x1d: {  	v15 =	vor.u32 $0x3000, v17;
	[tilespmem:$0x1FDA0] =	vst v8  }
0x1e: {  	v11 =	vor.u32 $0x801, v17;
	[tilespmem:$0x1FDB0] =	vst v15  }
0x1f: {  	v43 =	vor.u32 $0x2801, v17;
	[tilespmem:$0x1FDC0] =	vst v11  }
0x20: {  	v37 =	vor.u32 $0x1002, v17;
	[tilespmem:$0x1FDD0] =	vst v43  }
0x21: {  	v41 =	vor.u32 $0x1802, v17;
	[tilespmem:$0x1FDE0] =	vst v37  }
0x22: {  	v25 =	vor.u32 $0x1800, v17;
	[tilespmem:$0x1FDF0] =	vst v41  }
0x23: {  	v14 =	vor.u32 $0x1001, v17;
	[tilespmem:$0x1FE00] =	vst v25  }
0x24: {  	v38 =	vor.u32 $0x2003, v17;
	[tilespmem:$0x1FE10] =	vst v14  }
0x25: {  	v53 =	vor.u32 $0x2004, v17;
	[tilespmem:$0x1FE20] =	vst v38  }
0x26: {  	v40 =	vor.u32 $0x1003, v17;
	[tilespmem:$0x1FE30] =	vst v53  }
0x27: {  	v22 =	vor.u32 $0x806, v17;
	[tilespmem:$0x1FE40] =	vst v40  }
0x28: {  	v28 =	vor.u32 $0x1005, v17;
	[tilespmem:$0x1FE50] =	vst v22  }
0x29: {  	v48 =	vor.u32 $0x1007, v17;
	[tilespmem:$0x1FE60] =	vst v28  }
0x2a: {  	v39 =	vor.u32 $0x1004, v17;
	[tilespmem:$0x1FE70] =	vst v48  }
0x2b: {  	v59 =	vor.u32 $0x807, v17;
	[tilespmem:$0x1FE80] =	vst v39  }
0x2c: {  	v12 =	vor.u32 $0x1803, v17;
	[tilespmem:$0x1FE90] =	vst v59  }
0x2d: {  	v18 =	vor.u32 $0x1804, v17;
	[tilespmem:$0x1FEA0] =	vst v12  }
0x2e: {  	v44 =	vor.u32 $0x1805, v17;
	[tilespmem:$0x1FEB0] =	vst v18  }
0x2f: {  	v42 =	vor.u32 $0x805, v17;
	[tilespmem:$0x1FED0] =	vst v44  }
0x30: {  	v45 =	vor.u32 $0x2803, v17;
	[tilespmem:$0x1FEE0] =	vst v42  }
0x31: {  	v29 =	vor.u32 $0x2005, v17;
	[tilespmem:$0x1FEF0] =	vst v45  }
0x32: {  	v31 =	vor.u32 $0x5, v17;
	[tilespmem:$0x1FF10] =	vst v29  }
0x33: {  	v27 =	vor.u32 $0x804, v17;
	[tilespmem:$0x1FF20] =	vst v31  }
0x34: {  	v6 =	vor.u32 $0x4, v17;
	[tilespmem:$0x1FF30] =	vst v27  }
0x35: {  	v10 =	vor.u32 $0x803, v17;
	[tilespmem:$0x1FF40] =	vst v6  }
0x36: {  	v9 =	vor.u32 $0x3, v17;
	[tilespmem:$0x1FF50] =	vst v10  }
0x37: {  	v13 =	vor.u32 $0x3805, v17;
	[tilespmem:$0x1FF60] =	vst v9  }
0x38: {  	v30 =	vor.u32 $0x3005, v17;
	[tilespmem:$0x1FF70] =	vst v13  }
0x39: {  	s3 =	srdreg.scid;
	v58 =	vor.u32 $0x2804, v17;
	[tilespmem:$0x1FF80] =	vst v30  }
0x3a: {  	s0 =	stileid.u32;
	s9 =	simm.s32 $0xF200;
	s10 =	simm.s32 $0x400;
	v32 =	vor.u32 $0x2805, v17;
	[tilespmem:$0x1FF90] =	vst v58  }
0x3b: {  	s11 =	simm.s32 $0x20000;
	s12 =	simm.s32 $0x3200;
	s13 =	simm.s32 $0x4;
	v63 =	vor.u32 $0x2006, v17;
	[tilespmem:$0x1FFA0] =	vst v32  }
0x3c: {  	s14 =	simm.s32 $0x13200;
	s15 =	simm.s32 $0x5200;
	s16 =	simm.s32 $0x5;
	v62 =	vor.u32 $0x1806, v17;
	[tilespmem:$0x1FFC0] =	vst v63  }
0x3d: {  	s17 =	simm.s32 $0x6;
	s18 =	simm.s32 $0x80;
	s19 =	simm.s32 $0x1;
	v61 =	vor.u32 $0x3004, v17;
	[tilespmem:$0x1FFD0] =	vst v62  }
.Ltmp0:
0x3e: {  	s20 =	simm.s32 $0x7200;
	s6 =	sand.u32 $0x1, s3;
	v60 =	vor.u32 $0x3006, v17;
	[tilespmem:$0x1FFE0] =	vst v61;
	(pc) =	sbr.rel .LBB2_1-.Ltmp0, $4  }
0x3f: {  	s21 =	simm.s32 $0x2;
	s22 =	simm.s32 $0xB200;
	s7 =	ssub.s32 $0x2, s6;
	v52 =	vor.u32 $0x1807, v17;
	[tilespmem:$0x1FFF0] =	vst v60  }
0x40: {  	s4 =	sadd.s32 $0xF42A00, s5;
	s31 =	sshll.u32 s0, $0x3;
	s8 =	sshrl.u32 s7, $0x1;
	v55 =	vor.u32 $0x2007, v17;
	[tilespmem:$0x1FEC0] =	vst v52  }
0x41: {  	s5 =	sadd.s32 $0xF5BA00, s5;
	s6 =	sshll.u32 s6, $0x2;
	s7 =	ssub.s32 s7, s8;
	v54 =	vor.u32 $0x2807, v17;
	[tilespmem:$0x1FF00] =	vst v55  }
0x42: {  	s6 =	sor.u32 s6, s31;
	v24 =	vor.u32 $0x1006, v17;
	s8 =	simm.s32 $0x3;
	s7 =	smax.u32 s7, $0x1;
	[tilespmem:$0x1FFB0] =	vst v54  }
.LBB2_15:
0x43: {  	s2 =	sadd.s32 $0x1, s2  }
0x44: {  	_ =	swait.ge [sflag:s16], $0x2000;
	p0 =	sne.s32 s2, s7  }
.Ltmp1:
0x45: {  	[sflag:s16] =	ssyncset.done $0x0;
	(pc) =	sbr.rel @!p0 .LBB2_16-.Ltmp1, $4  }
0x46: {  	[sflag:s16] =	ssyncadd.s32 $0xFFFFE000  }
0x47: {  	_ =	swait.ge [sflag:s17], $0x2000  }
0x48: {  	[sflag:s17] =	ssyncset.done $0x0  }
0x49: {  	[sflag:s17] =	ssyncadd.s32 $0xFFFFE000  }
.LBB2_1:
0x4a: {  	s23 =	simm.s32 $0x0  }
.LBB2_2:
0x4b: {  	s24 =	sshll.u32 s23, $0x2;
	p0 =	seq.s32 s23, $0x32  }
0x4c: {  	s25 =	smul.u32 @!p0 $0x29, s24;
	_ =	sdelay $0x1  }
0x4d: {  	s25 =	sshrl.u32 @!p0 s25, $0xB  }
0x4e: {  	s25 =	sand.u32 @!p0 $0x1F, s25  }
0x4f: {  	s26 =	smul.u32 @!p0 $0x32, s25;
	_ =	sdelay $0x1  }
0x50: {  	s26 =	ssub.s32 @!p0 s24, s26  }
0x51: {  	s26 =	sand.u32 @!p0 $0xFF, s26  }
0x52: {  	p2 =	seq.s32 @!p0 s26, $0x0  }
0x53: {  	p1 =	por !p2, p0  }
0x54: {  	s28 =	sand.u32 @!p1 $0x1, s25  }
0x55: {  	p3 =	seq.s32 @!p1 s28, $0x1  }
0x56: {  	s29 =	sadd.s32 @!p1 s25, s6;
	p3 =	por @!p0 !p3, !p2  }
0x57: {  	s31 =	simm.s32 @!p1 $0x80;
	s28 =	simm.s32 @!p1 $0x6400;
	p3 =	por !p3, p0  }
0x58: {  	s0 =	simm.s32 @!p1 $0x4000;
	s29 =	sshll.u32 @!p1 s29, $0x4;
	s28 =	simm.s32 @!p3 $0x0  }
0x59: {  	s29 =	sadd.s32 @!p1 s4, s29;
	p3 =	por p2, p0;
	s30 =	sshrl.u32 @!p1 s28, $0x2  }
0x5a: {  	[tilespmem:s30], [sflag:$0x7] =	stream.strided.gather @!p1 [hbm4b:s29+s31], $0x1900, s0, s31, $0x38;
	[tilespmem:$0x17200] =	vst v63  }
0x5b: {  	s0 =	sand.u32 @!p3 $0x1, s25  }
0x5c: {  	p4 =	seq.s32 @!p3 s0, $0x1  }
0x5d: {  	p2 =	por @!p0 !p4, p2  }
0x5e: {  	s25 =	simm.s32 @!p3 $0x6400;
	s0 =	simm.s32 @!p1 $0x7;
	p2 =	por !p2, p0  }
0x5f: {  	_ =	swait.ge @!p1 [sflag:s0], $0x1900;
	s25 =	simm.s32 @!p2 $0x0  }
0x60: {  	[sflag:s0] =	ssyncset.done @!p1 $0x0;
	s28 =	smov.u32 @p1 s25  }
0x61: {  	[sflag:s0] =	ssyncadd.s32 @!p1 $0xFFFFE700;
	s25 =	sshll.u32 @!p0 s26, $0x7;
	s0 =	sshrl.u32 @!p0 s28, $0x2  }
0x62: {  	s26 =	simm.s32 @!p0 $0x7200;
	s0 =	sadd.s32 @!p0 s25, s0;
	s25 =	simm.s32 @!p0 $0x80  }
0x63: {  	[tilespmem:s26], [sflag:$0x1] =	stream.indirect.gather @!p0 [hbm4b:s5+s25], $0x80, s0, s25, $0xb8;
	[tilespmem:$0x17200] =	vst v63  }
0x64: {  	s26 =	sadd.s32 @!p0 $0xFFFFFFFE, s24  }
0x65: {  	p1 =	sgt.u32 @!p0 s26, $0xC7  }
0x66: {  	p1 =	por p0, !p1  }
.Ltmp2:
0x67: {  	_ = 	snop;
	(pc) =	sbr.rel @!p1 .LBB2_6-.Ltmp2, $2  }
0x68: {  	_ =	sdelay $0x2  }
0x69: {  	s25 =	simm.s32 @!p0 $0x1  }
0x6a: {  	s0 =	simm.s32 $0x0  }
0x6b: {  	v0 =	vmov s0  }
0x6c: {  	v0 =	vshrl.u32 v0, $0x3  }
0x6d: {  	v0 =	vshll.u32 v0, $0x3  }
0x6e: {  	_ =	swait.ge [sflag:s8], $0x4000;
	v56 =	vbroadcast v0, $0x0  }
0x6f: {  	p1 =	seq.s32 s23, $0x0;
	[sflag:s8] =	ssyncset.done $0x0  }
0x70: {  	s0 =	simm.s32 @!p1 $0x5;
	[sflag:s8] =	ssyncadd.s32 $0xFFFFC000;
	v0 =	vor.u32 v17, v56  }
0x71: {  	_ =	swait.ge @!p1 [sflag:s0], $0x2000;
	v2 =	vor.u32 v33, v56  }
0x72: {  	v35 =	vld [tilespmem:$0x1FCE0];
	v3 =	vor.u32 v9, v56  }
0x73: {  	[sflag:s0] =	ssyncset.done @!p1 $0x0;
	v4 =	vor.u32 v6, v56  }
0x74: {  	[sflag:s0] =	ssyncadd.s32 @!p1 $0xFFFFE000;
	v5 =	vor.u32 v31, v56  }
0x75: {  	v1 =	vor.u32 v16, v56;
	v0 =	vld.idx.msk [tilespmem:v0+s9+$0x0], $0xffff  }
0x76: {  	v47 =	vmov v9;
	v9 =	vmov v7;
	v7 =	vor.u32 v7, v56;
	v2 =	vld.idx.msk [tilespmem:v2+s9+$0x0], $0xffff  }
0x77: {  	v6 =	vor.u32 v35, v56;
	v3 =	vld.idx.msk [tilespmem:v3+s9+$0x0], $0xffff  }
0x78: {  	v8 =	vor.u32 v8, v56;
	v4 =	vld.idx.msk [tilespmem:v4+s9+$0x0], $0xffff  }
0x79: {  	s25 =	simm.s32 $0x3400;
	v46 =	vmov v9;
	v9 =	vor.u32 v10, v56;
	v5 =	vld.idx.msk [tilespmem:v5+s9+$0x0], $0xffff  }
0x7a: {  	v10 =	vor.u32 v27, v56;
	v1 =	vld.idx.msk [tilespmem:v1+s9+$0x0], $0xffff;
	[tilespmem:s25+$0xFFFFFE00] =	vst v0  }
0x7b: {  	v7 =	vld.idx.msk [tilespmem:v7+s9+$0x0], $0xffff;
	v0 =	vor.u32 v42, v56;
	[tilespmem:s25+$0xFFFFFF00] =	vst v2  }
0x7c: {  	v6 =	vld.idx.msk [tilespmem:v6+s9+$0x0], $0xffff;
	v2 =	vor.u32 v11, v56;
	[tilespmem:s25+$0xFFFFFF80] =	vst v3  }
0x7d: {  	v11 =	vor.u32 v59, v56;
	[tilespmem:s25+$0x0] =	vst v4;
	v8 =	vld.idx.msk [tilespmem:v8+s9+$0x0], $0xffff  }
0x7e: {  	v3 =	vor.u32 v19, v56;
	[tilespmem:s25+$0x80] =	vst v5;
	v9 =	vld.idx.msk [tilespmem:v9+s9+$0x0], $0xffff  }
0x7f: {  	v4 =	vor.u32 v22, v56;
	[tilespmem:s25+$0xFFFFFE80] =	vst v1;
	v10 =	vld.idx.msk [tilespmem:v10+s9+$0x0], $0xffff  }
0x80: {  	v1 =	vor.u32 v40, v56;
	[tilespmem:s25+$0x180] =	vst v7;
	v0 =	vld.idx.msk [tilespmem:v0+s9+$0x0], $0xffff  }
0x81: {  	v5 =	vor.u32 v39, v56;
	[tilespmem:s25+$0x100] =	vst v6;
	v2 =	vld.idx.msk [tilespmem:v2+s9+$0x0], $0xffff  }
0x82: {  	v7 =	vor.u32 v28, v56;
	v6 =	vld.idx.msk [tilespmem:v11+s9+$0x0], $0xffff;
	[tilespmem:s25+$0xFFFFFF10] =	vst v8  }
0x83: {  	v3 =	vld.idx.msk [tilespmem:v3+s9+$0x0], $0xffff;
	v8 =	vor.u32 v48, v56;
	[tilespmem:s25+$0xFFFFFF90] =	vst v9  }
0x84: {  	v11 =	vor.u32 v14, v56;
	v4 =	vld.idx.msk [tilespmem:v4+s9+$0x0], $0xffff;
	[tilespmem:s25+$0x10] =	vst v10  }
0x85: {  	v1 =	vld.idx.msk [tilespmem:v1+s9+$0x0], $0xffff;
	[tilespmem:s25+$0x90] =	vst v0  }
0x86: {  	v9 =	vor.u32 v37, v56;
	v5 =	vld.idx.msk [tilespmem:v5+s9+$0x0], $0xffff;
	[tilespmem:s25+$0xFFFFFE90] =	vst v2  }
0x87: {  	v10 =	vor.u32 v12, v56;
	[tilespmem:s25+$0x190] =	vst v6;
	v2 =	vld.idx.msk [tilespmem:v7+s9+$0x0], $0xffff  }
0x88: {  	v0 =	vor.u32 v24, v56;
	[tilespmem:s25+$0xFFFFFE10] =	vst v3;
	v3 =	vld.idx.msk [tilespmem:v8+s9+$0x0], $0xffff  }
0x89: {  	[tilespmem:s25+$0x110] =	vst v4;
	v7 =	vor.u32 v44, v56;
	v11 =	vld.idx.msk [tilespmem:v11+s9+$0x0], $0xffff  }
0x8a: {  	[tilespmem:s25+$0xFFFFFFA0] =	vst v1  }
0x8b: {  	v6 =	vor.u32 v20, v56;
	v9 =	vld.idx.msk [tilespmem:v9+s9+$0x0], $0xffff;
	[tilespmem:s25+$0x20] =	vst v5  }
0x8c: {  	v8 =	vor.u32 v52, v56;
	v4 =	vld.idx.msk [tilespmem:v10+s9+$0x0], $0xffff;
	[tilespmem:s25+$0xA0] =	vst v2  }
0x8d: {  	v1 =	vor.u32 v18, v56;
	v0 =	vld.idx.msk [tilespmem:v0+s9+$0x0], $0xffff;
	[tilespmem:s25+$0x1A0] =	vst v3  }
0x8e: {  	v10 =	vor.u32 v41, v56;
	[tilespmem:s25+$0xFFFFFEA0] =	vst v11;
	v5 =	vld.idx.msk [tilespmem:v7+s9+$0x0], $0xffff  }
0x8f: {  	v2 =	vor.u32 v62, v56;
	v50 =	vld [tilespmem:$0x1FC30]  }
0x90: {  	v6 =	vld.idx.msk [tilespmem:v6+s9+$0x0], $0xffff;
	v3 =	vor.u32 v29, v56  }
0x91: {  	v7 =	vor.u32 v38, v56;
	v8 =	vld.idx.msk [tilespmem:v8+s9+$0x0], $0xffff  }
0x92: {  	[tilespmem:s25+$0xFFFFFF20] =	vst v9;
	v1 =	vld.idx.msk [tilespmem:v1+s9+$0x0], $0xffff;
	v9 =	vor.u32 v25, v56  }
0x93: {  	v10 =	vld.idx.msk [tilespmem:v10+s9+$0x0], $0xffff;
	[tilespmem:s25+$0x120] =	vst v0;
	v0 =	vor.u32 v55, v56  }
0x94: {  	v2 =	vld.idx.msk [tilespmem:v2+s9+$0x0], $0xffff;
	v11 =	vor.u32 v50, v56;
	[tilespmem:s25+$0xB0] =	vst v5  }
0x95: {  	v34 =	vmov v32;
	[tilespmem:s25+$0xFFFFFFB0] =	vst v4;
	v4 =	vor.u32 v63, v56;
	v3 =	vld.idx.msk [tilespmem:v3+s9+$0x0], $0xffff  }
0x96: {  	[tilespmem:s25+$0xFFFFFE20] =	vst v6;
	v6 =	vor.u32 v34, v56;
	v5 =	vld.idx.msk [tilespmem:v7+s9+$0x0], $0xffff  }
0x97: {  	[tilespmem:s25+$0x1B0] =	vst v8;
	v8 =	vld.idx.msk [tilespmem:v9+s9+$0x0], $0xffff  }
0x98: {  	v48 =	vmov v45;
	v7 =	vor.u32 v53, v56;
	[tilespmem:s25+$0x30] =	vst v1;
	v0 =	vld.idx.msk [tilespmem:v0+s9+$0x0], $0xffff  }
0x99: {  	v1 =	vor.u32 v48, v56;
	[tilespmem:s25+$0x130] =	vst v2;
	v11 =	vld.idx.msk [tilespmem:v11+s9+$0x0], $0xffff  }
0x9a: {  	v9 =	vor.u32 v21, v56;
	v2 =	vld.idx.msk [tilespmem:v4+s9+$0x0], $0xffff;
	[tilespmem:s25+$0xC0] =	vst v3  }
0x9b: {  	[tilespmem:s25+$0xFFFFFF30] =	vst v10;
	v4 =	vld.idx.msk [tilespmem:v6+s9+$0x0], $0xffff  }
0x9c: {  	v23 =	vld [tilespmem:$0x1FCF0]  }
0x9d: {  	[tilespmem:s25+$0xFFFFFFC0] =	vst v5;
	v5 =	vld.idx.msk [tilespmem:v7+s9+$0x0], $0xffff  }
0x9e: {  	[tilespmem:s25+$0xFFFFFE30] =	vst v8;
	v1 =	vld.idx.msk [tilespmem:v1+s9+$0x0], $0xffff  }
0x9f: {  	v9 =	vld.idx.msk [tilespmem:v9+s9+$0x0], $0xffff;
	[tilespmem:s25+$0x1C0] =	vst v0  }
0xa0: {  	v51 =	vmov v39;
	v39 =	vmov v38;
	v3 =	vor.u32 v54, v56;
	v38 =	vld [tilespmem:$0x1FCB0]  }
0xa1: {  	v7 =	vor.u32 v30, v56;
	v10 =	vld [tilespmem:$0x1FC10];
	[tilespmem:s25+$0x140] =	vst v2  }
0xa2: {  	v57 =	vmov v59;
	v59 =	vld [tilespmem:$0x1FC40];
	[tilespmem:s25+$0xD0] =	vst v4  }
0xa3: {  	v6 =	vor.u32 v23, v56;
	v41 =	vld [tilespmem:$0x1FC70];
	[tilespmem:s25+$0x40] =	vst v5  }
0xa4: {  	v8 =	vor.u32 v58, v56;
	[tilespmem:s25+$0xFFFFFFD0] =	vst v1  }
0xa5: {  	v3 =	vld.idx.msk [tilespmem:v3+s9+$0x0], $0xffff;
	[tilespmem:s25+$0xFFFFFE40] =	vst v9;
	v0 =	vor.u32 v38, v56  }
0xa6: {  	v5 =	vld.idx.msk [tilespmem:v7+s9+$0x0], $0xffff;
	[tilespmem:s25+$0xFFFFFEB0] =	vst v11;
	v10 =	vor.u32 v10, v56  }
0xa7: {  	v26 =	vmovc v40;
	v40 =	vmov v37;
	v37 =	vmov v58;
	v58 =	vld [tilespmem:$0x1FCC0];
	v2 =	vor.u32 v59, v56  }
0xa8: {  	v4 =	vld.idx.msk [tilespmem:v6+s9+$0x0], $0xffff;
	v6 =	vor.u32 v41, v56  }
0xa9: {  	v7 =	vor.u32 v60, v56;
	v1 =	vld.idx.msk [tilespmem:v8+s9+$0x0], $0xffff  }
0xaa: {  	v8 =	vld.idx.msk [tilespmem:v0+s9+$0x0], $0xffff  }
0xab: {  	s31 =	simm.s32 $0x8;
	v9 =	vor.u32 v13, v56;
	[tilespmem:s25+$0x1D0] =	vst v3;
	v10 =	vld.idx.msk [tilespmem:v10+s9+$0x0], $0xffff  }
0xac: {  	v11 =	vor.u32 v61, v56;
	[tilespmem:s25+$0xE0] =	vst v5;
	v0 =	vmov s31;
	v2 =	vld.idx.msk [tilespmem:v2+s9+$0x0], $0xffff  }
0xad: {  	v45 =	vmov v12;
	v12 =	vor.u32 v58, v56;
	v0 =	vshrl.u32 v0, $0x3;
	[tilespmem:s25+$0x150] =	vst v4;
	v4 =	vld.idx.msk [tilespmem:v6+s9+$0x0], $0xffff  }
0xae: {  	v3 =	vor.u32 v15, v56;
	[tilespmem:s25+$0x50] =	vst v1;
	v0 =	vshll.u32 v0, $0x3;
	v6 =	vld.idx.msk [tilespmem:v7+s9+$0x0], $0xffff  }
0xaf: {  	v5 =	vor.u32 v43, v56;
	v0 =	vbroadcast v0, $0x0;
	v1 =	vld [tilespmem:$0x1FC80]  }
0xb0: {  	v7 =	vld.idx.msk [tilespmem:v9+s9+$0x0], $0xffff;
	[tilespmem:s25+$0xFFFFFFE0] =	vst v8  }
0xb1: {  	v8 =	vld.idx.msk [tilespmem:v11+s9+$0x0], $0xffff;
	[tilespmem:s25+$0xFFFFFE50] =	vst v10;
	v10 =	vor.u32 v17, v0  }
0xb2: {  	v11 =	vld.idx.msk [tilespmem:v12+s9+$0x0], $0xffff  }
0xb3: {  	v9 =	vor.u32 v36, v56;
	v3 =	vld.idx.msk [tilespmem:v3+s9+$0x0], $0xffff;
	[tilespmem:s25+$0xFFFFFEC0] =	vst v2  }
0xb4: {  	v5 =	vld.idx.msk [tilespmem:v5+s9+$0x0], $0xffff;
	[tilespmem:s25+$0xFFFFFF40] =	vst v4  }
0xb5: {  	v4 =	vld [tilespmem:$0x1FCD0];
	[tilespmem:s25+$0x160] =	vst v6  }
0xb6: {  	[tilespmem:s25+$0xF0] =	vst v7;
	v10 =	vld.idx.msk [tilespmem:v10+s9+$0x0], $0xffff  }
0xb7: {  	v1 =	vor.u32 v1, v56;
	v7 =	vld [tilespmem:$0x1FC50]  }
0xb8: {  	v9 =	vld.idx.msk [tilespmem:v9+s9+$0x0], $0xffff;
	[tilespmem:s25+$0x60] =	vst v8  }
0xb9: {  	v49 =	vmovc v33;
	v32 =	vmovc v14;
	v14 =	vmov v29;
	v29 =	vmov v13;
	v2 =	vor.u32 v16, v0;
	v13 =	vld [tilespmem:$0x1FF40]  }
0xba: {  	v6 =	vor.u32 v49, v0;
	v8 =	vld [tilespmem:$0x1FC90]  }
0xbb: {  	v36 =	vmov v14;
	v14 =	vld [tilespmem:$0x1FF50];
	[tilespmem:s25+$0xFFFFFFF0] =	vst v11;
	v11 =	vor.u32 v47, v0  }
0xbc: {  	v1 =	vld.idx.msk [tilespmem:v1+s9+$0x0], $0xffff;
	v4 =	vor.u32 v4, v56  }
0xbd: {  	[tilespmem:s25+$0xFFFFFE60] =	vst v3  }
0xbe: {  	s28 =	simm.s32 $0x3800;
	v2 =	vld.idx.msk [tilespmem:v2+s9+$0x0], $0xffff;
	[tilespmem:s25+$0xFFFFFED0] =	vst v5;
	v7 =	vor.u32 v7, v56  }
0xbf: {  	v6 =	vld.idx.msk [tilespmem:v6+s9+$0x0], $0xffff;
	[tilespmem:s28+$0xFFFFFE00] =	vst v10;
	v8 =	vor.u32 v8, v56  }
0xc0: {  	[tilespmem:s25+$0x170] =	vst v9;
	v10 =	vld.idx.msk [tilespmem:v11+s9+$0x0], $0xffff  }
0xc1: {  	v3 =	vor.u32 v13, v0;
	[tilespmem:s25+$0xFFFFFF50] =	vst v1;
	v4 =	vld.idx.msk [tilespmem:v4+s9+$0x0], $0xffff  }
0xc2: {  	v5 =	vor.u32 v31, v0;
	v13 =	vld [tilespmem:$0x1FC60]  }
0xc3: {  	v7 =	vld.idx.msk [tilespmem:v7+s9+$0x0], $0xffff  }
0xc4: {  	[tilespmem:s28+$0xFFFFFE80] =	vst v2;
	v8 =	vld.idx.msk [tilespmem:v8+s9+$0x0], $0xffff  }
0xc5: {  	v31 =	vld [tilespmem:$0x1FDA0]  }
0xc6: {  	v1 =	vor.u32 v35, v0;
	[tilespmem:s28+$0xFFFFFF00] =	vst v6;
	v3 =	vld.idx.msk [tilespmem:v3+s9+$0x0], $0xffff  }
0xc7: {  	v9 =	vor.u32 v46, v0;
	v5 =	vld.idx.msk [tilespmem:v5+s9+$0x0], $0xffff;
	[tilespmem:s25+$0x70] =	vst v4  }
0xc8: {  	[tilespmem:s25+$0xFFFFFEE0] =	vst v7  }
0xc9: {  	v11 =	vor.u32 v13, v56;
	[tilespmem:s25+$0xFFFFFF60] =	vst v8  }
0xca: {  	v6 =	vor.u32 v27, v0;
	v4 =	vor.u32 v14, v0;
	v27 =	vld [tilespmem:$0x1FDC0];
	[tilespmem:s28+$0xFFFFFF80] =	vst v10  }
0xcb: {  	v1 =	vld.idx.msk [tilespmem:v1+s9+$0x0], $0xffff;
	v2 =	vor.u32 v31, v0;
	[tilespmem:s28+$0x0] =	vst v3  }
0xcc: {  	v9 =	vld.idx.msk [tilespmem:v9+s9+$0x0], $0xffff;
	[tilespmem:s28+$0x80] =	vst v5  }
0xcd: {  	v7 =	vor.u32 v42, v0;
	v42 =	vld [tilespmem:$0x1FE50]  }
0xce: {  	v10 =	vor.u32 v57, v0;
	v11 =	vld.idx.msk [tilespmem:v11+s9+$0x0], $0xffff  }
0xcf: {  	v3 =	vor.u32 v19, v0;
	v4 =	vld.idx.msk [tilespmem:v4+s9+$0x0], $0xffff  }
0xd0: {  	[tilespmem:s28+$0x100] =	vst v1;
	v1 =	vor.u32 v26, v0;
	v2 =	vld.idx.msk [tilespmem:v2+s9+$0x0], $0xffff  }
0xd1: {  	v6 =	vld.idx.msk [tilespmem:v6+s9+$0x0], $0xffff  }
0xd2: {  	[tilespmem:s28+$0x180] =	vst v9;
	v7 =	vld.idx.msk [tilespmem:v7+s9+$0x0], $0xffff;
	v8 =	vor.u32 v27, v0  }
0xd3: {  	v9 =	vor.u32 v51, v0;
	v10 =	vld.idx.msk [tilespmem:v10+s9+$0x0], $0xffff;
	[tilespmem:s25+$0xFFFFFEF0] =	vst v11  }
0xd4: {  	v3 =	vld.idx.msk [tilespmem:v3+s9+$0x0], $0xffff;
	[tilespmem:s28+$0xFFFFFF90] =	vst v4  }
0xd5: {  	v5 =	vor.u32 v42, v0;
	[tilespmem:s28+$0xFFFFFF10] =	vst v2;
	v1 =	vld.idx.msk [tilespmem:v1+s9+$0x0], $0xffff  }
0xd6: {  	v49 =	vmov v58;
	v58 =	vmov v57;
	v11 =	vor.u32 v28, v0;
	v57 =	vld [tilespmem:$0x1FE70]  }
0xd7: {  	[tilespmem:s28+$0x10] =	vst v6;
	v8 =	vld.idx.msk [tilespmem:v8+s9+$0x0], $0xffff  }
0xd8: {  	[tilespmem:s28+$0x90] =	vst v7;
	v9 =	vld.idx.msk [tilespmem:v9+s9+$0x0], $0xffff  }
0xd9: {  	v6 =	vor.u32 v40, v0;
	v51 =	vld [tilespmem:$0x1FCA0]  }
0xda: {  	v33 =	vmov v24;
	v2 =	vor.u32 v32, v0;
	[tilespmem:s28+$0x190] =	vst v10;
	v5 =	vld.idx.msk [tilespmem:v5+s9+$0x0], $0xffff  }
0xdb: {  	v10 =	vor.u32 v33, v0;
	[tilespmem:s28+$0xFFFFFE10] =	vst v3;
	v11 =	vld.idx.msk [tilespmem:v11+s9+$0x0], $0xffff  }
0xdc: {  	[tilespmem:s28+$0xFFFFFFA0] =	vst v1  }
0xdd: {  	v3 =	vor.u32 v44, v0;
	[tilespmem:s28+$0xFFFFFE90] =	vst v8  }
0xde: {  	v4 =	vor.u32 v57, v0;
	v6 =	vld.idx.msk [tilespmem:v6+s9+$0x0], $0xffff;
	[tilespmem:s28+$0x20] =	vst v9  }
0xdf: {  	v7 =	vor.u32 v51, v56;
	v2 =	vld.idx.msk [tilespmem:v2+s9+$0x0], $0xffff;
	[tilespmem:s28+$0x110] =	vst v5  }
0xe0: {  	v8 =	vor.u32 v45, v0;
	[tilespmem:s28+$0xA0] =	vst v11;
	v10 =	vld.idx.msk [tilespmem:v10+s9+$0x0], $0xffff  }
0xe1: {  	v9 =	vor.u32 v18, v0;
	v5 =	vor.u32 v20, v0;
	v18 =	vld [tilespmem:$0x1FDF0]  }
0xe2: {  	v3 =	vld.idx.msk [tilespmem:v3+s9+$0x0], $0xffff  }
0xe3: {  	v22 =	vmov v52;
	v4 =	vld.idx.msk [tilespmem:v4+s9+$0x0], $0xffff  }
0xe4: {  	v14 =	vmov v22;
	[tilespmem:s28+$0xFFFFFF20] =	vst v6;
	v7 =	vld.idx.msk [tilespmem:v7+s9+$0x0], $0xffff  }
0xe5: {  	v1 =	vor.u32 v14, v0;
	v8 =	vld.idx.msk [tilespmem:v8+s9+$0x0], $0xffff;
	[tilespmem:s28+$0xFFFFFEA0] =	vst v2  }
0xe6: {  	v2 =	vor.u32 v39, v0;
	v5 =	vld.idx.msk [tilespmem:v5+s9+$0x0], $0xffff;
	[tilespmem:s28+$0x120] =	vst v10  }
0xe7: {  	[tilespmem:s28+$0xB0] =	vst v3  }
0xe8: {  	v11 =	vor.u32 v18, v0;
	[tilespmem:s28+$0x1A0] =	vst v4  }
0xe9: {  	v9 =	vld.idx.msk [tilespmem:v9+s9+$0x0], $0xffff;
	v4 =	vor.u32 v62, v0;
	[tilespmem:s25+$0xFFFFFF70] =	vst v7  }
0xea: {  	v1 =	vld.idx.msk [tilespmem:v1+s9+$0x0], $0xffff;
	[tilespmem:s28+$0xFFFFFFB0] =	vst v8  }
0xeb: {  	v6 =	vor.u32 v36, v0;
	v2 =	vld.idx.msk [tilespmem:v2+s9+$0x0], $0xffff;
	[tilespmem:s28+$0xFFFFFE20] =	vst v5  }
0xec: {  	v24 =	vmov v53;
	v7 =	vor.u32 v50, v0;
	v53 =	vld [tilespmem:$0x1FD00]  }
0xed: {  	v8 =	vor.u32 v25, v0;
	v11 =	vld.idx.msk [tilespmem:v11+s9+$0x0], $0xffff  }
0xee: {  	v10 =	vor.u32 v55, v0;
	v4 =	vld.idx.msk [tilespmem:v4+s9+$0x0], $0xffff  }
0xef: {  	[tilespmem:s28+$0x30] =	vst v9  }
0xf0: {  	v3 =	vor.u32 v24, v0;
	v5 =	vld.idx.msk [tilespmem:v6+s9+$0x0], $0xffff;
	[tilespmem:s28+$0x1B0] =	vst v1  }
0xf1: {  	v7 =	vld.idx.msk [tilespmem:v7+s9+$0x0], $0xffff;
	[tilespmem:s28+$0xFFFFFFC0] =	vst v2;
	v6 =	vor.u32 v53, v56  }
0xf2: {  	v1 =	vor.u32 v63, v0;
	v8 =	vld.idx.msk [tilespmem:v8+s9+$0x0], $0xffff;
	[tilespmem:s28+$0xFFFFFF30] =	vst v11  }
0xf3: {  	v10 =	vld.idx.msk [tilespmem:v10+s9+$0x0], $0xffff;
	[tilespmem:s28+$0x130] =	vst v4  }
0xf4: {  	v9 =	vor.u32 v34, v0;
	v28 =	vld [tilespmem:$0x1FC20]  }
0xf5: {  	v3 =	vld.idx.msk [tilespmem:v3+s9+$0x0], $0xffff;
	v2 =	vor.u32 v21, v0  }
0xf6: {  	v22 =	vmovc v33;
	v33 =	vmov v50;
	v50 =	vmov v24;
	v11 =	vor.u32 v48, v0;
	[tilespmem:s28+$0xC0] =	vst v5;
	v24 =	vld.idx.msk [tilespmem:v6+s9+$0x0], $0xffff  }
0xf7: {  	v1 =	vld.idx.msk [tilespmem:v1+s9+$0x0], $0xffff;
	[tilespmem:s28+$0xFFFFFEB0] =	vst v7  }
0xf8: {  	v5 =	vor.u32 v54, v0;
	v52 =	vld [tilespmem:$0x1FD10];
	[tilespmem:s28+$0xFFFFFE30] =	vst v8  }
0xf9: {  	v7 =	vld.idx.msk [tilespmem:v9+s9+$0x0], $0xffff;
	[tilespmem:s28+$0x1C0] =	vst v10;
	v4 =	vor.u32 v28, v56  }
0xfa: {  	[tilespmem:s28+$0x40] =	vst v3;
	v3 =	vor.u32 v37, v0;
	v26 =	vld.idx.msk [tilespmem:v2+s9+$0x0], $0xffff  }
0xfb: {  	v12 =	vor.u32 v23, v0;
	v11 =	vld.idx.msk [tilespmem:v11+s9+$0x0], $0xffff;
	[tilespmem:s25+$0x1E0] =	vst v24  }
0xfc: {  	v45 =	vmov v48;
	v48 =	vmov v30;
	v2 =	vor.u32 v30, v0;
	v30 =	vld [tilespmem:$0x1FC10]  }
0xfd: {  	v6 =	vor.u32 v38, v0;
	v21 =	vld.idx.msk [tilespmem:v5+s9+$0x0], $0xffff  }
0xfe: {  	v9 =	vor.u32 v52, v56;
	[tilespmem:s28+$0x140] =	vst v1;
	v56 =	vld.idx.msk [tilespmem:v4+s9+$0x0], $0xffff  }
0xff: {  	v5 =	vld.idx.msk [tilespmem:v3+s9+$0x0], $0xffff;
	[tilespmem:s28+$0xD0] =	vst v7  }
0x100: {  	[tilespmem:s28+$0xFFFFFFD0] =	vst v11;
	v7 =	vld.idx.msk [tilespmem:v12+s9+$0x0], $0xffff  }
0x101: {  	[tilespmem:s28+$0xFFFFFE40] =	vst v26;
	v2 =	vld.idx.msk [tilespmem:v2+s9+$0x0], $0xffff;
	v24 =	vor.u32 v30, v0  }
0x102: {  	v47 =	vmovc v34;
	v46 =	vmovc v37;
	v44 =	vmov v38;
	v36 =	vmov v49;
	v39 =	vmov v31;
	v3 =	vld.idx.msk [tilespmem:v6+s9+$0x0], $0xffff;
	[tilespmem:s28+$0x1D0] =	vst v21  }
0x103: {  	v31 =	vmovc v27;
	v34 =	vmov v59;
	v10 =	vor.u32 v60, v0;
	v37 =	vmov v13;
	v8 =	vld.idx.msk [tilespmem:v9+s9+$0x0], $0xffff;
	[tilespmem:s25+$0xFFFFFE70] =	vst v56  }
0x104: {  	v1 =	vor.u32 v49, v0;
	v49 =	vmovc v61;
	v11 =	vor.u32 v61, v0;
	v61 =	vmovc v23;
	v23 =	vmov v22;
	v38 =	vld [tilespmem:$0x1FD70]  }
0x105: {  	v22 =	vmovc v42;
	v42 =	vmovc v41;
	v12 =	vor.u32 v59, v0;
	v4 =	vor.u32 v41, v0;
	v41 =	vmov v18;
	v59 =	vld [tilespmem:$0x1FD90]  }
0x106: {  	s26 =	simm.s32 @p0 $0xC6;
	s29 =	simm.s32 $0x10;
	v9 =	vor.u32 v29, v0;
	v27 =	vmovc v30;
	v56 =	vmovc v14;
	v6 =	vld.idx.msk [tilespmem:v24+s9+$0x0], $0xffff;
	v24 =	vmov v29;
	v29 =	vmov v28  }
.LBB2_4:
0x107: {  	_ =	sdelay $0x2  }
0x108: {  	v12 =	vld.idx.msk [tilespmem:v12+s9+$0x0], $0xffff  }
0x109: {  	v4 =	vld.idx.msk [tilespmem:v4+s9+$0x0], $0xffff  }
0x10a: {  	v18 =	vld [tilespmem:$0x1FC90];
	[tilespmem:s28+$0x150] =	vst v7  }
0x10b: {  	[tilespmem:s28+$0xFFFFFFE0] =	vst v3;
	v3 =	vld [tilespmem:$0x1FD60]  }
0x10c: {  	[tilespmem:s28+$0xE0] =	vst v2;
	v10 =	vld.idx.msk [tilespmem:v10+s9+$0x0], $0xffff  }
0x10d: {  	v13 =	vmov s29;
	[tilespmem:s28+$0x50] =	vst v5;
	v5 =	vld.idx.msk [tilespmem:v9+s9+$0x0], $0xffff  }
0x10e: {  	[tilespmem:s25+$0x1F0] =	vst v8;
	v8 =	vshrl.u32 v13, $0x3;
	v9 =	vld.idx.msk [tilespmem:v11+s9+$0x0], $0xffff  }
0x10f: {  	[tilespmem:s28+$0xFFFFFE50] =	vst v6;
	v7 =	vshll.u32 v8, $0x3;
	v6 =	vld.idx.msk [tilespmem:v1+s9+$0x0], $0xffff  }
0x110: {  	v13 =	vor.u32 v15, v0;
	[tilespmem:s28+$0xFFFFFF40] =	vst v4;
	v4 =	vld [tilespmem:$0x1FCD0];
	v2 =	vbroadcast v7, $0x0  }
0x111: {  	v8 =	vor.u32 v43, v0;
	v7 =	vld [tilespmem:$0x1FC80]  }
0x112: {  	v28 =	vmov v15;
	v30 =	vmov v16;
	v15 =	vor.u32 v16, v2;
	v16 =	vld [tilespmem:$0x1FF60]  }
0x113: {  	v14 =	vor.u32 v17, v2;
	v17 =	vld [tilespmem:$0x1FC50]  }
0x114: {  	[tilespmem:s28+$0xFFFFFEC0] =	vst v12;
	v12 =	vor.u32 v38, v2;
	v11 =	vor.u32 v3, v0;
	v3 =	vld [tilespmem:$0x1FE20]  }
0x115: {  	v13 =	vld.idx.msk [tilespmem:v13+s9+$0x0], $0xffff  }
0x116: {  	v8 =	vld.idx.msk [tilespmem:v8+s9+$0x0], $0xffff  }
0x117: {  	[tilespmem:s28+$0x160] =	vst v10;
	v10 =	vld [tilespmem:$0x1FF40]  }
0x118: {  	[tilespmem:s28+$0x60] =	vst v9;
	v7 =	vor.u32 v7, v0;
	v9 =	vld.idx.msk [tilespmem:v15+s9+$0x0], $0xffff  }
0x119: {  	v4 =	vor.u32 v4, v0;
	[tilespmem:s28+$0xF0] =	vst v5;
	v12 =	vld.idx.msk [tilespmem:v12+s9+$0x0], $0xffff  }
0x11a: {  	[tilespmem:s28+$0xFFFFFFF0] =	vst v6;
	v6 =	vor.u32 v59, v2;
	v5 =	vld.idx.msk [tilespmem:v11+s9+$0x0], $0xffff  }
0x11b: {  	v17 =	vor.u32 v17, v0;
	v11 =	vld.idx.msk [tilespmem:v14+s9+$0x0], $0xffff  }
0x11c: {  	v16 =	vor.u32 v16, v2;
	v14 =	vld [tilespmem:$0x1FF20]  }
0x11d: {  	v7 =	vld.idx.msk [tilespmem:v7+s9+$0x0], $0xffff  }
0x11e: {  	v18 =	vor.u32 v18, v0;
	v4 =	vld.idx.msk [tilespmem:v4+s9+$0x0], $0xffff  }
0x11f: {  	[tilespmem:s28+$0xFFFFFED0] =	vst v8;
	v6 =	vld.idx.msk [tilespmem:v6+s9+$0x0], $0xffff  }
0x120: {  	s25 =	smov.u32 s28;
	v10 =	vor.u32 v10, v2;
	v17 =	vld.idx.msk [tilespmem:v17+s9+$0x0], $0xffff  }
0x121: {  	[tilespmem:s25+$0x170] =	vst v5;
	v5 =	vld.idx.msk [tilespmem:v16+s9+$0x0], $0xffff  }
0x122: {  	v15 =	vor.u32 v35, v2;
	[tilespmem:s28+$0xFFFFFF50] =	vst v7;
	v7 =	vld [tilespmem:$0x1FF50]  }
0x123: {  	[tilespmem:s28+$0xFFFFFE60] =	vst v13;
	v13 =	vor.u32 v19, v2;
	s28 =	sadd.s32 $0x400, s28;
	v18 =	vld.idx.msk [tilespmem:v18+s9+$0x0], $0xffff  }
0x124: {  	v14 =	vor.u32 v14, v2;
	[tilespmem:s28+$0xFFFFFE00] =	vst v11;
	v11 =	vld [tilespmem:$0x1FF30]  }
0x125: {  	v16 =	vor.u32 v37, v0;
	[tilespmem:s28+$0xFFFFFE80] =	vst v9;
	v9 =	vld.idx.msk [tilespmem:v10+s9+$0x0], $0xffff  }
0x126: {  	v10 =	vld [tilespmem:$0x1FEE0]  }
0x127: {  	[tilespmem:s25+$0x70] =	vst v4;
	v4 =	vld.idx.msk [tilespmem:v15+s9+$0x0], $0xffff  }
0x128: {  	[tilespmem:s28+$0xFFFFFF00] =	vst v12;
	v15 =	vor.u32 v20, v2;
	v20 =	vor.u32 v31, v2;
	v13 =	vld.idx.msk [tilespmem:v13+s9+$0x0], $0xffff  }
0x129: {  	v12 =	vor.u32 v58, v2;
	[tilespmem:s25+$0xFFFFFEE0] =	vst v17;
	v14 =	vld.idx.msk [tilespmem:v14+s9+$0x0], $0xffff  }
0x12a: {  	v8 =	vor.u32 v39, v2;
	[tilespmem:s28+$0x180] =	vst v6;
	v16 =	vld.idx.msk [tilespmem:v16+s9+$0x0], $0xffff  }
0x12b: {  	v19 =	vor.u32 v22, v2;
	[tilespmem:s28+$0xFFFFFF80] =	vst v5;
	v5 =	vld [tilespmem:$0x1FE40]  }
0x12c: {  	[tilespmem:s28+$0x0] =	vst v9;
	v9 =	vld [tilespmem:$0x1FE80]  }
0x12d: {  	v7 =	vor.u32 v7, v2;
	[tilespmem:s28+$0x100] =	vst v4;
	v4 =	vld.idx.msk [tilespmem:v20+s9+$0x0], $0xffff  }
0x12e: {  	v11 =	vor.u32 v11, v2;
	[tilespmem:s25+$0xFFFFFF60] =	vst v18;
	v12 =	vld.idx.msk [tilespmem:v12+s9+$0x0], $0xffff  }
0x12f: {  	v10 =	vor.u32 v10, v2;
	v8 =	vld.idx.msk [tilespmem:v8+s9+$0x0], $0xffff  }
0x130: {  	v6 =	vor.u32 v57, v2;
	v19 =	vld.idx.msk [tilespmem:v19+s9+$0x0], $0xffff  }
0x131: {  	[tilespmem:s28+$0x80] =	vst v14;
	v14 =	vld [tilespmem:$0x1FE60]  }
0x132: {  	[tilespmem:s25+$0xFFFFFEF0] =	vst v16;
	v16 =	vor.u32 v32, v2;
	v7 =	vld.idx.msk [tilespmem:v7+s9+$0x0], $0xffff  }
0x133: {  	v17 =	vor.u32 v40, v2;
	v11 =	vld.idx.msk [tilespmem:v11+s9+$0x0], $0xffff  }
0x134: {  	v10 =	vld.idx.msk [tilespmem:v10+s9+$0x0], $0xffff;
	[tilespmem:s28+$0x190] =	vst v12  }
0x135: {  	v5 =	vor.u32 v5, v2;
	[tilespmem:s28+$0xFFFFFE90] =	vst v4;
	v6 =	vld.idx.msk [tilespmem:v6+s9+$0x0], $0xffff  }
0x136: {  	[tilespmem:s28+$0x110] =	vst v19;
	v19 =	vld [tilespmem:$0x1FD30]  }
0x137: {  	[tilespmem:s28+$0xFFFFFF10] =	vst v8;
	v16 =	vld.idx.msk [tilespmem:v16+s9+$0x0], $0xffff  }
0x138: {  	v9 =	vor.u32 v9, v2;
	v17 =	vld.idx.msk [tilespmem:v17+s9+$0x0], $0xffff  }
0x139: {  	[tilespmem:s28+$0xFFFFFF90] =	vst v7;
	v7 =	vld [tilespmem:$0x1FEA0]  }
0x13a: {  	[tilespmem:s28+$0xFFFFFE10] =	vst v13;
	v14 =	vor.u32 v14, v2;
	v5 =	vld.idx.msk [tilespmem:v5+s9+$0x0], $0xffff  }
0x13b: {  	v12 =	vor.u32 v56, v2;
	[tilespmem:s28+$0x90] =	vst v10;
	v10 =	vld [tilespmem:$0x1FED0]  }
0x13c: {  	v13 =	vor.u32 v33, v2;
	[tilespmem:s28+$0x10] =	vst v11;
	v11 =	vld [tilespmem:$0x1FEB0]  }
0x13d: {  	v20 =	vor.u32 v51, v0;
	v9 =	vld.idx.msk [tilespmem:v9+s9+$0x0], $0xffff  }
0x13e: {  	[tilespmem:s28+$0x1A0] =	vst v6;
	v6 =	vld [tilespmem:$0x1FF10];
	v7 =	vor.u32 v7, v2  }
0x13f: {  	v18 =	vor.u32 v23, v2;
	v14 =	vld.idx.msk [tilespmem:v14+s9+$0x0], $0xffff  }
0x140: {  	[tilespmem:s28+$0xFFFFFEA0] =	vst v16;
	v12 =	vld.idx.msk [tilespmem:v12+s9+$0x0], $0xffff;
	v10 =	vor.u32 v10, v2  }
0x141: {  	v13 =	vld.idx.msk [tilespmem:v13+s9+$0x0], $0xffff  }
0x142: {  	v11 =	vor.u32 v11, v2;
	[tilespmem:s28+$0xFFFFFFA0] =	vst v5;
	v5 =	vld.idx.msk [tilespmem:v20+s9+$0x0], $0xffff  }
0x143: {  	v8 =	vor.u32 v41, v2;
	[tilespmem:s28+$0x20] =	vst v9;
	v7 =	vld.idx.msk [tilespmem:v7+s9+$0x0], $0xffff  }
0x144: {  	v3 =	vor.u32 v3, v2;
	v9 =	vld.idx.msk [tilespmem:v18+s9+$0x0], $0xffff;
	[tilespmem:s28+$0xA0] =	vst v14  }
0x145: {  	v21 =	vor.u32 v62, v2;
	v10 =	vld.idx.msk [tilespmem:v10+s9+$0x0], $0xffff  }
0x146: {  	[tilespmem:s28+$0xFFFFFF20] =	vst v17;
	v14 =	vld.idx.msk [tilespmem:v15+s9+$0x0], $0xffff  }
0x147: {  	v11 =	vld.idx.msk [tilespmem:v11+s9+$0x0], $0xffff;
	[tilespmem:s25+$0xFFFFFF70] =	vst v5  }
0x148: {  	v6 =	vor.u32 v6, v2;
	v8 =	vld.idx.msk [tilespmem:v8+s9+$0x0], $0xffff;
	[tilespmem:s28+$0xFFFFFFB0] =	vst v7  }
0x149: {  	v5 =	vor.u32 v25, v2;
	[tilespmem:s28+$0x120] =	vst v9;
	v3 =	vld.idx.msk [tilespmem:v3+s9+$0x0], $0xffff  }
0x14a: {  	v7 =	vor.u32 v55, v2;
	[tilespmem:s28+$0xB0] =	vst v10;
	v10 =	vld.idx.msk [tilespmem:v21+s9+$0x0], $0xffff  }
0x14b: {  	v9 =	vor.u32 v50, v2;
	v21 =	vld [tilespmem:$0x1FD50]  }
0x14c: {  	v20 =	vld [tilespmem:$0x1FD40];
	[tilespmem:s28+$0xFFFFFE20] =	vst v14;
	v14 =	vor.u32 v53, v0  }
0x14d: {  	v15 =	vor.u32 v63, v2;
	[tilespmem:s28+$0x1B0] =	vst v12;
	v6 =	vld.idx.msk [tilespmem:v6+s9+$0x0], $0xffff  }
0x14e: {  	v5 =	vld.idx.msk [tilespmem:v5+s9+$0x0], $0xffff;
	[tilespmem:s28+$0xFFFFFF30] =	vst v8;
	v8 =	vor.u32 v45, v2  }
0x14f: {  	[tilespmem:s28+$0x30] =	vst v11;
	v11 =	vor.u32 v47, v2;
	v7 =	vld.idx.msk [tilespmem:v7+s9+$0x0], $0xffff  }
0x150: {  	v12 =	vor.u32 v21, v2;
	[tilespmem:s28+$0xFFFFFFC0] =	vst v3;
	v3 =	vld.idx.msk [tilespmem:v9+s9+$0x0], $0xffff  }
0x151: {  	[tilespmem:s28+$0x130] =	vst v10;
	v9 =	vor.u32 v29, v0;
	v10 =	vld.idx.msk [tilespmem:v14+s9+$0x0], $0xffff  }
0x152: {  	v1 =	vor.u32 v36, v2;
	v14 =	vor.u32 v54, v2;
	[tilespmem:s28+$0xC0] =	vst v6;
	v6 =	vld.idx.msk [tilespmem:v15+s9+$0x0], $0xffff  }
0x153: {  	v4 =	vor.u32 v42, v2;
	[tilespmem:s28+$0xFFFFFEB0] =	vst v13;
	v13 =	vor.u32 v52, v0;
	v0 =	vmov v2;
	v2 =	vld.idx.msk [tilespmem:v8+s9+$0x0], $0xffff  }
0x154: {  	[tilespmem:s28+$0xFFFFFE30] =	vst v5;
	v5 =	vor.u32 v61, v0;
	v11 =	vld.idx.msk [tilespmem:v11+s9+$0x0], $0xffff  }
0x155: {  	v16 =	vor.u32 v48, v0;
	[tilespmem:s28+$0x1C0] =	vst v7;
	v15 =	vld.idx.msk [tilespmem:v12+s9+$0x0], $0xffff  }
0x156: {  	[tilespmem:s28+$0x40] =	vst v3;
	v3 =	vor.u32 v46, v0;
	v17 =	vld.idx.msk [tilespmem:v9+s9+$0x0], $0xffff  }
0x157: {  	v9 =	vor.u32 v44, v0;
	v14 =	vld.idx.msk [tilespmem:v14+s9+$0x0], $0xffff;
	[tilespmem:s25+$0x1E0] =	vst v10  }
0x158: {  	[tilespmem:s28+$0x140] =	vst v6;
	v8 =	vld.idx.msk [tilespmem:v13+s9+$0x0], $0xffff  }
0x159: {  	p1 =	slt.u32 s29, $0x38;
	v18 =	vor.u32 v27, v0;
	[tilespmem:s28+$0xD0] =	vst v11;
	v7 =	vld.idx.msk [tilespmem:v5+s9+$0x0], $0xffff  }
.Ltmp3:
0x15a: {  	[tilespmem:s28+$0xFFFFFFD0] =	vst v2;
	v2 =	vld.idx.msk [tilespmem:v16+s9+$0x0], $0xffff;
	(pc) =	sbr.rel @p1 .LBB2_4-.Ltmp3, $4  }
0x15b: {  	v5 =	vld.idx.msk [tilespmem:v3+s9+$0x0], $0xffff  }
0x15c: {  	[tilespmem:s28+$0xFFFFFE40] =	vst v15;
	v3 =	vld.idx.msk [tilespmem:v9+s9+$0x0], $0xffff  }
0x15d: {  	v12 =	vor.u32 v34, v0;
	v10 =	vor.u32 v60, v0;
	v11 =	vor.u32 v49, v0;
	[tilespmem:s25+$0xFFFFFE70] =	vst v17;
	v17 =	vld [tilespmem:$0x1FD20]  }
0x15e: {  	s29 =	sadd.s32 $0x8, s29;
	v16 =	vmov v30;
	v15 =	vmov v28;
	v9 =	vor.u32 v24, v0;
	[tilespmem:s28+$0x1D0] =	vst v14;
	v6 =	vld.idx.msk [tilespmem:v18+s9+$0x0], $0xffff  }
0x15f: {  	_ =	sdelay $0x3  }
0x160: {  	v12 =	vld.idx.msk [tilespmem:v12+s9+$0x0], $0xffff  }
0x161: {  	v4 =	vld.idx.msk [tilespmem:v4+s9+$0x0], $0xffff;
	v13 =	vor.u32 v43, v0  }
0x162: {  	v14 =	vld [tilespmem:$0x1FC80];
	[tilespmem:s25+$0x1F0] =	vst v8  }
0x163: {  	[tilespmem:s28+$0x150] =	vst v7  }
0x164: {  	[tilespmem:s28+$0xE0] =	vst v2  }
0x165: {  	[tilespmem:s28+$0xFFFFFEC0] =	vst v12  }
0x166: {  	[tilespmem:s28+$0xFFFFFF40] =	vst v4;
	v7 =	vld.idx.msk [tilespmem:v13+s9+$0x0], $0xffff  }
0x167: {  	v14 =	vor.u32 v14, v0;
	v4 =	vld [tilespmem:$0x1FC50];
	[tilespmem:s28+$0x50] =	vst v5  }
0x168: {  	v5 =	vld [tilespmem:$0x1FC90];
	[tilespmem:s28+$0xFFFFFFE0] =	vst v3  }
0x169: {  	v8 =	vld.idx.msk [tilespmem:v10+s9+$0x0], $0xffff;
	[tilespmem:s28+$0xFFFFFE50] =	vst v6  }
0x16a: {  	v10 =	vor.u32 v15, v0;
	v36 =	vld [tilespmem:$0x1FD60]  }
0x16b: {  	v9 =	vld.idx.msk [tilespmem:v9+s9+$0x0], $0xffff;
	v6 =	vor.u32 v53, v0  }
0x16c: {  	v42 =	vld.idx.msk [tilespmem:v14+s9+$0x0], $0xffff;
	[tilespmem:s28+$0xFFFFFED0] =	vst v7  }
0x16d: {  	v4 =	vor.u32 v4, v0;
	v13 =	vld [tilespmem:$0x1FCD0]  }
0x16e: {  	v44 =	vld.idx.msk [tilespmem:v11+s9+$0x0], $0xffff;
	v5 =	vor.u32 v5, v0  }
0x16f: {  	[tilespmem:s28+$0x160] =	vst v8;
	v8 =	vld.idx.msk [tilespmem:v10+s9+$0x0], $0xffff;
	v11 =	vor.u32 v36, v0  }
0x170: {  	[tilespmem:s28+$0xF0] =	vst v9;
	v9 =	vor.u32 v51, v0;
	v51 =	vor.u32 v29, v0;
	v6 =	vld.idx.msk [tilespmem:v6+s9+$0x0], $0xffff  }
0x171: {  	v53 =	vor.u32 v52, v0;
	v1 =	vld.idx.msk [tilespmem:v1+s9+$0x0], $0xffff  }
0x172: {  	[tilespmem:s28+$0xFFFFFF50] =	vst v42;
	v4 =	vld.idx.msk [tilespmem:v4+s9+$0x0], $0xffff;
	v7 =	vor.u32 v13, v0  }
0x173: {  	[tilespmem:s28+$0x60] =	vst v44;
	v2 =	vld.idx.msk [tilespmem:v5+s9+$0x0], $0xffff;
	v5 =	vor.u32 v37, v0  }
0x174: {  	[tilespmem:s28+$0xFFFFFE60] =	vst v8;
	v10 =	vld.idx.msk [tilespmem:v11+s9+$0x0], $0xffff  }
0x175: {  	[tilespmem:s28+$0x1E0] =	vst v6;
	v3 =	vld.idx.msk [tilespmem:v51+s9+$0x0], $0xffff  }
0x176: {  	[tilespmem:s28+$0xFFFFFFF0] =	vst v1;
	v0 =	vld.idx.msk [tilespmem:v53+s9+$0x0], $0xffff  }
0x177: {  	[tilespmem:s28+$0xFFFFFEE0] =	vst v4;
	v61 =	vld.idx.msk [tilespmem:v7+s9+$0x0], $0xffff  }
0x178: {  	v4 =	vld.idx.msk [tilespmem:v5+s9+$0x0], $0xffff;
	[tilespmem:s28+$0xFFFFFF60] =	vst v2  }
0x179: {  	v2 =	vld.idx.msk [tilespmem:v9+s9+$0x0], $0xffff;
	[tilespmem:s28+$0x170] =	vst v10  }
0x17a: {  	[tilespmem:s28+$0xFFFFFE70] =	vst v3  }
0x17b: {  	[tilespmem:s28+$0x1F0] =	vst v0  }
0x17c: {  	[tilespmem:s28+$0x70] =	vst v61  }
0x17d: {  	[tilespmem:s28+$0xFFFFFEF0] =	vst v4  }
0x17e: {  	[tilespmem:s28+$0xFFFFFF70] =	vst v2  }
0x17f: {  	v9 =	vld [tilespmem:$0x1FF60]  }
0x180: {  	v10 =	vld [tilespmem:$0x1FF50]  }
0x181: {  	s0 =	smul.u32 $0x29, s26;
	v37 =	vmov v40;
	v40 =	vld [tilespmem:$0x1FE40]  }
0x182: {  	v12 =	vld [tilespmem:$0x1FEA0]  }
0x183: {  	v33 =	vmov v38;
	s0 =	sshrl.u32 s0, $0xB;
	v38 =	vld [tilespmem:$0x1FE20]  }
0x184: {  	s0 =	sand.u32 $0x1F, s0;
	v6 =	vld [tilespmem:$0x1FF40]  }
0x185: {  	s31 =	smul.u32 $0x32, s0;
	v27 =	vld [tilespmem:$0x1FF30]  }
0x186: {  	v8 =	vmov v39;
	v39 =	vld [tilespmem:$0x1FE80]  }
0x187: {  	s25 =	ssub.s32 s26, s31;
	v11 =	vmov v31;
	v31 =	vld [tilespmem:$0x1FF20]  }
.Ltmp4:
0x188: {  	s25 =	sand.u32 $0xFF, s25;
	v42 =	vld [tilespmem:$0x1FEE0];
	(pc) =	sbr.rel @p0 .LBB2_7-.Ltmp4, $4  }
0x189: {  	s0 =	sadd.s32 s0, s6;
	s25 =	sshll.u32 s25, $0x11;
	v44 =	vld [tilespmem:$0x1FED0]  }
0x18a: {  	v30 =	vmov v48;
	v48 =	vmov v57;
	s0 =	sshll.u32 s0, $0x7;
	s25 =	sadd.s32 s1, s25;
	v29 =	vld [tilespmem:$0x1FF10]  }
0x18b: {  	s26 =	simm.s32 $0xC7;
	v52 =	vmovc v56;
	s0 =	sadd.s32 s0, s25;
	s25 =	sor.u32 $0x1, s24;
	v14 =	vmovc v32;
	v32 =	vmov v47;
	v13 =	vmov v24;
	v24 =	vmov v23;
	v18 =	vld [tilespmem:$0x1FEB0]  }
0x18c: {  	v53 =	vmovc v50;
	v7 =	vmovc v59;
	v59 =	vmov v58;
	v58 =	vmov v46;
	v61 =	vmov v49;
	[hbm4b:s0+s10] =	stream.strided.scatter [tilespmem:s12], [sflag:$0x5], $0x2000, s11, s10, $0x38;
	v28 =	vld [tilespmem:$0x1FE60]  }
.LBB2_6:
0x18d: {  	s0 =	sand.u32 $0xFF, s25  }
0x18e: {  	s0 =	smul.u32 $0x29, s0;
	_ =	sdelay $0x1  }
0x18f: {  	s26 =	smulhi.u32 $0x51EB851F, s24;
	s0 =	sshrl.u32 s0, $0xB  }
0x190: {  	s0 =	smul.u32 $0x32, s0  }
0x191: {  	s26 =	sshrl.u32 s26, $0x4  }
0x192: {  	s26 =	sand.u32 $0x1, s26;
	s0 =	ssub.s32 s25, s0  }
0x193: {  	p1 =	seq.s32 s26, $0x1;
	s26 =	simm.s32 $0x1900;
	s0 =	sand.u32 $0xFF, s0  }
0x194: {  	s26 =	simm.s32 @!p1 $0x0;
	s0 =	sshll.u32 s0, $0x7  }
0x195: {  	s0 =	sadd.s32 s0, s26;
	s26 =	sadd.s32 $0xFFFFFFFF, s24  }
0x196: {  	p1 =	sgt.u32 s26, $0xC7  }
.Ltmp5:
0x197: {  	_ = 	snop;
	(pc) =	sbr.rel @p1 .LBB2_10-.Ltmp5, $2  }
0x198: {  	_ =	sdelay $0x2  }
0x199: {  	[tilespmem:s22], [sflag:$0x2] =	stream.indirect.gather [hbm4b:s5+s18], $0x80, s0, s18, $0xb8;
	[tilespmem:$0x17200] =	vst v63  }
.LBB2_7:
0x19a: {  	s0 =	simm.s32 $0x0  }
0x19b: {  	v0 =	vmov s0  }
0x19c: {  	v0 =	vshrl.u32 v0, $0x3  }
0x19d: {  	v0 =	vshll.u32 v0, $0x3  }
0x19e: {  	_ =	swait.ge [sflag:s13], $0x4000;
	v56 =	vbroadcast v0, $0x0  }
0x19f: {  	p1 =	seq.s32 s23, $0x0;
	[sflag:s13] =	ssyncset.done $0x0  }
0x1a0: {  	s0 =	simm.s32 @!p1 $0x6;
	[sflag:s13] =	ssyncadd.s32 $0xFFFFC000;
	v0 =	vor.u32 v17, v56  }
0x1a1: {  	_ =	swait.ge @!p1 [sflag:s0], $0x2000;
	v1 =	vor.u32 v16, v56  }
0x1a2: {  	v34 =	vld [tilespmem:$0x1FCE0];
	v2 =	vor.u32 v33, v56  }
0x1a3: {  	[sflag:s0] =	ssyncset.done @!p1 $0x0;
	v3 =	vor.u32 v9, v56  }
0x1a4: {  	[sflag:s0] =	ssyncadd.s32 @!p1 $0xFFFFE000;
	v4 =	vor.u32 v6, v56  }
0x1a5: {  	v5 =	vor.u32 v31, v56;
	v0 =	vld.idx.msk [tilespmem:v0+s14+$0x0], $0xffff  }
0x1a6: {  	v7 =	vor.u32 v7, v56;
	v1 =	vld.idx.msk [tilespmem:v1+s14+$0x0], $0xffff  }
0x1a7: {  	v51 =	vmov v6;
	v6 =	vor.u32 v34, v56;
	v2 =	vld.idx.msk [tilespmem:v2+s14+$0x0], $0xffff  }
0x1a8: {  	v8 =	vor.u32 v8, v56;
	v3 =	vld.idx.msk [tilespmem:v3+s14+$0x0], $0xffff  }
0x1a9: {  	v47 =	vmov v9;
	v9 =	vor.u32 v10, v56;
	v4 =	vld.idx.msk [tilespmem:v4+s14+$0x0], $0xffff  }
0x1aa: {  	s28 =	simm.s32 $0x55F0;
	v10 =	vor.u32 v27, v56;
	v5 =	vld.idx.msk [tilespmem:v5+s14+$0x0], $0xffff  }
0x1ab: {  	v7 =	vld.idx.msk [tilespmem:v7+s14+$0x0], $0xffff;
	[tilespmem:s28+$0xFFFFFC10] =	vst v0;
	v0 =	vor.u32 v42, v56  }
0x1ac: {  	v6 =	vld.idx.msk [tilespmem:v6+s14+$0x0], $0xffff;
	[tilespmem:s28+$0xFFFFFD10] =	vst v2;
	v2 =	vor.u32 v11, v56  }
0x1ad: {  	v11 =	vor.u32 v59, v56;
	[tilespmem:s28+$0xFFFFFD90] =	vst v3;
	v8 =	vld.idx.msk [tilespmem:v8+s14+$0x0], $0xffff  }
0x1ae: {  	v3 =	vor.u32 v19, v56;
	[tilespmem:s28+$0xFFFFFE10] =	vst v4;
	v9 =	vld.idx.msk [tilespmem:v9+s14+$0x0], $0xffff  }
0x1af: {  	v4 =	vor.u32 v22, v56;
	[tilespmem:s28+$0xFFFFFE90] =	vst v5;
	v10 =	vld.idx.msk [tilespmem:v10+s14+$0x0], $0xffff  }
0x1b0: {  	[tilespmem:s28+$0xFFFFFC90] =	vst v1;
	v1 =	vor.u32 v40, v56;
	v0 =	vld.idx.msk [tilespmem:v0+s14+$0x0], $0xffff  }
0x1b1: {  	v5 =	vor.u32 v39, v56;
	[tilespmem:s28+$0xFFFFFF90] =	vst v7;
	v2 =	vld.idx.msk [tilespmem:v2+s14+$0x0], $0xffff  }
0x1b2: {  	v7 =	vor.u32 v28, v56;
	[tilespmem:s28+$0xFFFFFF10] =	vst v6;
	v6 =	vld.idx.msk [tilespmem:v11+s14+$0x0], $0xffff  }
0x1b3: {  	v3 =	vld.idx.msk [tilespmem:v3+s14+$0x0], $0xffff;
	v11 =	vor.u32 v14, v56;
	[tilespmem:s28+$0xFFFFFD20] =	vst v8  }
0x1b4: {  	v4 =	vld.idx.msk [tilespmem:v4+s14+$0x0], $0xffff;
	v8 =	vor.u32 v48, v56;
	[tilespmem:s28+$0xFFFFFDA0] =	vst v9  }
0x1b5: {  	v9 =	vor.u32 v37, v56;
	[tilespmem:s28+$0xFFFFFE20] =	vst v10;
	v1 =	vld.idx.msk [tilespmem:v1+s14+$0x0], $0xffff  }
0x1b6: {  	v10 =	vor.u32 v12, v56;
	v5 =	vld.idx.msk [tilespmem:v5+s14+$0x0], $0xffff;
	[tilespmem:s28+$0xFFFFFEA0] =	vst v0  }
0x1b7: {  	v0 =	vor.u32 v24, v56;
	[tilespmem:s28+$0xFFFFFCA0] =	vst v2;
	v2 =	vld.idx.msk [tilespmem:v7+s14+$0x0], $0xffff  }
0x1b8: {  	[tilespmem:s28+$0xFFFFFFA0] =	vst v6;
	v6 =	vor.u32 v20, v56;
	v11 =	vld.idx.msk [tilespmem:v11+s14+$0x0], $0xffff  }
0x1b9: {  	[tilespmem:s28+$0xFFFFFC20] =	vst v3;
	v7 =	vor.u32 v44, v56;
	v3 =	vld.idx.msk [tilespmem:v8+s14+$0x0], $0xffff  }
0x1ba: {  	v8 =	vor.u32 v52, v56;
	v9 =	vld.idx.msk [tilespmem:v9+s14+$0x0], $0xffff;
	[tilespmem:s28+$0xFFFFFDB0] =	vst v1  }
0x1bb: {  	[tilespmem:s28+$0xFFFFFF20] =	vst v4;
	v4 =	vld.idx.msk [tilespmem:v10+s14+$0x0], $0xffff  }
0x1bc: {  	v1 =	vor.u32 v18, v56;
	[tilespmem:s28+$0xFFFFFE30] =	vst v5;
	v0 =	vld.idx.msk [tilespmem:v0+s14+$0x0], $0xffff  }
0x1bd: {  	v10 =	vor.u32 v41, v56;
	v6 =	vld.idx.msk [tilespmem:v6+s14+$0x0], $0xffff;
	[tilespmem:s28+$0xFFFFFEB0] =	vst v2  }
0x1be: {  	v2 =	vor.u32 v62, v56;
	[tilespmem:s28+$0xFFFFFFB0] =	vst v3;
	v5 =	vld.idx.msk [tilespmem:v7+s14+$0x0], $0xffff  }
0x1bf: {  	v3 =	vor.u32 v29, v56;
	[tilespmem:s28+$0xFFFFFCB0] =	vst v11;
	v8 =	vld.idx.msk [tilespmem:v8+s14+$0x0], $0xffff  }
0x1c0: {  	v26 =	vmov v33;
	v33 =	vld [tilespmem:$0x1FC30];
	[tilespmem:s28+$0xFFFFFD30] =	vst v9  }
0x1c1: {  	v1 =	vld.idx.msk [tilespmem:v1+s14+$0x0], $0xffff;
	[tilespmem:s28+$0xFFFFFDC0] =	vst v4  }
0x1c2: {  	v7 =	vor.u32 v38, v56;
	v10 =	vld.idx.msk [tilespmem:v10+s14+$0x0], $0xffff;
	[tilespmem:s28+$0xFFFFFF30] =	vst v0  }
0x1c3: {  	v9 =	vor.u32 v25, v56;
	v2 =	vld.idx.msk [tilespmem:v2+s14+$0x0], $0xffff;
	[tilespmem:s28+$0xFFFFFEC0] =	vst v5  }
0x1c4: {  	v0 =	vor.u32 v55, v56;
	[tilespmem:s28+$0xFFFFFC30] =	vst v6;
	v3 =	vld.idx.msk [tilespmem:v3+s14+$0x0], $0xffff  }
0x1c5: {  	[tilespmem:s28+$0xFFFFFFC0] =	vst v8  }
0x1c6: {  	v11 =	vor.u32 v33, v56;
	[tilespmem:s28+$0xFFFFFE40] =	vst v1  }
0x1c7: {  	v4 =	vor.u32 v63, v56;
	v5 =	vld.idx.msk [tilespmem:v7+s14+$0x0], $0xffff;
	[tilespmem:s28+$0xFFFFFD40] =	vst v10  }
0x1c8: {  	v6 =	vor.u32 v32, v56;
	v8 =	vld.idx.msk [tilespmem:v9+s14+$0x0], $0xffff;
	[tilespmem:s28+$0xFFFFFF40] =	vst v2  }
0x1c9: {  	v7 =	vor.u32 v53, v56;
	v0 =	vld.idx.msk [tilespmem:v0+s14+$0x0], $0xffff;
	[tilespmem:s28+$0xFFFFFED0] =	vst v3  }
0x1ca: {  	v23 =	vmov v60;
	v1 =	vor.u32 v45, v56;
	v60 =	vld [tilespmem:$0x1FCF0]  }
0x1cb: {  	v11 =	vld.idx.msk [tilespmem:v11+s14+$0x0], $0xffff  }
0x1cc: {  	v2 =	vld.idx.msk [tilespmem:v4+s14+$0x0], $0xffff  }
0x1cd: {  	v9 =	vor.u32 v21, v56;
	v4 =	vld.idx.msk [tilespmem:v6+s14+$0x0], $0xffff;
	[tilespmem:s28+$0xFFFFFDD0] =	vst v5  }
0x1ce: {  	v5 =	vld.idx.msk [tilespmem:v7+s14+$0x0], $0xffff;
	[tilespmem:s28+$0xFFFFFC40] =	vst v8  }
0x1cf: {  	v1 =	vld.idx.msk [tilespmem:v1+s14+$0x0], $0xffff;
	[tilespmem:s28+$0xFFFFFFD0] =	vst v0;
	v6 =	vor.u32 v60, v56  }
0x1d0: {  	v50 =	vmov v38;
	v38 =	vld [tilespmem:$0x1FCB0]  }
0x1d1: {  	v3 =	vor.u32 v54, v56;
	v10 =	vld [tilespmem:$0x1FC10]  }
0x1d2: {  	v7 =	vor.u32 v30, v56;
	v9 =	vld.idx.msk [tilespmem:v9+s14+$0x0], $0xffff;
	[tilespmem:s28+$0xFFFFFF50] =	vst v2  }
0x1d3: {  	v8 =	vor.u32 v58, v56;
	v2 =	vld [tilespmem:$0x1FC40]  }
0x1d4: {  	[tilespmem:s28+$0xFFFFFEE0] =	vst v4;
	v4 =	vld.idx.msk [tilespmem:v6+s14+$0x0], $0xffff  }
0x1d5: {  	v0 =	vor.u32 v38, v56;
	v6 =	vld [tilespmem:$0x1FC70];
	[tilespmem:s28+$0xFFFFFE50] =	vst v5  }
0x1d6: {  	v3 =	vld.idx.msk [tilespmem:v3+s14+$0x0], $0xffff;
	v10 =	vor.u32 v10, v56;
	[tilespmem:s28+$0xFFFFFDE0] =	vst v1  }
0x1d7: {  	v5 =	vld.idx.msk [tilespmem:v7+s14+$0x0], $0xffff;
	[tilespmem:s28+$0xFFFFFC50] =	vst v9  }
0x1d8: {  	[tilespmem:s28+$0xFFFFFCC0] =	vst v11;
	v1 =	vld.idx.msk [tilespmem:v8+s14+$0x0], $0xffff  }
0x1d9: {  	v2 =	vor.u32 v2, v56;
	v9 =	vor.u32 v13, v56;
	v13 =	vld [tilespmem:$0x1FCC0]  }
0x1da: {  	v8 =	vld.idx.msk [tilespmem:v0+s14+$0x0], $0xffff  }
0x1db: {  	v11 =	vor.u32 v61, v56;
	[tilespmem:s28+$0xFFFFFFE0] =	vst v3;
	v10 =	vld.idx.msk [tilespmem:v10+s14+$0x0], $0xffff  }
0x1dc: {  	s31 =	simm.s32 $0x8;
	v3 =	vor.u32 v15, v56;
	[tilespmem:s28+$0xFFFFFF60] =	vst v4  }
0x1dd: {  	v0 =	vmov s31;
	v6 =	vor.u32 v6, v56;
	[tilespmem:s28+$0xFFFFFEF0] =	vst v5  }
0x1de: {  	v7 =	vor.u32 v23, v56;
	v0 =	vshrl.u32 v0, $0x3;
	v2 =	vld.idx.msk [tilespmem:v2+s14+$0x0], $0xffff;
	[tilespmem:s28+$0xFFFFFE60] =	vst v1  }
0x1df: {  	v0 =	vshll.u32 v0, $0x3;
	v1 =	vld [tilespmem:$0x1FC80];
	[tilespmem:s28+$0xFFFFFDF0] =	vst v8  }
0x1e0: {  	v5 =	vor.u32 v43, v56;
	v0 =	vbroadcast v0, $0x0;
	v8 =	vld.idx.msk [tilespmem:v11+s14+$0x0], $0xffff;
	[tilespmem:s28+$0xFFFFFC60] =	vst v10  }
0x1e1: {  	v49 =	vmov v12;
	v12 =	vor.u32 v13, v56;
	v3 =	vld.idx.msk [tilespmem:v3+s14+$0x0], $0xffff  }
0x1e2: {  	v10 =	vor.u32 v17, v0;
	v4 =	vld.idx.msk [tilespmem:v6+s14+$0x0], $0xffff  }
0x1e3: {  	v6 =	vld.idx.msk [tilespmem:v7+s14+$0x0], $0xffff  }
0x1e4: {  	[tilespmem:s28+$0xFFFFFCD0] =	vst v2;
	v7 =	vld.idx.msk [tilespmem:v9+s14+$0x0], $0xffff;
	v1 =	vor.u32 v1, v56  }
0x1e5: {  	v5 =	vld.idx.msk [tilespmem:v5+s14+$0x0], $0xffff  }
0x1e6: {  	v9 =	vor.u32 v36, v56;
	v11 =	vld.idx.msk [tilespmem:v12+s14+$0x0], $0xffff  }
0x1e7: {  	v10 =	vld.idx.msk [tilespmem:v10+s14+$0x0], $0xffff;
	[tilespmem:s28+$0xFFFFFD50] =	vst v4  }
0x1e8: {  	v4 =	vld [tilespmem:$0x1FCD0];
	[tilespmem:s28+$0xFFFFFF70] =	vst v6  }
0x1e9: {  	[tilespmem:s28+$0xFFFFFF00] =	vst v7;
	v1 =	vld.idx.msk [tilespmem:v1+s14+$0x0], $0xffff  }
0x1ea: {  	v46 =	vmov v18;
	v18 =	vmov v28;
	v7 =	vld [tilespmem:$0x1FC50]  }
0x1eb: {  	v2 =	vor.u32 v16, v0;
	v9 =	vld.idx.msk [tilespmem:v9+s14+$0x0], $0xffff;
	[tilespmem:s28+$0xFFFFFE70] =	vst v8  }
0x1ec: {  	v28 =	vmov v55;
	v55 =	vld [tilespmem:$0x1FF20]  }
0x1ed: {  	v22 =	vmovc v44;
	v44 =	vmov v18;
	v18 =	vmov v46;
	v46 =	vmov v39;
	v39 =	vld [tilespmem:$0x1FF30]  }
0x1ee: {  	v6 =	vor.u32 v26, v0;
	v36 =	vld [tilespmem:$0x1FF50]  }
0x1ef: {  	v8 =	vld [tilespmem:$0x1FC90];
	[tilespmem:s28+$0xFFFFFE00] =	vst v11  }
0x1f0: {  	v2 =	vld.idx.msk [tilespmem:v2+s14+$0x0], $0xffff;
	[tilespmem:s28+$0xFFFFFC70] =	vst v3  }
0x1f1: {  	[tilespmem:s28+$0xFFFFFCE0] =	vst v5  }
0x1f2: {  	v4 =	vor.u32 v4, v56;
	[tilespmem:s28+$0xFFFFFD60] =	vst v1  }
0x1f3: {  	s29 =	simm.s32 $0x59F0;
	v35 =	vmov v51;
	v6 =	vld.idx.msk [tilespmem:v6+s14+$0x0], $0xffff;
	v7 =	vor.u32 v7, v56;
	[tilespmem:s28+$0xFFFFFF80] =	vst v9  }
0x1f4: {  	v3 =	vor.u32 v35, v0;
	v8 =	vor.u32 v8, v56;
	v35 =	vld [tilespmem:$0x1FD90];
	[tilespmem:s29+$0xFFFFFC10] =	vst v10  }
0x1f5: {  	v31 =	vmov v24;
	v11 =	vor.u32 v47, v0;
	v24 =	vld [tilespmem:$0x1FC60];
	[tilespmem:s29+$0xFFFFFC90] =	vst v2  }
0x1f6: {  	v12 =	vmov v48;
	v48 =	vmov v13;
	v13 =	vld [tilespmem:$0x1FDA0]  }
0x1f7: {  	v5 =	vor.u32 v55, v0;
	v4 =	vld.idx.msk [tilespmem:v4+s14+$0x0], $0xffff  }
0x1f8: {  	v1 =	vor.u32 v34, v0;
	v7 =	vld.idx.msk [tilespmem:v7+s14+$0x0], $0xffff  }
0x1f9: {  	v9 =	vor.u32 v35, v0;
	v8 =	vld.idx.msk [tilespmem:v8+s14+$0x0], $0xffff  }
0x1fa: {  	v10 =	vld.idx.msk [tilespmem:v11+s14+$0x0], $0xffff  }
0x1fb: {  	v3 =	vld.idx.msk [tilespmem:v3+s14+$0x0], $0xffff;
	[tilespmem:s29+$0xFFFFFD10] =	vst v6;
	v11 =	vor.u32 v24, v56  }
0x1fc: {  	v5 =	vld.idx.msk [tilespmem:v5+s14+$0x0], $0xffff;
	v2 =	vor.u32 v13, v0;
	[tilespmem:s28+$0xFFFFFE80] =	vst v4  }
0x1fd: {  	v1 =	vld.idx.msk [tilespmem:v1+s14+$0x0], $0xffff;
	[tilespmem:s28+$0xFFFFFCF0] =	vst v7  }
0x1fe: {  	v6 =	vor.u32 v39, v0;
	v9 =	vld.idx.msk [tilespmem:v9+s14+$0x0], $0xffff;
	[tilespmem:s28+$0xFFFFFD70] =	vst v8  }
0x1ff: {  	v4 =	vor.u32 v36, v0;
	v7 =	vor.u32 v42, v0;
	v42 =	vld [tilespmem:$0x1FDC0];
	[tilespmem:s29+$0xFFFFFD90] =	vst v10  }
0x200: {  	v11 =	vld.idx.msk [tilespmem:v11+s14+$0x0], $0xffff;
	[tilespmem:s29+$0xFFFFFE10] =	vst v3  }
0x201: {  	[tilespmem:s29+$0xFFFFFE90] =	vst v5;
	v2 =	vld.idx.msk [tilespmem:v2+s14+$0x0], $0xffff  }
0x202: {  	v57 =	vmovc v32;
	v32 =	vmov v61;
	v61 =	vmov v58;
	v58 =	vmov v28;
	v28 =	vld [tilespmem:$0x1FE50]  }
0x203: {  	v6 =	vld.idx.msk [tilespmem:v6+s14+$0x0], $0xffff  }
0x204: {  	v10 =	vor.u32 v59, v0;
	[tilespmem:s29+$0xFFFFFF10] =	vst v1;
	v4 =	vld.idx.msk [tilespmem:v4+s14+$0x0], $0xffff  }
0x205: {  	v3 =	vor.u32 v19, v0;
	v7 =	vld.idx.msk [tilespmem:v7+s14+$0x0], $0xffff;
	[tilespmem:s29+$0xFFFFFF90] =	vst v9  }
0x206: {  	[tilespmem:s28+$0xFFFFFD00] =	vst v11  }
0x207: {  	v8 =	vor.u32 v42, v0;
	[tilespmem:s29+$0xFFFFFD20] =	vst v2  }
0x208: {  	v11 =	vor.u32 v44, v0;
	[tilespmem:s29+$0xFFFFFE20] =	vst v6  }
0x209: {  	v10 =	vld.idx.msk [tilespmem:v10+s14+$0x0], $0xffff;
	v5 =	vor.u32 v28, v0;
	[tilespmem:s29+$0xFFFFFDA0] =	vst v4  }
0x20a: {  	v1 =	vor.u32 v40, v0;
	v3 =	vld.idx.msk [tilespmem:v3+s14+$0x0], $0xffff;
	[tilespmem:s29+$0xFFFFFEA0] =	vst v7  }
0x20b: {  	v9 =	vor.u32 v46, v0;
	v36 =	vld [tilespmem:$0x1FCA0]  }
0x20c: {  	v6 =	vor.u32 v37, v0;
	v8 =	vld.idx.msk [tilespmem:v8+s14+$0x0], $0xffff  }
0x20d: {  	v4 =	vor.u32 v12, v0;
	v11 =	vld.idx.msk [tilespmem:v11+s14+$0x0], $0xffff  }
0x20e: {  	v2 =	vor.u32 v14, v0;
	v5 =	vld.idx.msk [tilespmem:v5+s14+$0x0], $0xffff  }
0x20f: {  	v1 =	vld.idx.msk [tilespmem:v1+s14+$0x0], $0xffff;
	[tilespmem:s29+$0xFFFFFC20] =	vst v3;
	v3 =	vor.u32 v22, v0  }
0x210: {  	v9 =	vld.idx.msk [tilespmem:v9+s14+$0x0], $0xffff;
	[tilespmem:s29+$0xFFFFFFA0] =	vst v10;
	v10 =	vor.u32 v31, v0  }
0x211: {  	v6 =	vld.idx.msk [tilespmem:v6+s14+$0x0], $0xffff;
	v7 =	vor.u32 v36, v56;
	[tilespmem:s29+$0xFFFFFCA0] =	vst v8  }
0x212: {  	v4 =	vld.idx.msk [tilespmem:v4+s14+$0x0], $0xffff;
	v8 =	vor.u32 v49, v0;
	[tilespmem:s29+$0xFFFFFEB0] =	vst v11  }
0x213: {  	v2 =	vld.idx.msk [tilespmem:v2+s14+$0x0], $0xffff;
	[tilespmem:s29+$0xFFFFFF20] =	vst v5;
	v5 =	vor.u32 v20, v0  }
0x214: {  	[tilespmem:s29+$0xFFFFFDB0] =	vst v1;
	v1 =	vor.u32 v52, v0;
	v3 =	vld.idx.msk [tilespmem:v3+s14+$0x0], $0xffff  }
0x215: {  	[tilespmem:s29+$0xFFFFFE30] =	vst v9;
	v9 =	vor.u32 v18, v0;
	v10 =	vld.idx.msk [tilespmem:v10+s14+$0x0], $0xffff  }
0x216: {  	v11 =	vor.u32 v41, v0;
	[tilespmem:s29+$0xFFFFFD30] =	vst v6;
	v7 =	vld.idx.msk [tilespmem:v7+s14+$0x0], $0xffff  }
0x217: {  	[tilespmem:s29+$0xFFFFFFB0] =	vst v4;
	v4 =	vor.u32 v62, v0;
	v8 =	vld.idx.msk [tilespmem:v8+s14+$0x0], $0xffff  }
0x218: {  	[tilespmem:s29+$0xFFFFFCB0] =	vst v2;
	v2 =	vor.u32 v50, v0;
	v5 =	vld.idx.msk [tilespmem:v5+s14+$0x0], $0xffff  }
0x219: {  	v1 =	vld.idx.msk [tilespmem:v1+s14+$0x0], $0xffff;
	[tilespmem:s29+$0xFFFFFEC0] =	vst v3  }
0x21a: {  	v6 =	vor.u32 v29, v0;
	v9 =	vld.idx.msk [tilespmem:v9+s14+$0x0], $0xffff;
	[tilespmem:s29+$0xFFFFFF30] =	vst v10  }
0x21b: {  	v11 =	vld.idx.msk [tilespmem:v11+s14+$0x0], $0xffff;
	[tilespmem:s28+$0xFFFFFD80] =	vst v7  }
0x21c: {  	v4 =	vld.idx.msk [tilespmem:v4+s14+$0x0], $0xffff;
	v7 =	vor.u32 v33, v0;
	[tilespmem:s29+$0xFFFFFDC0] =	vst v8  }
0x21d: {  	v10 =	vor.u32 v58, v0;
	v2 =	vld.idx.msk [tilespmem:v2+s14+$0x0], $0xffff;
	[tilespmem:s29+$0xFFFFFC30] =	vst v5  }
0x21e: {  	v55 =	vmov v58;
	v8 =	vor.u32 v25, v0;
	v58 =	vld [tilespmem:$0x1FD00]  }
0x21f: {  	v3 =	vor.u32 v53, v0;
	v5 =	vld.idx.msk [tilespmem:v6+s14+$0x0], $0xffff  }
0x220: {  	v47 =	vmov v29;
	v29 =	vld [tilespmem:$0x1FC20];
	[tilespmem:s29+$0xFFFFFFC0] =	vst v1;
	v1 =	vor.u32 v63, v0  }
0x221: {  	[tilespmem:s29+$0xFFFFFD40] =	vst v11;
	v11 =	vor.u32 v45, v0;
	v7 =	vld.idx.msk [tilespmem:v7+s14+$0x0], $0xffff  }
0x222: {  	[tilespmem:s29+$0xFFFFFE40] =	vst v9;
	v10 =	vld.idx.msk [tilespmem:v10+s14+$0x0], $0xffff  }
0x223: {  	[tilespmem:s29+$0xFFFFFF40] =	vst v4;
	v8 =	vld.idx.msk [tilespmem:v8+s14+$0x0], $0xffff;
	v6 =	vor.u32 v58, v56  }
0x224: {  	v9 =	vor.u32 v57, v0;
	v3 =	vld.idx.msk [tilespmem:v3+s14+$0x0], $0xffff;
	[tilespmem:s29+$0xFFFFFDD0] =	vst v2  }
0x225: {  	v2 =	vor.u32 v21, v0;
	[tilespmem:s29+$0xFFFFFED0] =	vst v5;
	v1 =	vld.idx.msk [tilespmem:v1+s14+$0x0], $0xffff  }
0x226: {  	v11 =	vld.idx.msk [tilespmem:v11+s14+$0x0], $0xffff;
	[tilespmem:s29+$0xFFFFFCC0] =	vst v7  }
0x227: {  	v4 =	vor.u32 v29, v56;
	v59 =	vld [tilespmem:$0x1FD10]  }
0x228: {  	[tilespmem:s29+$0xFFFFFC40] =	vst v8;
	v6 =	vld.idx.msk [tilespmem:v6+s14+$0x0], $0xffff  }
0x229: {  	v7 =	vld.idx.msk [tilespmem:v9+s14+$0x0], $0xffff;
	[tilespmem:s29+$0xFFFFFFD0] =	vst v10  }
0x22a: {  	v39 =	vmov v13;
	v5 =	vor.u32 v54, v0;
	[tilespmem:s29+$0xFFFFFE50] =	vst v3;
	v13 =	vld.idx.msk [tilespmem:v2+s14+$0x0], $0xffff  }
0x22b: {  	v51 =	vmov v38;
	v3 =	vor.u32 v61, v0;
	v38 =	vld [tilespmem:$0x1FD70]  }
0x22c: {  	v27 =	vmov v14;
	v14 =	vld.idx.msk [tilespmem:v4+s14+$0x0], $0xffff  }
0x22d: {  	v9 =	vor.u32 v59, v56;
	v56 =	vmovc v61;
	v61 =	vmov v35;
	v35 =	vmov v43;
	v43 =	vld [tilespmem:$0x1FD60];
	[tilespmem:s28+$0xFFFFFFF0] =	vst v6  }
0x22e: {  	v12 =	vor.u32 v60, v0;
	v52 =	vmov v50;
	v49 =	vmov v18;
	v18 =	vld [tilespmem:$0x1FC10];
	[tilespmem:s29+$0xFFFFFF50] =	vst v1  }
0x22f: {  	v50 =	vmovc v57;
	v57 =	vmov v30;
	v2 =	vor.u32 v30, v0;
	v30 =	vmov v16;
	v16 =	vld.idx.msk [tilespmem:v5+s14+$0x0], $0xffff;
	[tilespmem:s29+$0xFFFFFEE0] =	vst v7  }
0x230: {  	v26 =	vmov v23;
	v6 =	vld.idx.msk [tilespmem:v3+s14+$0x0], $0xffff;
	[tilespmem:s29+$0xFFFFFDE0] =	vst v11  }
0x231: {  	v23 =	vmovc v31;
	v31 =	vmovc v42;
	v22 =	vmov v28;
	v28 =	vmov v15;
	v15 =	vor.u32 v51, v0;
	v42 =	vld [tilespmem:$0x1FC70];
	[tilespmem:s29+$0xFFFFFC50] =	vst v13  }
0x232: {  	v13 =	vld [tilespmem:$0x1FC40];
	[tilespmem:s28+$0xFFFFFC80] =	vst v14  }
0x233: {  	v40 =	vmov v37;
	v37 =	vmov v24;
	v24 =	vld [tilespmem:$0x1FF70];
	v5 =	vor.u32 v18, v0  }
0x234: {  	v7 =	vld.idx.msk [tilespmem:v12+s14+$0x0], $0xffff  }
0x235: {  	v46 =	vmovc v53;
	v44 =	vmovc v51;
	v51 =	vmov v48;
	v53 =	vmov v54;
	v54 =	vmov v26;
	v2 =	vld.idx.msk [tilespmem:v2+s14+$0x0], $0xffff  }
0x236: {  	v10 =	vor.u32 v26, v0;
	v26 =	vmovc v34;
	v1 =	vor.u32 v48, v0;
	v48 =	vmov v32;
	v3 =	vld.idx.msk [tilespmem:v15+s14+$0x0], $0xffff  }
0x237: {  	v11 =	vor.u32 v32, v0;
	v32 =	vmov v27;
	v8 =	vld.idx.msk [tilespmem:v9+s14+$0x0], $0xffff;
	[tilespmem:s29+$0xFFFFFFE0] =	vst v16;
	v12 =	vor.u32 v13, v0  }
0x238: {  	s30 =	simm.s32 $0x10;
	v27 =	vmovc v18;
	v4 =	vor.u32 v42, v0;
	v34 =	vmov v13;
	v9 =	vor.u32 v24, v0;
	v5 =	vld.idx.msk [tilespmem:v5+s14+$0x0], $0xffff  }
.LBB2_8:
0x239: {  	_ =	sdelay $0x2  }
0x23a: {  	v12 =	vld.idx.msk [tilespmem:v12+s14+$0x0], $0xffff  }
0x23b: {  	v4 =	vld.idx.msk [tilespmem:v4+s14+$0x0], $0xffff  }
0x23c: {  	v16 =	vld [tilespmem:$0x1FF60];
	[tilespmem:s28+$0x0] =	vst v8  }
0x23d: {  	v18 =	vld [tilespmem:$0x1FC90];
	[tilespmem:s29+$0xFFFFFF60] =	vst v7  }
0x23e: {  	[tilespmem:s29+$0xFFFFFEF0] =	vst v2;
	v10 =	vld.idx.msk [tilespmem:v10+s14+$0x0], $0xffff  }
0x23f: {  	v13 =	vmov s30;
	[tilespmem:s29+$0xFFFFFE60] =	vst v6;
	v6 =	vld.idx.msk [tilespmem:v9+s14+$0x0], $0xffff  }
0x240: {  	v8 =	vshrl.u32 v13, $0x3;
	v13 =	vor.u32 v28, v0;
	[tilespmem:s29+$0xFFFFFDF0] =	vst v3;
	v9 =	vld.idx.msk [tilespmem:v11+s14+$0x0], $0xffff  }
0x241: {  	[tilespmem:s29+$0xFFFFFC60] =	vst v5;
	v7 =	vshll.u32 v8, $0x3;
	v8 =	vor.u32 v35, v0;
	v5 =	vld.idx.msk [tilespmem:v1+s14+$0x0], $0xffff  }
0x242: {  	[tilespmem:s29+$0xFFFFFD50] =	vst v4;
	v4 =	vld [tilespmem:$0x1FCD0];
	v2 =	vbroadcast v7, $0x0  }
0x243: {  	v11 =	vor.u32 v43, v0;
	v7 =	vld [tilespmem:$0x1FC80]  }
0x244: {  	v14 =	vor.u32 v17, v2;
	v17 =	vld [tilespmem:$0x1FC50]  }
0x245: {  	[tilespmem:s29+$0xFFFFFCD0] =	vst v12;
	v13 =	vld.idx.msk [tilespmem:v13+s14+$0x0], $0xffff  }
0x246: {  	v15 =	vor.u32 v30, v2;
	v8 =	vld.idx.msk [tilespmem:v8+s14+$0x0], $0xffff  }
0x247: {  	v12 =	vor.u32 v38, v2;
	[tilespmem:s29+$0xFFFFFF70] =	vst v10;
	v10 =	vld [tilespmem:$0x1FF40]  }
0x248: {  	[tilespmem:s29+$0xFFFFFF00] =	vst v6;
	v7 =	vor.u32 v7, v0;
	v6 =	vld.idx.msk [tilespmem:v11+s14+$0x0], $0xffff  }
0x249: {  	v4 =	vor.u32 v4, v0;
	v11 =	vld.idx.msk [tilespmem:v14+s14+$0x0], $0xffff  }
0x24a: {  	[tilespmem:s29+$0xFFFFFE00] =	vst v5;
	v5 =	vor.u32 v61, v2;
	v14 =	vld [tilespmem:$0x1FF20]  }
0x24b: {  	v16 =	vor.u32 v16, v2;
	[tilespmem:s29+$0xFFFFFE70] =	vst v9;
	v9 =	vld.idx.msk [tilespmem:v15+s14+$0x0], $0xffff  }
0x24c: {  	v17 =	vor.u32 v17, v0;
	v12 =	vld.idx.msk [tilespmem:v12+s14+$0x0], $0xffff  }
0x24d: {  	v7 =	vld.idx.msk [tilespmem:v7+s14+$0x0], $0xffff  }
0x24e: {  	v18 =	vor.u32 v18, v0;
	v4 =	vld.idx.msk [tilespmem:v4+s14+$0x0], $0xffff  }
0x24f: {  	s28 =	smov.u32 s29;
	[tilespmem:s29+$0xFFFFFCE0] =	vst v8;
	v5 =	vld.idx.msk [tilespmem:v5+s14+$0x0], $0xffff  }
0x250: {  	v10 =	vor.u32 v10, v2;
	[tilespmem:s28+$0xFFFFFF80] =	vst v6;
	v6 =	vld.idx.msk [tilespmem:v16+s14+$0x0], $0xffff  }
0x251: {  	v17 =	vld.idx.msk [tilespmem:v17+s14+$0x0], $0xffff  }
0x252: {  	v15 =	vor.u32 v26, v2;
	[tilespmem:s29+$0xFFFFFD60] =	vst v7;
	v7 =	vld [tilespmem:$0x1FF50]  }
0x253: {  	[tilespmem:s29+$0xFFFFFC70] =	vst v13;
	s29 =	sadd.s32 $0x400, s29;
	v18 =	vld.idx.msk [tilespmem:v18+s14+$0x0], $0xffff  }
0x254: {  	[tilespmem:s29+$0xFFFFFC10] =	vst v11;
	v11 =	vld [tilespmem:$0x1FF30]  }
0x255: {  	[tilespmem:s29+$0xFFFFFC90] =	vst v9;
	v9 =	vld.idx.msk [tilespmem:v10+s14+$0x0], $0xffff  }
0x256: {  	v14 =	vor.u32 v14, v2;
	v10 =	vld [tilespmem:$0x1FEE0]  }
0x257: {  	v13 =	vor.u32 v19, v2;
	[tilespmem:s28+$0xFFFFFE80] =	vst v4;
	v4 =	vld.idx.msk [tilespmem:v15+s14+$0x0], $0xffff  }
0x258: {  	v16 =	vor.u32 v37, v0;
	[tilespmem:s29+$0xFFFFFD10] =	vst v12;
	v12 =	vld [tilespmem:$0x1FE90]  }
0x259: {  	[tilespmem:s29+$0xFFFFFD90] =	vst v6;
	v6 =	vld [tilespmem:$0x1FE40]  }
0x25a: {  	v15 =	vor.u32 v20, v2;
	v20 =	vor.u32 v31, v2;
	[tilespmem:s29+$0xFFFFFF90] =	vst v5;
	v5 =	vld [tilespmem:$0x1FE70]  }
0x25b: {  	v8 =	vor.u32 v39, v2;
	v14 =	vld.idx.msk [tilespmem:v14+s14+$0x0], $0xffff  }
0x25c: {  	[tilespmem:s28+$0xFFFFFCF0] =	vst v17;
	v13 =	vld.idx.msk [tilespmem:v13+s14+$0x0], $0xffff  }
0x25d: {  	v19 =	vor.u32 v22, v2;
	v16 =	vld.idx.msk [tilespmem:v16+s14+$0x0], $0xffff;
	[tilespmem:s28+$0xFFFFFD70] =	vst v18  }
0x25e: {  	v7 =	vor.u32 v7, v2;
	[tilespmem:s29+$0xFFFFFE10] =	vst v9;
	v9 =	vld [tilespmem:$0x1FE80]  }
0x25f: {  	v11 =	vor.u32 v11, v2;
	[tilespmem:s29+$0xFFFFFF10] =	vst v4;
	v4 =	vld.idx.msk [tilespmem:v20+s14+$0x0], $0xffff  }
0x260: {  	v10 =	vor.u32 v10, v2;
	v8 =	vld.idx.msk [tilespmem:v8+s14+$0x0], $0xffff  }
0x261: {  	v12 =	vor.u32 v12, v2;
	[tilespmem:s29+$0xFFFFFE90] =	vst v14;
	v14 =	vld [tilespmem:$0x1FE60]  }
0x262: {  	v19 =	vld.idx.msk [tilespmem:v19+s14+$0x0], $0xffff  }
0x263: {  	v7 =	vld.idx.msk [tilespmem:v7+s14+$0x0], $0xffff  }
0x264: {  	[tilespmem:s28+$0xFFFFFD00] =	vst v16;
	v16 =	vor.u32 v32, v2;
	v11 =	vld.idx.msk [tilespmem:v11+s14+$0x0], $0xffff  }
0x265: {  	v10 =	vld.idx.msk [tilespmem:v10+s14+$0x0], $0xffff  }
0x266: {  	v17 =	vor.u32 v40, v2;
	v12 =	vld.idx.msk [tilespmem:v12+s14+$0x0], $0xffff  }
0x267: {  	[tilespmem:s29+$0xFFFFFCA0] =	vst v4;
	v4 =	vld [tilespmem:$0x1FEC0]  }
0x268: {  	v6 =	vor.u32 v6, v2;
	[tilespmem:s29+$0xFFFFFF20] =	vst v19;
	v19 =	vld [tilespmem:$0x1FD30]  }
0x269: {  	v9 =	vor.u32 v9, v2;
	[tilespmem:s29+$0xFFFFFD20] =	vst v8;
	v16 =	vld.idx.msk [tilespmem:v16+s14+$0x0], $0xffff  }
0x26a: {  	v14 =	vor.u32 v14, v2;
	[tilespmem:s29+$0xFFFFFDA0] =	vst v7;
	v7 =	vld [tilespmem:$0x1FEA0]  }
0x26b: {  	v5 =	vor.u32 v5, v2;
	[tilespmem:s29+$0xFFFFFC20] =	vst v13;
	v17 =	vld.idx.msk [tilespmem:v17+s14+$0x0], $0xffff  }
0x26c: {  	v13 =	vor.u32 v33, v2;
	[tilespmem:s29+$0xFFFFFEA0] =	vst v10;
	v10 =	vld [tilespmem:$0x1FED0]  }
0x26d: {  	v20 =	vor.u32 v36, v0;
	v6 =	vld.idx.msk [tilespmem:v6+s14+$0x0], $0xffff;
	[tilespmem:s29+$0xFFFFFE20] =	vst v11  }
0x26e: {  	v18 =	vor.u32 v23, v2;
	v9 =	vld.idx.msk [tilespmem:v9+s14+$0x0], $0xffff  }
0x26f: {  	[tilespmem:s29+$0xFFFFFFA0] =	vst v12;
	v14 =	vld.idx.msk [tilespmem:v14+s14+$0x0], $0xffff;
	v7 =	vor.u32 v7, v2  }
0x270: {  	v5 =	vld.idx.msk [tilespmem:v5+s14+$0x0], $0xffff;
	[tilespmem:s29+$0xFFFFFCB0] =	vst v16  }
0x271: {  	v13 =	vld.idx.msk [tilespmem:v13+s14+$0x0], $0xffff;
	v10 =	vor.u32 v10, v2  }
0x272: {  	v12 =	vor.u32 v4, v2;
	[tilespmem:s29+$0xFFFFFDB0] =	vst v6;
	v6 =	vld.idx.msk [tilespmem:v20+s14+$0x0], $0xffff  }
0x273: {  	v11 =	vor.u32 v49, v2;
	[tilespmem:s29+$0xFFFFFE30] =	vst v9;
	v9 =	vld.idx.msk [tilespmem:v18+s14+$0x0], $0xffff  }
0x274: {  	v8 =	vor.u32 v41, v2;
	v7 =	vld.idx.msk [tilespmem:v7+s14+$0x0], $0xffff  }
0x275: {  	v3 =	vor.u32 v52, v2;
	[tilespmem:s29+$0xFFFFFEB0] =	vst v14;
	v14 =	vld.idx.msk [tilespmem:v15+s14+$0x0], $0xffff  }
0x276: {  	v21 =	vor.u32 v62, v2;
	[tilespmem:s29+$0xFFFFFFB0] =	vst v5;
	v10 =	vld.idx.msk [tilespmem:v10+s14+$0x0], $0xffff  }
0x277: {  	[tilespmem:s29+$0xFFFFFD30] =	vst v17;
	v12 =	vld.idx.msk [tilespmem:v12+s14+$0x0], $0xffff  }
0x278: {  	v11 =	vld.idx.msk [tilespmem:v11+s14+$0x0], $0xffff;
	[tilespmem:s28+$0xFFFFFD80] =	vst v6  }
0x279: {  	v5 =	vor.u32 v47, v2;
	v8 =	vld.idx.msk [tilespmem:v8+s14+$0x0], $0xffff;
	[tilespmem:s29+$0xFFFFFDC0] =	vst v7  }
0x27a: {  	v6 =	vor.u32 v25, v2;
	[tilespmem:s29+$0xFFFFFF30] =	vst v9;
	v3 =	vld.idx.msk [tilespmem:v3+s14+$0x0], $0xffff  }
0x27b: {  	v7 =	vor.u32 v55, v2;
	[tilespmem:s29+$0xFFFFFEC0] =	vst v10;
	v10 =	vld.idx.msk [tilespmem:v21+s14+$0x0], $0xffff  }
0x27c: {  	v9 =	vor.u32 v46, v2;
	v21 =	vld [tilespmem:$0x1FD50]  }
0x27d: {  	v20 =	vld [tilespmem:$0x1FD40];
	[tilespmem:s29+$0xFFFFFC30] =	vst v14;
	v14 =	vor.u32 v58, v0  }
0x27e: {  	v15 =	vor.u32 v63, v2;
	[tilespmem:s29+$0xFFFFFFC0] =	vst v12;
	v5 =	vld.idx.msk [tilespmem:v5+s14+$0x0], $0xffff  }
0x27f: {  	v6 =	vld.idx.msk [tilespmem:v6+s14+$0x0], $0xffff;
	[tilespmem:s29+$0xFFFFFD40] =	vst v8;
	v8 =	vor.u32 v45, v2  }
0x280: {  	[tilespmem:s29+$0xFFFFFE40] =	vst v11;
	v11 =	vor.u32 v50, v2;
	v7 =	vld.idx.msk [tilespmem:v7+s14+$0x0], $0xffff  }
0x281: {  	v12 =	vor.u32 v21, v2;
	[tilespmem:s29+$0xFFFFFDD0] =	vst v3;
	v3 =	vld.idx.msk [tilespmem:v9+s14+$0x0], $0xffff  }
0x282: {  	[tilespmem:s29+$0xFFFFFF40] =	vst v10;
	v9 =	vor.u32 v29, v0;
	v10 =	vld.idx.msk [tilespmem:v14+s14+$0x0], $0xffff  }
0x283: {  	v1 =	vor.u32 v51, v2;
	v14 =	vor.u32 v53, v2;
	[tilespmem:s29+$0xFFFFFED0] =	vst v5;
	v5 =	vld.idx.msk [tilespmem:v15+s14+$0x0], $0xffff  }
0x284: {  	v4 =	vor.u32 v42, v2;
	[tilespmem:s29+$0xFFFFFCC0] =	vst v13;
	v13 =	vor.u32 v59, v0;
	v0 =	vmov v2;
	v2 =	vld.idx.msk [tilespmem:v8+s14+$0x0], $0xffff  }
0x285: {  	[tilespmem:s29+$0xFFFFFC40] =	vst v6;
	v6 =	vor.u32 v60, v0;
	v11 =	vld.idx.msk [tilespmem:v11+s14+$0x0], $0xffff  }
0x286: {  	v16 =	vor.u32 v57, v0;
	[tilespmem:s29+$0xFFFFFFD0] =	vst v7;
	v15 =	vld.idx.msk [tilespmem:v12+s14+$0x0], $0xffff  }
0x287: {  	[tilespmem:s29+$0xFFFFFE50] =	vst v3;
	v3 =	vor.u32 v56, v0;
	v17 =	vld.idx.msk [tilespmem:v9+s14+$0x0], $0xffff  }
0x288: {  	v9 =	vor.u32 v44, v0;
	v14 =	vld.idx.msk [tilespmem:v14+s14+$0x0], $0xffff;
	[tilespmem:s28+$0xFFFFFFF0] =	vst v10  }
0x289: {  	[tilespmem:s29+$0xFFFFFF50] =	vst v5;
	v8 =	vld.idx.msk [tilespmem:v13+s14+$0x0], $0xffff  }
0x28a: {  	p1 =	slt.u32 s30, $0x38;
	v18 =	vor.u32 v27, v0;
	[tilespmem:s29+$0xFFFFFEE0] =	vst v11;
	v7 =	vld.idx.msk [tilespmem:v6+s14+$0x0], $0xffff  }
.Ltmp6:
0x28b: {  	[tilespmem:s29+$0xFFFFFDE0] =	vst v2;
	v2 =	vld.idx.msk [tilespmem:v16+s14+$0x0], $0xffff;
	(pc) =	sbr.rel @p1 .LBB2_8-.Ltmp6, $4  }
0x28c: {  	v6 =	vld.idx.msk [tilespmem:v3+s14+$0x0], $0xffff  }
0x28d: {  	[tilespmem:s29+$0xFFFFFC50] =	vst v15;
	v3 =	vld.idx.msk [tilespmem:v9+s14+$0x0], $0xffff  }
0x28e: {  	v12 =	vor.u32 v34, v0;
	v10 =	vor.u32 v54, v0;
	[tilespmem:s28+$0xFFFFFC80] =	vst v17;
	v17 =	vld [tilespmem:$0x1FD20]  }
0x28f: {  	s30 =	sadd.s32 $0x8, s30;
	v11 =	vor.u32 v48, v0;
	v9 =	vor.u32 v24, v0;
	[tilespmem:s29+$0xFFFFFFE0] =	vst v14;
	v5 =	vld.idx.msk [tilespmem:v18+s14+$0x0], $0xffff  }
0x290: {  	_ =	sdelay $0x3  }
0x291: {  	v12 =	vld.idx.msk [tilespmem:v12+s14+$0x0], $0xffff  }
0x292: {  	v4 =	vld.idx.msk [tilespmem:v4+s14+$0x0], $0xffff  }
0x293: {  	v13 =	vor.u32 v35, v0;
	v14 =	vld [tilespmem:$0x1FC80]  }
0x294: {  	[tilespmem:s28+$0x0] =	vst v8  }
0x295: {  	[tilespmem:s29+$0xFFFFFF60] =	vst v7  }
0x296: {  	[tilespmem:s29+$0xFFFFFEF0] =	vst v2  }
0x297: {  	[tilespmem:s29+$0xFFFFFCD0] =	vst v12  }
0x298: {  	v14 =	vor.u32 v14, v0;
	[tilespmem:s29+$0xFFFFFD50] =	vst v4;
	v7 =	vld.idx.msk [tilespmem:v13+s14+$0x0], $0xffff  }
0x299: {  	v4 =	vld [tilespmem:$0x1FC50];
	[tilespmem:s29+$0xFFFFFE60] =	vst v6  }
0x29a: {  	v6 =	vld [tilespmem:$0x1FC90]  }
0x29b: {  	v8 =	vld.idx.msk [tilespmem:v10+s14+$0x0], $0xffff;
	[tilespmem:s29+$0xFFFFFDF0] =	vst v3  }
0x29c: {  	v9 =	vld.idx.msk [tilespmem:v9+s14+$0x0], $0xffff;
	[tilespmem:s29+$0xFFFFFC60] =	vst v5;
	v5 =	vor.u32 v58, v0  }
0x29d: {  	v10 =	vor.u32 v28, v0;
	v33 =	vld.idx.msk [tilespmem:v14+s14+$0x0], $0xffff;
	[tilespmem:s29+$0xFFFFFCE0] =	vst v7  }
0x29e: {  	v4 =	vor.u32 v4, v0;
	v13 =	vld [tilespmem:$0x1FCD0]  }
0x29f: {  	v34 =	vld.idx.msk [tilespmem:v11+s14+$0x0], $0xffff;
	v6 =	vor.u32 v6, v0  }
0x2a0: {  	v1 =	vld.idx.msk [tilespmem:v1+s14+$0x0], $0xffff  }
0x2a1: {  	v11 =	vor.u32 v43, v0;
	v5 =	vld.idx.msk [tilespmem:v5+s14+$0x0], $0xffff  }
0x2a2: {  	v42 =	vor.u32 v59, v0;
	[tilespmem:s29+$0xFFFFFF70] =	vst v8;
	v8 =	vld.idx.msk [tilespmem:v10+s14+$0x0], $0xffff  }
0x2a3: {  	[tilespmem:s29+$0xFFFFFD60] =	vst v33;
	v4 =	vld.idx.msk [tilespmem:v4+s14+$0x0], $0xffff;
	v7 =	vor.u32 v13, v0  }
0x2a4: {  	[tilespmem:s29+$0xFFFFFF00] =	vst v9;
	v2 =	vld.idx.msk [tilespmem:v6+s14+$0x0], $0xffff;
	v6 =	vor.u32 v37, v0  }
0x2a5: {  	[tilespmem:s29+$0xFFFFFE70] =	vst v34;
	v37 =	vor.u32 v29, v0  }
0x2a6: {  	v9 =	vor.u32 v36, v0;
	v10 =	vld.idx.msk [tilespmem:v11+s14+$0x0], $0xffff;
	[tilespmem:s29+$0xFFFFFFF0] =	vst v5  }
0x2a7: {  	[tilespmem:s29+$0xFFFFFE00] =	vst v1;
	v0 =	vld.idx.msk [tilespmem:v42+s14+$0x0], $0xffff  }
0x2a8: {  	[tilespmem:s29+$0xFFFFFCF0] =	vst v4;
	v44 =	vld.idx.msk [tilespmem:v7+s14+$0x0], $0xffff  }
0x2a9: {  	[tilespmem:s29+$0xFFFFFC70] =	vst v8;
	v4 =	vld.idx.msk [tilespmem:v6+s14+$0x0], $0xffff  }
0x2aa: {  	[tilespmem:s29+$0xFFFFFD70] =	vst v2;
	v3 =	vld.idx.msk [tilespmem:v37+s14+$0x0], $0xffff  }
0x2ab: {  	[tilespmem:s29+$0xFFFFFF80] =	vst v10;
	v2 =	vld.idx.msk [tilespmem:v9+s14+$0x0], $0xffff  }
0x2ac: {  	[tilespmem:s29+$0x0] =	vst v0  }
0x2ad: {  	[tilespmem:s29+$0xFFFFFE80] =	vst v44  }
0x2ae: {  	[tilespmem:s29+$0xFFFFFD00] =	vst v4  }
0x2af: {  	[tilespmem:s29+$0xFFFFFC80] =	vst v3  }
0x2b0: {  	[tilespmem:s29+$0xFFFFFD80] =	vst v2  }
0x2b1: {  	v9 =	vld [tilespmem:$0x1FF60]  }
0x2b2: {  	v10 =	vld [tilespmem:$0x1FF50]  }
0x2b3: {  	s0 =	smul.u32 $0x29, s26;
	v37 =	vmov v40;
	v40 =	vld [tilespmem:$0x1FE40]  }
0x2b4: {  	v12 =	vld [tilespmem:$0x1FEA0]  }
0x2b5: {  	s0 =	sshrl.u32 s0, $0xB;
	v6 =	vld [tilespmem:$0x1FF40]  }
0x2b6: {  	s0 =	sand.u32 $0x1F, s0;
	v27 =	vld [tilespmem:$0x1FF30]  }
0x2b7: {  	s30 =	smul.u32 $0x32, s0;
	v8 =	vmov v39;
	v39 =	vld [tilespmem:$0x1FE80]  }
0x2b8: {  	v11 =	vmov v31;
	v31 =	vld [tilespmem:$0x1FF20]  }
0x2b9: {  	s31 =	ssub.s32 s26, s30;
	v42 =	vld [tilespmem:$0x1FEE0]  }
.Ltmp7:
0x2ba: {  	v15 =	vmov v28;
	s26 =	sand.u32 $0xFF, s31;
	v28 =	vld [tilespmem:$0x1FE60];
	(pc) =	sbr.rel @p0 .LBB2_15-.Ltmp7, $4  }
0x2bb: {  	v16 =	vmovc v30;
	v51 =	vmov v43;
	v18 =	vmov v49;
	v30 =	vmov v57;
	s0 =	sadd.s32 s0, s6;
	s26 =	sshll.u32 s26, $0x11;
	v44 =	vld [tilespmem:$0x1FED0]  }
0x2bc: {  	v60 =	vmovc v54;
	v54 =	vmovc v53;
	v53 =	vmov v46;
	s0 =	sshll.u32 s0, $0x7;
	v43 =	vmov v35;
	v58 =	vmov v56;
	s26 =	sadd.s32 s1, s26;
	v59 =	vld [tilespmem:$0x1FE90]  }
0x2bd: {  	s0 =	sadd.s32 s0, s26;
	v14 =	vmovc v32;
	v32 =	vmovc v50;
	v36 =	vmov v51;
	v7 =	vmov v61;
	v61 =	vmov v48;
	v48 =	vld [tilespmem:$0x1FE70]  }
0x2be: {  	v33 =	vmovc v38;
	v38 =	vmovc v52;
	v29 =	vmov v47;
	v13 =	vmov v24;
	v24 =	vmov v23;
	[hbm4b:s0+s10] =	stream.strided.scatter [tilespmem:s15], [sflag:$0x6], $0x2000, s11, s10, $0x38;
	v52 =	vld [tilespmem:$0x1FEC0]  }
.LBB2_10:
0x2bf: {  	s0 =	sor.u32 $0x2, s24  }
0x2c0: {  	s26 =	smulhi.u32 $0x51EB851F, s0;
	_ =	sdelay $0x1  }
0x2c1: {  	s26 =	sshrl.u32 s26, $0x4  }
0x2c2: {  	s28 =	smul.u32 $0x32, s26;
	_ =	sdelay $0x1  }
0x2c3: {  	s0 =	ssub.s32 s0, s28  }
0x2c4: {  	p0 =	seq.s32 s0, $0x0  }
0x2c5: {  	s28 =	sand.u32 @p0 $0x1, s26  }
0x2c6: {  	s29 =	sadd.s32 @p0 s6, s26;
	p1 =	seq.s32 @p0 s28, $0x1  }
0x2c7: {  	s28 =	simm.s32 @p0 $0x6400;
	s29 =	sshll.u32 @p0 s29, $0x4;
	p1 =	por !p1, !p0  }
0x2c8: {  	s31 =	simm.s32 @p0 $0x80;
	s29 =	sand.u32 @p0 $0x1FFFFFF0, s29;
	s28 =	simm.s32 @p1 $0x0  }
0x2c9: {  	s3 =	simm.s32 @p0 $0x4000;
	s29 =	sadd.s32 @p0 s4, s29;
	s30 =	sshrl.u32 @p0 s28, $0x2  }
0x2ca: {  	[tilespmem:s30], [sflag:$0x7] =	stream.strided.gather @p0 [hbm4b:s29+s31], $0x1900, s3, s31, $0x38;
	[tilespmem:$0x17200] =	vst v63  }
0x2cb: {  	s3 =	sand.u32 @!p0 $0x1, s26  }
0x2cc: {  	p1 =	seq.s32 @!p0 s3, $0x1  }
0x2cd: {  	s3 =	simm.s32 @!p0 $0x6400;
	p1 =	por !p1, p0  }
0x2ce: {  	s26 =	simm.s32 @p0 $0x7;
	s29 =	simm.s32 $0x0;
	s3 =	simm.s32 @p1 $0x0  }
0x2cf: {  	s0 =	sshll.u32 s0, $0x7;
	_ =	swait.ge @p0 [sflag:s26], $0x1900;
	v0 =	vmov s29;
	s3 =	smov.u32 @p0 s28  }
0x2d0: {  	s0 =	sand.u32 $0x3FFFFF80, s0;
	[sflag:s26] =	ssyncset.done @p0 $0x0;
	v0 =	vshrl.u32 v0, $0x3;
	s3 =	sshrl.u32 s3, $0x2  }
0x2d1: {  	[sflag:s26] =	ssyncadd.s32 @p0 $0xFFFFE700;
	v0 =	vshll.u32 v0, $0x3;
	s0 =	sadd.s32 s0, s3  }
0x2d2: {  	v35 =	vmov v58;
	v58 =	vbroadcast v0, $0x0;
	[tilespmem:s9], [sflag:$0x3] =	stream.indirect.gather [hbm4b:s5+s18], $0x80, s0, s18, $0xb8;
	[tilespmem:$0x17200] =	vst v63  }
0x2d3: {  	_ =	swait.ge [sflag:s19], $0x4000  }
0x2d4: {  	p0 =	seq.s32 s23, $0x0;
	v0 =	vor.u32 v17, v58;
	[sflag:s19] =	ssyncset.done $0x0  }
0x2d5: {  	v2 =	vor.u32 v33, v58;
	s0 =	simm.s32 @!p0 $0x5;
	[sflag:s19] =	ssyncadd.s32 $0xFFFFC000  }
0x2d6: {  	v3 =	vor.u32 v9, v58;
	_ =	swait.ge @!p0 [sflag:s0], $0x2000  }
0x2d7: {  	v4 =	vor.u32 v6, v58;
	[sflag:s0] =	ssyncset.done @!p0 $0x0  }
0x2d8: {  	v5 =	vor.u32 v31, v58;
	v26 =	vld [tilespmem:$0x1FCE0];
	[sflag:s0] =	ssyncadd.s32 @!p0 $0xFFFFE000  }
0x2d9: {  	v1 =	vor.u32 v16, v58;
	v0 =	vld.idx.msk [tilespmem:v0+s20+$0x0], $0xffff  }
0x2da: {  	v7 =	vor.u32 v7, v58;
	v2 =	vld.idx.msk [tilespmem:v2+s20+$0x0], $0xffff  }
0x2db: {  	v8 =	vor.u32 v8, v58;
	v3 =	vld.idx.msk [tilespmem:v3+s20+$0x0], $0xffff  }
0x2dc: {  	v50 =	vmov v9;
	v9 =	vor.u32 v10, v58;
	v4 =	vld.idx.msk [tilespmem:v4+s20+$0x0], $0xffff  }
0x2dd: {  	s26 =	simm.s32 $0x3400;
	v5 =	vld.idx.msk [tilespmem:v5+s20+$0x0], $0xffff;
	v6 =	vor.u32 v26, v58  }
0x2de: {  	v10 =	vor.u32 v27, v58;
	v1 =	vld.idx.msk [tilespmem:v1+s20+$0x0], $0xffff;
	[tilespmem:s26+$0xFFFFFE00] =	vst v0  }
0x2df: {  	v7 =	vld.idx.msk [tilespmem:v7+s20+$0x0], $0xffff;
	v0 =	vor.u32 v42, v58;
	[tilespmem:s26+$0xFFFFFF00] =	vst v2  }
0x2e0: {  	v2 =	vor.u32 v11, v58;
	[tilespmem:s26+$0xFFFFFF80] =	vst v3;
	v8 =	vld.idx.msk [tilespmem:v8+s20+$0x0], $0xffff  }
0x2e1: {  	v3 =	vor.u32 v19, v58;
	[tilespmem:s26+$0x0] =	vst v4;
	v9 =	vld.idx.msk [tilespmem:v9+s20+$0x0], $0xffff  }
0x2e2: {  	v11 =	vor.u32 v59, v58;
	[tilespmem:s26+$0x80] =	vst v5;
	v6 =	vld.idx.msk [tilespmem:v6+s20+$0x0], $0xffff  }
0x2e3: {  	[tilespmem:s26+$0xFFFFFE80] =	vst v1;
	v1 =	vor.u32 v40, v58;
	v10 =	vld.idx.msk [tilespmem:v10+s20+$0x0], $0xffff  }
0x2e4: {  	v5 =	vor.u32 v39, v58;
	[tilespmem:s26+$0x180] =	vst v7;
	v0 =	vld.idx.msk [tilespmem:v0+s20+$0x0], $0xffff  }
0x2e5: {  	v4 =	vor.u32 v22, v58;
	v2 =	vld.idx.msk [tilespmem:v2+s20+$0x0], $0xffff;
	[tilespmem:s26+$0xFFFFFF10] =	vst v8  }
0x2e6: {  	v7 =	vor.u32 v28, v58;
	v3 =	vld.idx.msk [tilespmem:v3+s20+$0x0], $0xffff;
	[tilespmem:s26+$0xFFFFFF90] =	vst v9  }
0x2e7: {  	[tilespmem:s26+$0x100] =	vst v6;
	v6 =	vld.idx.msk [tilespmem:v11+s20+$0x0], $0xffff;
	v11 =	vor.u32 v14, v58  }
0x2e8: {  	v8 =	vor.u32 v48, v58;
	[tilespmem:s26+$0x10] =	vst v10;
	v1 =	vld.idx.msk [tilespmem:v1+s20+$0x0], $0xffff  }
0x2e9: {  	v9 =	vor.u32 v37, v58;
	v5 =	vld.idx.msk [tilespmem:v5+s20+$0x0], $0xffff;
	[tilespmem:s26+$0x90] =	vst v0  }
0x2ea: {  	v10 =	vor.u32 v12, v58;
	v4 =	vld.idx.msk [tilespmem:v4+s20+$0x0], $0xffff;
	[tilespmem:s26+$0xFFFFFE90] =	vst v2  }
0x2eb: {  	v0 =	vor.u32 v24, v58;
	[tilespmem:s26+$0xFFFFFE10] =	vst v3;
	v2 =	vld.idx.msk [tilespmem:v7+s20+$0x0], $0xffff  }
0x2ec: {  	v7 =	vor.u32 v44, v58;
	v11 =	vld.idx.msk [tilespmem:v11+s20+$0x0], $0xffff;
	[tilespmem:s26+$0x190] =	vst v6  }
0x2ed: {  	[tilespmem:s26+$0xFFFFFFA0] =	vst v1;
	v1 =	vor.u32 v18, v58;
	v3 =	vld.idx.msk [tilespmem:v8+s20+$0x0], $0xffff  }
0x2ee: {  	v9 =	vld.idx.msk [tilespmem:v9+s20+$0x0], $0xffff;
	[tilespmem:s26+$0x20] =	vst v5  }
0x2ef: {  	v6 =	vor.u32 v20, v58;
	[tilespmem:s26+$0x110] =	vst v4;
	v4 =	vld.idx.msk [tilespmem:v10+s20+$0x0], $0xffff  }
0x2f0: {  	v8 =	vor.u32 v52, v58;
	v0 =	vld.idx.msk [tilespmem:v0+s20+$0x0], $0xffff;
	[tilespmem:s26+$0xA0] =	vst v2  }
0x2f1: {  	v2 =	vor.u32 v62, v58;
	v5 =	vld.idx.msk [tilespmem:v7+s20+$0x0], $0xffff;
	[tilespmem:s26+$0xFFFFFEA0] =	vst v11  }
0x2f2: {  	v10 =	vor.u32 v41, v58;
	v1 =	vld.idx.msk [tilespmem:v1+s20+$0x0], $0xffff;
	[tilespmem:s26+$0x1A0] =	vst v3  }
0x2f3: {  	v47 =	vmov v33;
	v3 =	vor.u32 v29, v58;
	v33 =	vld [tilespmem:$0x1FC30]  }
0x2f4: {  	v7 =	vor.u32 v38, v58;
	v6 =	vld.idx.msk [tilespmem:v6+s20+$0x0], $0xffff;
	[tilespmem:s26+$0xFFFFFF20] =	vst v9  }
0x2f5: {  	v8 =	vld.idx.msk [tilespmem:v8+s20+$0x0], $0xffff;
	v9 =	vor.u32 v25, v58;
	[tilespmem:s26+$0x120] =	vst v0  }
0x2f6: {  	v0 =	vor.u32 v55, v58;
	[tilespmem:s26+$0xFFFFFFB0] =	vst v4;
	v2 =	vld.idx.msk [tilespmem:v2+s20+$0x0], $0xffff  }
0x2f7: {  	v4 =	vor.u32 v63, v58;
	v10 =	vld.idx.msk [tilespmem:v10+s20+$0x0], $0xffff;
	[tilespmem:s26+$0xB0] =	vst v5  }
0x2f8: {  	[tilespmem:s26+$0x30] =	vst v1;
	v3 =	vld.idx.msk [tilespmem:v3+s20+$0x0], $0xffff;
	v11 =	vor.u32 v33, v58  }
0x2f9: {  	v5 =	vld.idx.msk [tilespmem:v7+s20+$0x0], $0xffff;
	[tilespmem:s26+$0xFFFFFE20] =	vst v6  }
0x2fa: {  	v6 =	vor.u32 v32, v58;
	[tilespmem:s26+$0x1B0] =	vst v8;
	v8 =	vld.idx.msk [tilespmem:v9+s20+$0x0], $0xffff  }
0x2fb: {  	v7 =	vor.u32 v53, v58;
	v0 =	vld.idx.msk [tilespmem:v0+s20+$0x0], $0xffff;
	[tilespmem:s26+$0x130] =	vst v2  }
0x2fc: {  	v1 =	vor.u32 v45, v58;
	[tilespmem:s26+$0xFFFFFF30] =	vst v10;
	v2 =	vld.idx.msk [tilespmem:v4+s20+$0x0], $0xffff  }
0x2fd: {  	v9 =	vor.u32 v21, v58;
	[tilespmem:s26+$0xC0] =	vst v3;
	v11 =	vld.idx.msk [tilespmem:v11+s20+$0x0], $0xffff  }
0x2fe: {  	v23 =	vld [tilespmem:$0x1FCF0]  }
0x2ff: {  	v4 =	vld.idx.msk [tilespmem:v6+s20+$0x0], $0xffff  }
0x300: {  	[tilespmem:s26+$0xFFFFFFC0] =	vst v5;
	v5 =	vld.idx.msk [tilespmem:v7+s20+$0x0], $0xffff  }
0x301: {  	[tilespmem:s26+$0xFFFFFE30] =	vst v8;
	v1 =	vld.idx.msk [tilespmem:v1+s20+$0x0], $0xffff  }
0x302: {  	v3 =	vor.u32 v54, v58;
	v9 =	vld.idx.msk [tilespmem:v9+s20+$0x0], $0xffff;
	[tilespmem:s26+$0x1C0] =	vst v0  }
0x303: {  	v25 =	vld [tilespmem:$0x1FCB0];
	v6 =	vor.u32 v23, v58  }
0x304: {  	v10 =	vld [tilespmem:$0x1FC10];
	[tilespmem:s26+$0x140] =	vst v2  }
0x305: {  	v46 =	vmov v13;
	v7 =	vor.u32 v30, v58;
	v13 =	vld [tilespmem:$0x1FCC0]  }
0x306: {  	v8 =	vor.u32 v35, v58;
	v2 =	vld [tilespmem:$0x1FC40]  }
0x307: {  	v3 =	vld.idx.msk [tilespmem:v3+s20+$0x0], $0xffff  }
0x308: {  	[tilespmem:s26+$0xD0] =	vst v4;
	v0 =	vor.u32 v25, v58;
	v4 =	vld.idx.msk [tilespmem:v6+s20+$0x0], $0xffff  }
0x309: {  	v6 =	vld [tilespmem:$0x1FC70];
	[tilespmem:s26+$0x40] =	vst v5  }
0x30a: {  	v10 =	vor.u32 v10, v58;
	v5 =	vld.idx.msk [tilespmem:v7+s20+$0x0], $0xffff;
	[tilespmem:s26+$0xFFFFFFD0] =	vst v1  }
0x30b: {  	v2 =	vor.u32 v2, v58;
	[tilespmem:s26+$0xFFFFFE40] =	vst v9;
	v1 =	vld.idx.msk [tilespmem:v8+s20+$0x0], $0xffff  }
0x30c: {  	[tilespmem:s26+$0xFFFFFEB0] =	vst v11  }
0x30d: {  	v11 =	vor.u32 v61, v58;
	[tilespmem:s26+$0x1D0] =	vst v3;
	v8 =	vld.idx.msk [tilespmem:v0+s20+$0x0], $0xffff  }
0x30e: {  	v57 =	vmov v12;
	s31 =	simm.s32 $0x8;
	v12 =	vor.u32 v13, v58;
	[tilespmem:s26+$0x150] =	vst v4  }
0x30f: {  	v10 =	vld.idx.msk [tilespmem:v10+s20+$0x0], $0xffff;
	v0 =	vmov s31;
	v6 =	vor.u32 v6, v58;
	[tilespmem:s26+$0xE0] =	vst v5  }
0x310: {  	v7 =	vor.u32 v60, v58;
	v2 =	vld.idx.msk [tilespmem:v2+s20+$0x0], $0xffff;
	v0 =	vshrl.u32 v0, $0x3;
	[tilespmem:s26+$0x50] =	vst v1  }
0x311: {  	v9 =	vor.u32 v46, v58;
	v0 =	vshll.u32 v0, $0x3;
	v1 =	vld [tilespmem:$0x1FC80]  }
0x312: {  	v3 =	vor.u32 v15, v58;
	v0 =	vbroadcast v0, $0x0;
	[tilespmem:s26+$0xFFFFFFE0] =	vst v8;
	v8 =	vld.idx.msk [tilespmem:v11+s20+$0x0], $0xffff  }
0x313: {  	v5 =	vor.u32 v43, v58;
	v11 =	vld.idx.msk [tilespmem:v12+s20+$0x0], $0xffff  }
0x314: {  	[tilespmem:s26+$0xFFFFFE50] =	vst v10;
	v10 =	vor.u32 v17, v0;
	v4 =	vld.idx.msk [tilespmem:v6+s20+$0x0], $0xffff  }
0x315: {  	v6 =	vld.idx.msk [tilespmem:v7+s20+$0x0], $0xffff  }
0x316: {  	v34 =	vmovc v24;
	v24 =	vmov v54;
	v7 =	vld.idx.msk [tilespmem:v9+s20+$0x0], $0xffff;
	v54 =	vmov v1;
	v1 =	vor.u32 v1, v58  }
0x317: {  	[tilespmem:s26+$0xFFFFFEC0] =	vst v2;
	v3 =	vld.idx.msk [tilespmem:v3+s20+$0x0], $0xffff  }
0x318: {  	v9 =	vor.u32 v36, v58;
	v5 =	vld.idx.msk [tilespmem:v5+s20+$0x0], $0xffff  }
0x319: {  	v10 =	vld.idx.msk [tilespmem:v10+s20+$0x0], $0xffff;
	[tilespmem:s26+$0xFFFFFF40] =	vst v4  }
0x31a: {  	v31 =	vmov v14;
	v14 =	vmov v29;
	v29 =	vmov v44;
	v44 =	vld [tilespmem:$0x1FCD0];
	[tilespmem:s26+$0x160] =	vst v6  }
0x31b: {  	[tilespmem:s26+$0xF0] =	vst v7;
	v1 =	vld.idx.msk [tilespmem:v1+s20+$0x0], $0xffff  }
0x31c: {  	v7 =	vld [tilespmem:$0x1FC50]  }
0x31d: {  	v2 =	vor.u32 v16, v0;
	v9 =	vld.idx.msk [tilespmem:v9+s20+$0x0], $0xffff;
	[tilespmem:s26+$0x60] =	vst v8  }
0x31e: {  	v51 =	vmovc v39;
	v39 =	vmov v27;
	v27 =	vmov v18;
	v18 =	vmov v55;
	v55 =	vld [tilespmem:$0x1FF20]  }
0x31f: {  	v35 =	vld [tilespmem:$0x1FF40]  }
0x320: {  	v12 =	vmov v22;
	v22 =	vmov v48;
	v6 =	vor.u32 v47, v0;
	v48 =	vld [tilespmem:$0x1FF50]  }
0x321: {  	v8 =	vld [tilespmem:$0x1FC90];
	[tilespmem:s26+$0xFFFFFFF0] =	vst v11  }
0x322: {  	v2 =	vld.idx.msk [tilespmem:v2+s20+$0x0], $0xffff;
	[tilespmem:s26+$0xFFFFFE60] =	vst v3  }
0x323: {  	v37 =	vmov v42;
	v42 =	vmov v26;
	v26 =	vmov v39;
	[tilespmem:s26+$0xFFFFFED0] =	vst v5  }
0x324: {  	v36 =	vmovc v28;
	v28 =	vmovc v50;
	v50 =	vmov v51;
	v51 =	vmov v27;
	v4 =	vor.u32 v44, v58;
	[tilespmem:s26+$0xFFFFFF50] =	vst v1  }
0x325: {  	s28 =	simm.s32 $0x3800;
	v27 =	vmovc v25;
	v25 =	vmov v40;
	v6 =	vld.idx.msk [tilespmem:v6+s20+$0x0], $0xffff;
	v47 =	vmov v7;
	v7 =	vor.u32 v7, v58;
	[tilespmem:s26+$0x170] =	vst v9  }
0x326: {  	v39 =	vmovc v28;
	v11 =	vor.u32 v28, v0;
	v40 =	vmov v8;
	v8 =	vor.u32 v8, v58;
	v28 =	vld [tilespmem:$0x1FD90];
	[tilespmem:s28+$0xFFFFFE00] =	vst v10  }
0x327: {  	v13 =	vmov v62;
	v62 =	vmov v24;
	v24 =	vld [tilespmem:$0x1FC60];
	[tilespmem:s28+$0xFFFFFE80] =	vst v2  }
0x328: {  	v1 =	vor.u32 v42, v0;
	v42 =	vld [tilespmem:$0x1FDA0]  }
0x329: {  	v3 =	vor.u32 v35, v0;
	v4 =	vld.idx.msk [tilespmem:v4+s20+$0x0], $0xffff  }
0x32a: {  	v5 =	vor.u32 v55, v0;
	v7 =	vld.idx.msk [tilespmem:v7+s20+$0x0], $0xffff  }
0x32b: {  	v9 =	vor.u32 v28, v0;
	v8 =	vld.idx.msk [tilespmem:v8+s20+$0x0], $0xffff  }
0x32c: {  	v10 =	vld.idx.msk [tilespmem:v11+s20+$0x0], $0xffff  }
0x32d: {  	[tilespmem:s28+$0xFFFFFF00] =	vst v6;
	v1 =	vld.idx.msk [tilespmem:v1+s20+$0x0], $0xffff;
	v11 =	vor.u32 v24, v58  }
0x32e: {  	v3 =	vld.idx.msk [tilespmem:v3+s20+$0x0], $0xffff;
	v2 =	vor.u32 v42, v0;
	[tilespmem:s26+$0x70] =	vst v4  }
0x32f: {  	v6 =	vor.u32 v26, v0;
	v5 =	vld.idx.msk [tilespmem:v5+s20+$0x0], $0xffff;
	[tilespmem:s26+$0xFFFFFEE0] =	vst v7  }
0x330: {  	v4 =	vor.u32 v48, v0;
	v9 =	vld.idx.msk [tilespmem:v9+s20+$0x0], $0xffff;
	[tilespmem:s26+$0xFFFFFF60] =	vst v8  }
0x331: {  	v49 =	vmov v52;
	v52 =	vmov v48;
	v48 =	vmov v26;
	v26 =	vld [tilespmem:$0x1FDC0]  }
0x332: {  	v7 =	vor.u32 v37, v0;
	v11 =	vld.idx.msk [tilespmem:v11+s20+$0x0], $0xffff;
	[tilespmem:s28+$0xFFFFFF80] =	vst v10  }
0x333: {  	v10 =	vor.u32 v59, v0;
	[tilespmem:s28+$0x0] =	vst v3;
	v2 =	vld.idx.msk [tilespmem:v2+s20+$0x0], $0xffff  }
0x334: {  	v3 =	vor.u32 v19, v0;
	[tilespmem:s28+$0x80] =	vst v5;
	v6 =	vld.idx.msk [tilespmem:v6+s20+$0x0], $0xffff  }
0x335: {  	v5 =	vor.u32 v12, v0;
	[tilespmem:s28+$0x100] =	vst v1;
	v4 =	vld.idx.msk [tilespmem:v4+s20+$0x0], $0xffff  }
0x336: {  	[tilespmem:s28+$0x180] =	vst v9  }
0x337: {  	v1 =	vor.u32 v25, v0;
	v7 =	vld.idx.msk [tilespmem:v7+s20+$0x0], $0xffff;
	[tilespmem:s26+$0xFFFFFEF0] =	vst v11  }
0x338: {  	v9 =	vor.u32 v50, v0;
	v10 =	vld.idx.msk [tilespmem:v10+s20+$0x0], $0xffff;
	[tilespmem:s28+$0xFFFFFF10] =	vst v2  }
0x339: {  	v3 =	vld.idx.msk [tilespmem:v3+s20+$0x0], $0xffff;
	[tilespmem:s28+$0x10] =	vst v6  }
0x33a: {  	v8 =	vor.u32 v26, v0;
	v5 =	vld.idx.msk [tilespmem:v5+s20+$0x0], $0xffff;
	[tilespmem:s28+$0xFFFFFF90] =	vst v4  }
0x33b: {  	v11 =	vor.u32 v36, v0;
	v59 =	vld [tilespmem:$0x1FDE0]  }
0x33c: {  	v1 =	vld.idx.msk [tilespmem:v1+s20+$0x0], $0xffff  }
0x33d: {  	[tilespmem:s28+$0x90] =	vst v7;
	v9 =	vld.idx.msk [tilespmem:v9+s20+$0x0], $0xffff  }
0x33e: {  	v7 =	vld [tilespmem:$0x1FCA0]  }
0x33f: {  	v4 =	vor.u32 v22, v0;
	v8 =	vld.idx.msk [tilespmem:v8+s20+$0x0], $0xffff;
	[tilespmem:s28+$0x190] =	vst v10  }
0x340: {  	v2 =	vor.u32 v31, v0;
	v11 =	vld.idx.msk [tilespmem:v11+s20+$0x0], $0xffff;
	[tilespmem:s28+$0xFFFFFE10] =	vst v3  }
0x341: {  	[tilespmem:s28+$0x110] =	vst v5  }
0x342: {  	v6 =	vor.u32 v59, v0;
	[tilespmem:s28+$0xFFFFFFA0] =	vst v1  }
0x343: {  	v25 =	vmov v31;
	v31 =	vmov v7;
	v7 =	vor.u32 v7, v58;
	[tilespmem:s28+$0x20] =	vst v9  }
0x344: {  	v4 =	vld.idx.msk [tilespmem:v4+s20+$0x0], $0xffff;
	[tilespmem:s28+$0xFFFFFE90] =	vst v8;
	v8 =	vor.u32 v57, v0  }
0x345: {  	[tilespmem:s28+$0xA0] =	vst v11;
	v2 =	vld.idx.msk [tilespmem:v2+s20+$0x0], $0xffff  }
0x346: {  	v10 =	vor.u32 v34, v0;
	v57 =	vld [tilespmem:$0x1FDF0]  }
0x347: {  	v5 =	vor.u32 v20, v0;
	v6 =	vld.idx.msk [tilespmem:v6+s20+$0x0], $0xffff  }
0x348: {  	v3 =	vor.u32 v29, v0;
	v7 =	vld.idx.msk [tilespmem:v7+s20+$0x0], $0xffff  }
0x349: {  	v1 =	vor.u32 v49, v0;
	v8 =	vld.idx.msk [tilespmem:v8+s20+$0x0], $0xffff  }
0x34a: {  	[tilespmem:s28+$0x1A0] =	vst v4  }
0x34b: {  	v9 =	vor.u32 v51, v0;
	v10 =	vld.idx.msk [tilespmem:v10+s20+$0x0], $0xffff;
	[tilespmem:s28+$0xFFFFFEA0] =	vst v2  }
0x34c: {  	v61 =	vmov v38;
	v5 =	vld.idx.msk [tilespmem:v5+s20+$0x0], $0xffff;
	v11 =	vor.u32 v57, v0;
	[tilespmem:s28+$0xFFFFFF20] =	vst v6  }
0x34d: {  	v3 =	vld.idx.msk [tilespmem:v3+s20+$0x0], $0xffff;
	v2 =	vor.u32 v61, v0;
	[tilespmem:s26+$0xFFFFFF70] =	vst v7  }
0x34e: {  	v1 =	vld.idx.msk [tilespmem:v1+s20+$0x0], $0xffff;
	v6 =	vor.u32 v14, v0;
	[tilespmem:s28+$0xFFFFFFB0] =	vst v8  }
0x34f: {  	v56 =	vmov v23;
	v23 =	vld [tilespmem:$0x1FE00]  }
0x350: {  	v4 =	vor.u32 v13, v0;
	v9 =	vld.idx.msk [tilespmem:v9+s20+$0x0], $0xffff  }
0x351: {  	v11 =	vld.idx.msk [tilespmem:v11+s20+$0x0], $0xffff;
	[tilespmem:s28+$0x120] =	vst v10  }
0x352: {  	v30 =	vmov v18;
	v7 =	vor.u32 v33, v0;
	v2 =	vld.idx.msk [tilespmem:v2+s20+$0x0], $0xffff;
	[tilespmem:s28+$0xB0] =	vst v3  }
0x353: {  	v10 =	vor.u32 v30, v0;
	[tilespmem:s28+$0xFFFFFE20] =	vst v5;
	v5 =	vld.idx.msk [tilespmem:v6+s20+$0x0], $0xffff  }
0x354: {  	v60 =	vmov v53;
	v6 =	vld [tilespmem:$0x1FD00];
	v8 =	vor.u32 v23, v0  }
0x355: {  	v3 =	vor.u32 v60, v0;
	v4 =	vld.idx.msk [tilespmem:v4+s20+$0x0], $0xffff  }
0x356: {  	v46 =	vmov v32;
	[tilespmem:s28+$0x1B0] =	vst v1  }
0x357: {  	[tilespmem:s28+$0x30] =	vst v9;
	v9 =	vor.u32 v46, v0;
	v7 =	vld.idx.msk [tilespmem:v7+s20+$0x0], $0xffff  }
0x358: {  	[tilespmem:s28+$0xFFFFFF30] =	vst v11;
	v10 =	vld.idx.msk [tilespmem:v10+s20+$0x0], $0xffff  }
0x359: {  	v38 =	vmov v33;
	[tilespmem:s28+$0xFFFFFFC0] =	vst v2;
	v33 =	vmov v6;
	v6 =	vor.u32 v6, v58;
	v8 =	vld.idx.msk [tilespmem:v8+s20+$0x0], $0xffff  }
0x35a: {  	v2 =	vor.u32 v21, v0;
	v3 =	vld.idx.msk [tilespmem:v3+s20+$0x0], $0xffff;
	[tilespmem:s28+$0x130] =	vst v4  }
0x35b: {  	v61 =	vld [tilespmem:$0x1FC20];
	[tilespmem:s28+$0xC0] =	vst v5  }
0x35c: {  	v1 =	vor.u32 v63, v0;
	[tilespmem:s28+$0xFFFFFEB0] =	vst v7;
	v7 =	vld.idx.msk [tilespmem:v9+s20+$0x0], $0xffff  }
0x35d: {  	v18 =	vmov v45;
	v9 =	vld [tilespmem:$0x1FD10]  }
0x35e: {  	v11 =	vor.u32 v18, v0;
	v6 =	vld.idx.msk [tilespmem:v6+s20+$0x0], $0xffff;
	[tilespmem:s28+$0xFFFFFE30] =	vst v8  }
0x35f: {  	v41 =	vmov v35;
	v35 =	vmov v55;
	v55 =	vmov v13;
	v13 =	vld.idx.msk [tilespmem:v2+s20+$0x0], $0xffff  }
0x360: {  	v2 =	vld [tilespmem:$0x1FF80];
	[tilespmem:s28+$0x1C0] =	vst v10  }
0x361: {  	v1 =	vld.idx.msk [tilespmem:v1+s20+$0x0], $0xffff;
	[tilespmem:s28+$0x40] =	vst v3  }
0x362: {  	v4 =	vor.u32 v61, v58;
	v3 =	vld [tilespmem:$0x1FF90]  }
0x363: {  	v5 =	vor.u32 v62, v0;
	v11 =	vld.idx.msk [tilespmem:v11+s20+$0x0], $0xffff  }
0x364: {  	v32 =	vmov v42;
	v42 =	vld [tilespmem:$0x1FD70]  }
0x365: {  	v53 =	vmov v27;
	v29 =	vmov v15;
	v15 =	vor.u32 v27, v0;
	v27 =	vld [tilespmem:$0x1FCE0];
	[tilespmem:s26+$0x1E0] =	vst v6  }
0x366: {  	v36 =	vld [tilespmem:$0x1FC10];
	[tilespmem:s28+$0x140] =	vst v1  }
0x367: {  	v51 =	vmov v46;
	v14 =	vld.idx.msk [tilespmem:v4+s20+$0x0], $0xffff;
	[tilespmem:s28+$0xD0] =	vst v7;
	v60 =	vmov v3;
	v3 =	vor.u32 v3, v0  }
0x368: {  	v46 =	vmovc v9;
	v9 =	vor.u32 v9, v58;
	v58 =	vmov v26;
	v26 =	vmov v16;
	v16 =	vld.idx.msk [tilespmem:v5+s20+$0x0], $0xffff;
	[tilespmem:s28+$0xFFFFFFD0] =	vst v11  }
0x369: {  	v1 =	vld [tilespmem:$0x1FCC0]  }
0x36a: {  	v37 =	vld [tilespmem:$0x1FC70];
	[tilespmem:s28+$0xFFFFFE40] =	vst v13  }
0x36b: {  	v50 =	vmov v28;
	v28 =	vld [tilespmem:$0x1FC40]  }
0x36c: {  	v12 =	vor.u32 v56, v0;
	v6 =	vld.idx.msk [tilespmem:v3+s20+$0x0], $0xffff  }
0x36d: {  	v22 =	vmov v2;
	v2 =	vor.u32 v2, v0;
	v3 =	vld [tilespmem:$0x1FFF0];
	[tilespmem:s26+$0xFFFFFE70] =	vst v14  }
0x36e: {  	v5 =	vor.u32 v36, v0;
	v30 =	vld [tilespmem:$0x1FF70];
	[tilespmem:s28+$0x1D0] =	vst v16  }
0x36f: {  	v11 =	vld [tilespmem:$0x1FFE0]  }
0x370: {  	v8 =	vld.idx.msk [tilespmem:v9+s20+$0x0], $0xffff  }
0x371: {  	v7 =	vld.idx.msk [tilespmem:v12+s20+$0x0], $0xffff  }
0x372: {  	v45 =	vmovc v34;
	v49 =	vmov v62;
	v62 =	vmov v56;
	v1 =	vor.u32 v1, v0;
	v2 =	vld.idx.msk [tilespmem:v2+s20+$0x0], $0xffff  }
0x373: {  	v4 =	vor.u32 v37, v0;
	v12 =	vor.u32 v28, v0;
	v5 =	vld.idx.msk [tilespmem:v5+s20+$0x0], $0xffff;
	v10 =	vor.u32 v3, v0  }
0x374: {  	s29 =	simm.s32 $0x10;
	v56 =	vmovc v3;
	v3 =	vld.idx.msk [tilespmem:v15+s20+$0x0], $0xffff;
	v9 =	vor.u32 v30, v0;
	v34 =	vmov v11;
	v11 =	vor.u32 v11, v0  }
.LBB2_11:
0x375: {  	_ =	sdelay $0x2  }
0x376: {  	v12 =	vld.idx.msk [tilespmem:v12+s20+$0x0], $0xffff;
	[tilespmem:s26+$0x1F0] =	vst v8  }
0x377: {  	v4 =	vld.idx.msk [tilespmem:v4+s20+$0x0], $0xffff;
	[tilespmem:s28+$0x150] =	vst v7  }
0x378: {  	[tilespmem:s28+$0xFFFFFFE0] =	vst v3;
	v3 =	vld [tilespmem:$0x1FD60]  }
0x379: {  	v13 =	vmov s29;
	[tilespmem:s28+$0xE0] =	vst v2;
	v10 =	vld.idx.msk [tilespmem:v10+s20+$0x0], $0xffff  }
0x37a: {  	v8 =	vshrl.u32 v13, $0x3;
	v13 =	vor.u32 v29, v0;
	[tilespmem:s28+$0x50] =	vst v6;
	v6 =	vld.idx.msk [tilespmem:v9+s20+$0x0], $0xffff  }
0x37b: {  	v7 =	vshll.u32 v8, $0x3;
	v8 =	vor.u32 v43, v0;
	v9 =	vld.idx.msk [tilespmem:v11+s20+$0x0], $0xffff  }
0x37c: {  	[tilespmem:s28+$0xFFFFFE50] =	vst v5;
	v5 =	vld.idx.msk [tilespmem:v1+s20+$0x0], $0xffff;
	v2 =	vbroadcast v7, $0x0;
	v7 =	vor.u32 v54, v0  }
0x37d: {  	v1 =	vld [tilespmem:$0x1FCC0];
	[tilespmem:s28+$0xFFFFFF40] =	vst v4;
	v4 =	vor.u32 v44, v0  }
0x37e: {  	v15 =	vor.u32 v26, v2;
	v11 =	vor.u32 v3, v0;
	v3 =	vld [tilespmem:$0x1FE20]  }
0x37f: {  	[tilespmem:s28+$0xFFFFFEC0] =	vst v12;
	v12 =	vor.u32 v42, v2;
	v13 =	vld.idx.msk [tilespmem:v13+s20+$0x0], $0xffff  }
0x380: {  	v8 =	vld.idx.msk [tilespmem:v8+s20+$0x0], $0xffff  }
0x381: {  	v14 =	vor.u32 v17, v2;
	[tilespmem:s28+$0x60] =	vst v9;
	v7 =	vld.idx.msk [tilespmem:v7+s20+$0x0], $0xffff  }
0x382: {  	v4 =	vld.idx.msk [tilespmem:v4+s20+$0x0], $0xffff  }
0x383: {  	[tilespmem:s28+$0xFFFFFFF0] =	vst v5;
	v5 =	vor.u32 v50, v2;
	v9 =	vld.idx.msk [tilespmem:v15+s20+$0x0], $0xffff  }
0x384: {  	v17 =	vor.u32 v47, v0;
	[tilespmem:s28+$0x160] =	vst v10;
	v12 =	vld.idx.msk [tilespmem:v12+s20+$0x0], $0xffff  }
0x385: {  	v18 =	vor.u32 v40, v0;
	[tilespmem:s28+$0xF0] =	vst v6;
	v6 =	vld.idx.msk [tilespmem:v11+s20+$0x0], $0xffff  }
0x386: {  	v10 =	vor.u32 v41, v2;
	v11 =	vld.idx.msk [tilespmem:v14+s20+$0x0], $0xffff  }
0x387: {  	[tilespmem:s28+$0xFFFFFE60] =	vst v13;
	v13 =	vor.u32 v19, v2;
	v19 =	vld [tilespmem:$0x1FE50]  }
0x388: {  	[tilespmem:s28+$0xFFFFFED0] =	vst v8;
	v5 =	vld.idx.msk [tilespmem:v5+s20+$0x0], $0xffff  }
0x389: {  	v16 =	vor.u32 v39, v2;
	v17 =	vld.idx.msk [tilespmem:v17+s20+$0x0], $0xffff;
	[tilespmem:s28+$0xFFFFFF50] =	vst v7  }
0x38a: {  	s26 =	smov.u32 s28;
	v14 =	vor.u32 v35, v2;
	s28 =	sadd.s32 $0x400, s28;
	v18 =	vld.idx.msk [tilespmem:v18+s20+$0x0], $0xffff  }
0x38b: {  	v15 =	vor.u32 v27, v2;
	[tilespmem:s28+$0xFFFFFE80] =	vst v9;
	v9 =	vld.idx.msk [tilespmem:v10+s20+$0x0], $0xffff  }
0x38c: {  	v10 =	vld [tilespmem:$0x1FEE0]  }
0x38d: {  	[tilespmem:s28+$0xFFFFFF00] =	vst v12;
	v12 =	vld [tilespmem:$0x1FE90]  }
0x38e: {  	v8 =	vor.u32 v32, v2;
	[tilespmem:s26+$0x170] =	vst v6;
	v6 =	vld.idx.msk [tilespmem:v16+s20+$0x0], $0xffff  }
0x38f: {  	[tilespmem:s26+$0x70] =	vst v4;
	v14 =	vld.idx.msk [tilespmem:v14+s20+$0x0], $0xffff  }
0x390: {  	[tilespmem:s28+$0xFFFFFE00] =	vst v11;
	v16 =	vor.u32 v24, v0;
	v4 =	vld.idx.msk [tilespmem:v15+s20+$0x0], $0xffff  }
0x391: {  	[tilespmem:s28+$0x180] =	vst v5;
	v5 =	vld [tilespmem:$0x1FE70]  }
0x392: {  	v11 =	vor.u32 v48, v2;
	v13 =	vld.idx.msk [tilespmem:v13+s20+$0x0], $0xffff;
	[tilespmem:s26+$0xFFFFFF60] =	vst v18  }
0x393: {  	[tilespmem:s26+$0xFFFFFEE0] =	vst v17;
	v8 =	vld.idx.msk [tilespmem:v8+s20+$0x0], $0xffff  }
0x394: {  	v7 =	vor.u32 v52, v2;
	[tilespmem:s28+$0x0] =	vst v9;
	v9 =	vld [tilespmem:$0x1FE80]  }
0x395: {  	v15 =	vor.u32 v20, v2;
	v20 =	vor.u32 v58, v2;
	v16 =	vld.idx.msk [tilespmem:v16+s20+$0x0], $0xffff  }
0x396: {  	v19 =	vor.u32 v19, v2;
	[tilespmem:s28+$0xFFFFFF80] =	vst v6;
	v6 =	vld [tilespmem:$0x1FE40]  }
0x397: {  	v10 =	vor.u32 v10, v2;
	v11 =	vld.idx.msk [tilespmem:v11+s20+$0x0], $0xffff  }
0x398: {  	v12 =	vor.u32 v12, v2;
	[tilespmem:s28+$0x80] =	vst v14;
	v14 =	vld [tilespmem:$0x1FE60]  }
0x399: {  	v7 =	vld.idx.msk [tilespmem:v7+s20+$0x0], $0xffff  }
0x39a: {  	v17 =	vor.u32 v59, v2;
	[tilespmem:s28+$0x100] =	vst v4;
	v4 =	vld.idx.msk [tilespmem:v20+s20+$0x0], $0xffff  }
0x39b: {  	v19 =	vld.idx.msk [tilespmem:v19+s20+$0x0], $0xffff  }
0x39c: {  	v10 =	vld.idx.msk [tilespmem:v10+s20+$0x0], $0xffff  }
0x39d: {  	v12 =	vld.idx.msk [tilespmem:v12+s20+$0x0], $0xffff;
	[tilespmem:s28+$0xFFFFFF10] =	vst v8  }
0x39e: {  	v9 =	vor.u32 v9, v2;
	[tilespmem:s28+$0x10] =	vst v11;
	v11 =	vld [tilespmem:$0x1FEB0]  }
0x39f: {  	v17 =	vld.idx.msk [tilespmem:v17+s20+$0x0], $0xffff  }
0x3a0: {  	v6 =	vor.u32 v6, v2;
	[tilespmem:s28+$0xFFFFFF90] =	vst v7;
	v7 =	vld [tilespmem:$0x1FEA0]  }
0x3a1: {  	v14 =	vor.u32 v14, v2;
	[tilespmem:s28+$0xFFFFFE90] =	vst v4;
	v4 =	vld [tilespmem:$0x1FEC0]  }
0x3a2: {  	v5 =	vor.u32 v5, v2;
	[tilespmem:s28+$0x110] =	vst v19;
	v19 =	vld [tilespmem:$0x1FD30]  }
0x3a3: {  	[tilespmem:s26+$0xFFFFFEF0] =	vst v16;
	v16 =	vor.u32 v25, v2;
	v9 =	vld.idx.msk [tilespmem:v9+s20+$0x0], $0xffff  }
0x3a4: {  	v18 =	vor.u32 v45, v2;
	[tilespmem:s28+$0x90] =	vst v10;
	v10 =	vld [tilespmem:$0x1FED0]  }
0x3a5: {  	v20 =	vor.u32 v31, v0;
	v6 =	vld.idx.msk [tilespmem:v6+s20+$0x0], $0xffff  }
0x3a6: {  	[tilespmem:s28+$0x190] =	vst v12;
	v14 =	vld.idx.msk [tilespmem:v14+s20+$0x0], $0xffff  }
0x3a7: {  	v5 =	vld.idx.msk [tilespmem:v5+s20+$0x0], $0xffff  }
0x3a8: {  	[tilespmem:s28+$0xFFFFFE10] =	vst v13;
	v11 =	vor.u32 v11, v2;
	v16 =	vld.idx.msk [tilespmem:v16+s20+$0x0], $0xffff  }
0x3a9: {  	v7 =	vor.u32 v7, v2;
	[tilespmem:s28+$0x20] =	vst v9;
	v9 =	vld.idx.msk [tilespmem:v18+s20+$0x0], $0xffff  }
0x3aa: {  	v12 =	vor.u32 v4, v2;
	[tilespmem:s28+$0xFFFFFFA0] =	vst v6;
	v6 =	vld.idx.msk [tilespmem:v20+s20+$0x0], $0xffff  }
0x3ab: {  	v13 =	vor.u32 v38, v2;
	[tilespmem:s28+$0xA0] =	vst v14;
	v14 =	vld.idx.msk [tilespmem:v15+s20+$0x0], $0xffff  }
0x3ac: {  	v10 =	vor.u32 v10, v2;
	[tilespmem:s28+$0x1A0] =	vst v5;
	v5 =	vld [tilespmem:$0x1FF10]  }
0x3ad: {  	v11 =	vld.idx.msk [tilespmem:v11+s20+$0x0], $0xffff  }
0x3ae: {  	v8 =	vor.u32 v57, v2;
	v7 =	vld.idx.msk [tilespmem:v7+s20+$0x0], $0xffff  }
0x3af: {  	[tilespmem:s28+$0xFFFFFEA0] =	vst v16;
	v12 =	vld.idx.msk [tilespmem:v12+s20+$0x0], $0xffff  }
0x3b0: {  	v3 =	vor.u32 v3, v2;
	[tilespmem:s28+$0xFFFFFF20] =	vst v17;
	v13 =	vld.idx.msk [tilespmem:v13+s20+$0x0], $0xffff  }
0x3b1: {  	v21 =	vor.u32 v55, v2;
	v10 =	vld.idx.msk [tilespmem:v10+s20+$0x0], $0xffff;
	[tilespmem:s28+$0x120] =	vst v9  }
0x3b2: {  	v9 =	vld [tilespmem:$0x1FE30];
	[tilespmem:s26+$0xFFFFFF70] =	vst v6  }
0x3b3: {  	v5 =	vor.u32 v5, v2;
	v8 =	vld.idx.msk [tilespmem:v8+s20+$0x0], $0xffff  }
0x3b4: {  	[tilespmem:s28+$0xFFFFFFB0] =	vst v7;
	v7 =	vld [tilespmem:$0x1FF00]  }
0x3b5: {  	v6 =	vor.u32 v23, v2;
	v3 =	vld.idx.msk [tilespmem:v3+s20+$0x0], $0xffff  }
0x3b6: {  	[tilespmem:s28+$0xB0] =	vst v10;
	v10 =	vld.idx.msk [tilespmem:v21+s20+$0x0], $0xffff  }
0x3b7: {  	[tilespmem:s28+$0xFFFFFE20] =	vst v14;
	v9 =	vor.u32 v9, v2;
	v21 =	vld [tilespmem:$0x1FD50]  }
0x3b8: {  	v14 =	vor.u32 v33, v0;
	[tilespmem:s28+$0x30] =	vst v11;
	v5 =	vld.idx.msk [tilespmem:v5+s20+$0x0], $0xffff  }
0x3b9: {  	v15 =	vor.u32 v63, v2;
	[tilespmem:s28+$0xFFFFFF30] =	vst v8;
	v8 =	vld [tilespmem:$0x1FEF0]  }
0x3ba: {  	[tilespmem:s28+$0x1B0] =	vst v12;
	v6 =	vld.idx.msk [tilespmem:v6+s20+$0x0], $0xffff;
	v7 =	vor.u32 v7, v2  }
0x3bb: {  	v20 =	vld [tilespmem:$0x1FD40];
	v11 =	vor.u32 v51, v2;
	[tilespmem:s28+$0xFFFFFEB0] =	vst v13  }
0x3bc: {  	[tilespmem:s28+$0xFFFFFFC0] =	vst v3;
	v12 =	vor.u32 v21, v2;
	v3 =	vld.idx.msk [tilespmem:v9+s20+$0x0], $0xffff  }
0x3bd: {  	[tilespmem:s28+$0x130] =	vst v10;
	v9 =	vor.u32 v61, v0;
	v10 =	vld.idx.msk [tilespmem:v14+s20+$0x0], $0xffff  }
0x3be: {  	v13 =	vor.u32 v46, v0;
	v0 =	vmov v2;
	[tilespmem:s28+$0xC0] =	vst v5;
	v5 =	vld.idx.msk [tilespmem:v15+s20+$0x0], $0xffff;
	v8 =	vor.u32 v8, v2  }
0x3bf: {  	[tilespmem:s28+$0xFFFFFE30] =	vst v6;
	v6 =	vor.u32 v62, v0;
	v7 =	vld.idx.msk [tilespmem:v7+s20+$0x0], $0xffff  }
0x3c0: {  	v14 =	vor.u32 v49, v2;
	v11 =	vld.idx.msk [tilespmem:v11+s20+$0x0], $0xffff  }
0x3c1: {  	v15 =	vld.idx.msk [tilespmem:v12+s20+$0x0], $0xffff  }
0x3c2: {  	[tilespmem:s28+$0x40] =	vst v3;
	v3 =	vor.u32 v60, v0;
	v17 =	vld.idx.msk [tilespmem:v9+s20+$0x0], $0xffff  }
0x3c3: {  	v1 =	vor.u32 v1, v2;
	v4 =	vor.u32 v37, v2;
	[tilespmem:s28+$0x140] =	vst v5;
	v2 =	vld.idx.msk [tilespmem:v8+s20+$0x0], $0xffff  }
0x3c4: {  	v16 =	vor.u32 v22, v0;
	[tilespmem:s28+$0x1C0] =	vst v7;
	v7 =	vld.idx.msk [tilespmem:v6+s20+$0x0], $0xffff  }
0x3c5: {  	v18 =	vor.u32 v36, v0;
	v14 =	vld.idx.msk [tilespmem:v14+s20+$0x0], $0xffff;
	[tilespmem:s26+$0x1E0] =	vst v10  }
0x3c6: {  	p1 =	slt.u32 s29, $0x38;
	v9 =	vor.u32 v53, v0;
	[tilespmem:s28+$0xD0] =	vst v11;
	v8 =	vld.idx.msk [tilespmem:v13+s20+$0x0], $0xffff  }
.Ltmp8:
0x3c7: {  	[tilespmem:s28+$0xFFFFFE40] =	vst v15;
	v6 =	vld.idx.msk [tilespmem:v3+s20+$0x0], $0xffff;
	(pc) =	sbr.rel @p1 .LBB2_11-.Ltmp8, $4  }
0x3c8: {  	[tilespmem:s26+$0xFFFFFE70] =	vst v17;
	v17 =	vld [tilespmem:$0x1FD20]  }
0x3c9: {  	[tilespmem:s28+$0xFFFFFFD0] =	vst v2;
	v2 =	vld.idx.msk [tilespmem:v16+s20+$0x0], $0xffff  }
0x3ca: {  	v12 =	vor.u32 v28, v0;
	v11 =	vor.u32 v34, v0;
	v5 =	vld.idx.msk [tilespmem:v18+s20+$0x0], $0xffff  }
0x3cb: {  	s29 =	sadd.s32 $0x8, s29;
	v10 =	vor.u32 v56, v0;
	v3 =	vld.idx.msk [tilespmem:v9+s20+$0x0], $0xffff;
	v9 =	vor.u32 v30, v0;
	[tilespmem:s28+$0x1D0] =	vst v14  }
0x3cc: {  	_ =	sdelay $0x2  }
0x3cd: {  	[tilespmem:s26+$0x1F0] =	vst v8  }
0x3ce: {  	v12 =	vld.idx.msk [tilespmem:v12+s20+$0x0], $0xffff;
	[tilespmem:s28+$0x150] =	vst v7  }
0x3cf: {  	v4 =	vld.idx.msk [tilespmem:v4+s20+$0x0], $0xffff;
	v13 =	vor.u32 v43, v0;
	[tilespmem:s28+$0x50] =	vst v6  }
0x3d0: {  	[tilespmem:s28+$0xE0] =	vst v2  }
0x3d1: {  	v14 =	vor.u32 v54, v0;
	v8 =	vld.idx.msk [tilespmem:v10+s20+$0x0], $0xffff;
	[tilespmem:s28+$0xFFFFFE50] =	vst v5  }
0x3d2: {  	v9 =	vld.idx.msk [tilespmem:v9+s20+$0x0], $0xffff;
	[tilespmem:s28+$0xFFFFFFE0] =	vst v3  }
0x3d3: {  	v10 =	vor.u32 v29, v0;
	v3 =	vld.idx.msk [tilespmem:v11+s20+$0x0], $0xffff;
	[tilespmem:s28+$0xFFFFFEC0] =	vst v12  }
0x3d4: {  	[tilespmem:s28+$0xFFFFFF40] =	vst v4;
	v7 =	vld.idx.msk [tilespmem:v13+s20+$0x0], $0xffff  }
0x3d5: {  	v5 =	vor.u32 v33, v0;
	v13 =	vld [tilespmem:$0x1FD60]  }
0x3d6: {  	v4 =	vor.u32 v47, v0;
	v2 =	vld.idx.msk [tilespmem:v14+s20+$0x0], $0xffff  }
0x3d7: {  	v6 =	vor.u32 v40, v0;
	[tilespmem:s28+$0x160] =	vst v8  }
0x3d8: {  	v8 =	vld.idx.msk [tilespmem:v10+s20+$0x0], $0xffff;
	[tilespmem:s28+$0xF0] =	vst v9  }
0x3d9: {  	v1 =	vld.idx.msk [tilespmem:v1+s20+$0x0], $0xffff;
	[tilespmem:s28+$0x60] =	vst v3;
	v3 =	vor.u32 v61, v0  }
0x3da: {  	v5 =	vld.idx.msk [tilespmem:v5+s20+$0x0], $0xffff;
	v11 =	vor.u32 v13, v0;
	[tilespmem:s28+$0xFFFFFED0] =	vst v7  }
0x3db: {  	v7 =	vor.u32 v44, v0;
	[tilespmem:s28+$0xFFFFFF50] =	vst v2;
	v4 =	vld.idx.msk [tilespmem:v4+s20+$0x0], $0xffff  }
0x3dc: {  	v9 =	vor.u32 v31, v0;
	v2 =	vld.idx.msk [tilespmem:v6+s20+$0x0], $0xffff;
	v6 =	vor.u32 v24, v0;
	v0 =	vor.u32 v46, v0  }
0x3dd: {  	[tilespmem:s28+$0xFFFFFE60] =	vst v8  }
0x3de: {  	v3 =	vld.idx.msk [tilespmem:v3+s20+$0x0], $0xffff  }
0x3df: {  	s0 =	smulhi.u32 $0x51EB851F, s24;
	[tilespmem:s28+$0xFFFFFFF0] =	vst v1;
	v10 =	vld.idx.msk [tilespmem:v11+s20+$0x0], $0xffff  }
0x3e0: {  	[tilespmem:s28+$0x1E0] =	vst v5;
	v1 =	vld.idx.msk [tilespmem:v7+s20+$0x0], $0xffff  }
0x3e1: {  	s0 =	sshrl.u32 s0, $0x4;
	[tilespmem:s28+$0xFFFFFEE0] =	vst v4;
	v0 =	vld.idx.msk [tilespmem:v0+s20+$0x0], $0xffff  }
0x3e2: {  	s3 =	smul.u32 $0x32, s0;
	[tilespmem:s28+$0xFFFFFF60] =	vst v2;
	v4 =	vld.idx.msk [tilespmem:v6+s20+$0x0], $0xffff  }
0x3e3: {  	v2 =	vld.idx.msk [tilespmem:v9+s20+$0x0], $0xffff;
	[tilespmem:s28+$0xFFFFFE70] =	vst v3  }
0x3e4: {  	s31 =	sor.u32 $0x3, s24;
	s3 =	ssub.s32 s24, s3;
	[tilespmem:s28+$0x170] =	vst v10  }
0x3e5: {  	s0 =	sadd.s32 s6, s0;
	s24 =	smulhi.u32 $0x51EB851F, s31;
	s3 =	sshll.u32 s3, $0x11;
	[tilespmem:s28+$0x70] =	vst v1  }
0x3e6: {  	s26 =	sshll.u32 s0, $0x7;
	s30 =	sadd.s32 s1, s3;
	[tilespmem:s28+$0x1F0] =	vst v0  }
0x3e7: {  	s0 =	sadd.s32 s26, s30;
	s30 =	sshrl.u32 s24, $0x4;
	[tilespmem:s28+$0xFFFFFEF0] =	vst v4  }
0x3e8: {  	s24 =	smul.u32 $0x32, s30;
	[tilespmem:s28+$0xFFFFFF70] =	vst v2  }
0x3e9: {  	[hbm4b:s0+s10] =	stream.strided.scatter [tilespmem:s12], [sflag:$0x5], $0x2000, s11, s10, $0x38;
	[tilespmem:$0x17200] =	vst v63  }
0x3ea: {  	s28 =	simm.s32 $0x0;
	s0 =	sand.u32 $0x1, s30  }
0x3eb: {  	s3 =	ssub.s32 s31, s24;
	v0 =	vmov s28;
	p1 =	seq.s32 s0, $0x1;
	s0 =	simm.s32 $0x1900  }
0x3ec: {  	s3 =	sshll.u32 s3, $0x7;
	v0 =	vshrl.u32 v0, $0x3;
	s0 =	simm.s32 @!p1 $0x0  }
0x3ed: {  	v0 =	vshll.u32 v0, $0x3;
	s0 =	sadd.s32 s3, s0  }
0x3ee: {  	v14 =	vmov v24;
	v24 =	vbroadcast v0, $0x0;
	[tilespmem:s14], [sflag:$0x4] =	stream.indirect.gather [hbm4b:s5+s18], $0x80, s0, s18, $0xb8;
	[tilespmem:$0x17200] =	vst v63  }
0x3ef: {  	_ =	swait.ge [sflag:s21], $0x4000  }
0x3f0: {  	v0 =	vor.u32 v17, v24;
	[sflag:s21] =	ssyncset.done $0x0  }
0x3f1: {  	s0 =	simm.s32 @!p0 $0x6;
	v1 =	vor.u32 v26, v24;
	[sflag:s21] =	ssyncadd.s32 $0xFFFFC000  }
0x3f2: {  	v2 =	vor.u32 v42, v24;
	_ =	swait.ge @!p0 [sflag:s0], $0x2000  }
0x3f3: {  	v3 =	vor.u32 v39, v24;
	[sflag:s0] =	ssyncset.done @!p0 $0x0  }
0x3f4: {  	v4 =	vor.u32 v41, v24;
	[sflag:s0] =	ssyncadd.s32 @!p0 $0xFFFFE000  }
0x3f5: {  	v5 =	vor.u32 v35, v24;
	v0 =	vld.idx.msk [tilespmem:v0+s22+$0x0], $0xffff  }
0x3f6: {  	v6 =	vor.u32 v27, v24;
	v1 =	vld.idx.msk [tilespmem:v1+s22+$0x0], $0xffff  }
0x3f7: {  	v7 =	vor.u32 v50, v24;
	v2 =	vld.idx.msk [tilespmem:v2+s22+$0x0], $0xffff  }
0x3f8: {  	v3 =	vld.idx.msk [tilespmem:v3+s22+$0x0], $0xffff  }
0x3f9: {  	v4 =	vld.idx.msk [tilespmem:v4+s22+$0x0], $0xffff  }
0x3fa: {  	v8 =	vor.u32 v32, v24;
	v5 =	vld.idx.msk [tilespmem:v5+s22+$0x0], $0xffff  }
0x3fb: {  	s24 =	simm.s32 $0x55F0;
	v9 =	vor.u32 v52, v24;
	v6 =	vld.idx.msk [tilespmem:v6+s22+$0x0], $0xffff  }
0x3fc: {  	v7 =	vld.idx.msk [tilespmem:v7+s22+$0x0], $0xffff;
	[tilespmem:s24+$0xFFFFFC10] =	vst v0  }
0x3fd: {  	v10 =	vor.u32 v48, v24;
	v0 =	vld [tilespmem:$0x1FEE0];
	[tilespmem:s24+$0xFFFFFD10] =	vst v2  }
0x3fe: {  	v48 =	vld [tilespmem:$0x1FE90]  }
0x3ff: {  	v8 =	vld.idx.msk [tilespmem:v8+s22+$0x0], $0xffff;
	[tilespmem:s24+$0xFFFFFD90] =	vst v3  }
0x400: {  	[tilespmem:s24+$0xFFFFFE10] =	vst v4;
	v9 =	vld.idx.msk [tilespmem:v9+s22+$0x0], $0xffff  }
0x401: {  	v2 =	vor.u32 v58, v24;
	v4 =	vld [tilespmem:$0x1FE50];
	[tilespmem:s24+$0xFFFFFE90] =	vst v5  }
0x402: {  	v3 =	vor.u32 v19, v24;
	v10 =	vld.idx.msk [tilespmem:v10+s22+$0x0], $0xffff;
	[tilespmem:s24+$0xFFFFFC90] =	vst v1  }
0x403: {  	v1 =	vld [tilespmem:$0x1FE40]  }
0x404: {  	v5 =	vld [tilespmem:$0x1FE80];
	[tilespmem:s24+$0xFFFFFF90] =	vst v7;
	v0 =	vor.u32 v0, v24  }
0x405: {  	v33 =	vmov v58;
	v58 =	vld [tilespmem:$0x1FE60]  }
0x406: {  	[tilespmem:s24+$0xFFFFFF10] =	vst v6;
	v2 =	vld.idx.msk [tilespmem:v2+s22+$0x0], $0xffff;
	v11 =	vor.u32 v48, v24  }
0x407: {  	v3 =	vld.idx.msk [tilespmem:v3+s22+$0x0], $0xffff;
	[tilespmem:s24+$0xFFFFFD20] =	vst v8;
	v4 =	vor.u32 v4, v24  }
0x408: {  	v8 =	vld [tilespmem:$0x1FE70];
	[tilespmem:s24+$0xFFFFFDA0] =	vst v9;
	v1 =	vor.u32 v1, v24  }
0x409: {  	[tilespmem:s24+$0xFFFFFE20] =	vst v10;
	v5 =	vor.u32 v5, v24;
	v0 =	vld.idx.msk [tilespmem:v0+s22+$0x0], $0xffff  }
0x40a: {  	v10 =	vld [tilespmem:$0x1FEA0];
	v7 =	vor.u32 v58, v24  }
0x40b: {  	v6 =	vld.idx.msk [tilespmem:v11+s22+$0x0], $0xffff  }
0x40c: {  	v11 =	vor.u32 v25, v24;
	v4 =	vld.idx.msk [tilespmem:v4+s22+$0x0], $0xffff  }
0x40d: {  	v8 =	vor.u32 v8, v24;
	v1 =	vld.idx.msk [tilespmem:v1+s22+$0x0], $0xffff  }
0x40e: {  	v5 =	vld.idx.msk [tilespmem:v5+s22+$0x0], $0xffff;
	[tilespmem:s24+$0xFFFFFEA0] =	vst v0  }
0x40f: {  	[tilespmem:s24+$0xFFFFFCA0] =	vst v2;
	v2 =	vld.idx.msk [tilespmem:v7+s22+$0x0], $0xffff  }
0x410: {  	v9 =	vor.u32 v59, v24;
	v7 =	vld [tilespmem:$0x1FED0]  }
0x411: {  	v0 =	vor.u32 v45, v24;
	v11 =	vld.idx.msk [tilespmem:v11+s22+$0x0], $0xffff;
	[tilespmem:s24+$0xFFFFFFA0] =	vst v6  }
0x412: {  	v10 =	vor.u32 v10, v24;
	[tilespmem:s24+$0xFFFFFC20] =	vst v3;
	v3 =	vld.idx.msk [tilespmem:v8+s22+$0x0], $0xffff  }
0x413: {  	v61 =	vld [tilespmem:$0x1FEC0];
	[tilespmem:s24+$0xFFFFFDB0] =	vst v1  }
0x414: {  	v1 =	vld [tilespmem:$0x1FEB0];
	[tilespmem:s24+$0xFFFFFF20] =	vst v4  }
0x415: {  	v9 =	vld.idx.msk [tilespmem:v9+s22+$0x0], $0xffff;
	v6 =	vor.u32 v20, v24;
	[tilespmem:s24+$0xFFFFFE30] =	vst v5  }
0x416: {  	v0 =	vld.idx.msk [tilespmem:v0+s22+$0x0], $0xffff;
	v7 =	vor.u32 v7, v24;
	[tilespmem:s24+$0xFFFFFEB0] =	vst v2  }
0x417: {  	v4 =	vld.idx.msk [tilespmem:v10+s22+$0x0], $0xffff;
	[tilespmem:s24+$0xFFFFFFB0] =	vst v3  }
0x418: {  	v8 =	vor.u32 v61, v24;
	v3 =	vld [tilespmem:$0x1FF10]  }
0x419: {  	v2 =	vor.u32 v55, v24;
	v55 =	vld [tilespmem:$0x1FE20];
	[tilespmem:s24+$0xFFFFFCB0] =	vst v11;
	v1 =	vor.u32 v1, v24  }
0x41a: {  	v10 =	vor.u32 v57, v24;
	v6 =	vld.idx.msk [tilespmem:v6+s22+$0x0], $0xffff;
	[tilespmem:s24+$0xFFFFFD30] =	vst v9  }
0x41b: {  	[tilespmem:s24+$0xFFFFFF30] =	vst v0;
	v5 =	vld.idx.msk [tilespmem:v7+s22+$0x0], $0xffff  }
0x41c: {  	v0 =	vld [tilespmem:$0x1FF00]  }
0x41d: {  	v9 =	vor.u32 v23, v24;
	v8 =	vld.idx.msk [tilespmem:v8+s22+$0x0], $0xffff  }
0x41e: {  	[tilespmem:s24+$0xFFFFFDC0] =	vst v4;
	v3 =	vor.u32 v3, v24;
	v1 =	vld.idx.msk [tilespmem:v1+s22+$0x0], $0xffff  }
0x41f: {  	v10 =	vld.idx.msk [tilespmem:v10+s22+$0x0], $0xffff;
	[tilespmem:s24+$0xFFFFFC30] =	vst v6  }
0x420: {  	v2 =	vld.idx.msk [tilespmem:v2+s22+$0x0], $0xffff;
	v7 =	vor.u32 v55, v24;
	[tilespmem:s24+$0xFFFFFEC0] =	vst v5  }
0x421: {  	v0 =	vor.u32 v0, v24;
	v35 =	vld [tilespmem:$0x1FE30]  }
0x422: {  	v4 =	vor.u32 v63, v24;
	[tilespmem:s24+$0xFFFFFFC0] =	vst v8;
	v8 =	vld.idx.msk [tilespmem:v9+s22+$0x0], $0xffff  }
0x423: {  	v3 =	vld.idx.msk [tilespmem:v3+s22+$0x0], $0xffff;
	[tilespmem:s24+$0xFFFFFE40] =	vst v1  }
0x424: {  	v9 =	vor.u32 v21, v24;
	v52 =	vld [tilespmem:$0x1FEF0]  }
0x425: {  	v6 =	vor.u32 v51, v24;
	v5 =	vld.idx.msk [tilespmem:v7+s22+$0x0], $0xffff  }
0x426: {  	v11 =	vor.u32 v38, v24;
	[tilespmem:s24+$0xFFFFFF40] =	vst v2;
	v0 =	vld.idx.msk [tilespmem:v0+s22+$0x0], $0xffff  }
0x427: {  	v2 =	vld.idx.msk [tilespmem:v4+s22+$0x0], $0xffff;
	v7 =	vor.u32 v35, v24;
	[tilespmem:s24+$0xFFFFFC40] =	vst v8  }
0x428: {  	[tilespmem:s24+$0xFFFFFED0] =	vst v3;
	v3 =	vor.u32 v49, v24  }
0x429: {  	[tilespmem:s24+$0xFFFFFD40] =	vst v10;
	v9 =	vld.idx.msk [tilespmem:v9+s22+$0x0], $0xffff;
	v1 =	vor.u32 v52, v24  }
0x42a: {  	[tilespmem:s24+$0xFFFFFDD0] =	vst v5;
	v4 =	vld.idx.msk [tilespmem:v6+s22+$0x0], $0xffff;
	v6 =	vor.u32 v62, v24  }
0x42b: {  	v11 =	vld.idx.msk [tilespmem:v11+s22+$0x0], $0xffff;
	v10 =	vor.u32 v36, v24;
	[tilespmem:s24+$0xFFFFFFD0] =	vst v0  }
0x42c: {  	[tilespmem:s24+$0xFFFFFF50] =	vst v2;
	v2 =	vor.u32 v28, v24;
	v5 =	vld.idx.msk [tilespmem:v7+s22+$0x0], $0xffff  }
0x42d: {  	v7 =	vor.u32 v22, v24;
	v3 =	vld.idx.msk [tilespmem:v3+s22+$0x0], $0xffff  }
0x42e: {  	v8 =	vor.u32 v60, v24;
	[tilespmem:s24+$0xFFFFFC50] =	vst v9;
	v1 =	vld.idx.msk [tilespmem:v1+s22+$0x0], $0xffff  }
0x42f: {  	[tilespmem:s24+$0xFFFFFEE0] =	vst v4;
	v4 =	vld.idx.msk [tilespmem:v6+s22+$0x0], $0xffff  }
0x430: {  	[tilespmem:s24+$0xFFFFFCC0] =	vst v11;
	v0 =	vor.u32 v53, v24;
	v10 =	vld.idx.msk [tilespmem:v10+s22+$0x0], $0xffff  }
0x431: {  	v6 =	vor.u32 v37, v24;
	v2 =	vld.idx.msk [tilespmem:v2+s22+$0x0], $0xffff  }
0x432: {  	[tilespmem:s24+$0xFFFFFE50] =	vst v5;
	v5 =	vld.idx.msk [tilespmem:v7+s22+$0x0], $0xffff  }
0x433: {  	[tilespmem:s24+$0xFFFFFDE0] =	vst v1;
	v1 =	vld.idx.msk [tilespmem:v8+s22+$0x0], $0xffff  }
0x434: {  	v41 =	vmov v32;
	v51 =	vmov v24;
	v7 =	vor.u32 v56, v24;
	v32 =	vld [tilespmem:$0x1FCC0];
	[tilespmem:s24+$0xFFFFFFE0] =	vst v3  }
0x435: {  	v9 =	vor.u32 v30, v51;
	v8 =	vld.idx.msk [tilespmem:v0+s22+$0x0], $0xffff;
	[tilespmem:s24+$0xFFFFFF60] =	vst v4  }
0x436: {  	v11 =	vor.u32 v34, v51;
	v4 =	vld.idx.msk [tilespmem:v6+s22+$0x0], $0xffff;
	[tilespmem:s24+$0xFFFFFC60] =	vst v10  }
0x437: {  	s31 =	simm.s32 $0x8;
	[tilespmem:s24+$0xFFFFFCD0] =	vst v2  }
0x438: {  	v18 =	vmov v43;
	v0 =	vmov s31;
	v3 =	vor.u32 v29, v51;
	[tilespmem:s24+$0xFFFFFEF0] =	vst v5  }
0x439: {  	v0 =	vshrl.u32 v0, $0x3;
	v5 =	vor.u32 v18, v51;
	v6 =	vld.idx.msk [tilespmem:v7+s22+$0x0], $0xffff;
	[tilespmem:s24+$0xFFFFFE60] =	vst v1  }
0x43a: {  	v0 =	vshll.u32 v0, $0x3;
	v7 =	vld.idx.msk [tilespmem:v9+s22+$0x0], $0xffff;
	v12 =	vor.u32 v32, v51;
	[tilespmem:s24+$0xFFFFFDF0] =	vst v8  }
0x43b: {  	v9 =	vor.u32 v13, v51;
	v0 =	vbroadcast v0, $0x0;
	v8 =	vld.idx.msk [tilespmem:v11+s22+$0x0], $0xffff;
	[tilespmem:s24+$0xFFFFFD50] =	vst v4  }
0x43c: {  	v1 =	vor.u32 v54, v51;
	v4 =	vld [tilespmem:$0x1FCD0]  }
0x43d: {  	v10 =	vor.u32 v17, v0;
	v3 =	vld.idx.msk [tilespmem:v3+s22+$0x0], $0xffff  }
0x43e: {  	v2 =	vor.u32 v26, v0;
	v5 =	vld.idx.msk [tilespmem:v5+s22+$0x0], $0xffff  }
0x43f: {  	[tilespmem:s24+$0xFFFFFF70] =	vst v6;
	v6 =	vor.u32 v42, v0;
	v11 =	vld.idx.msk [tilespmem:v12+s22+$0x0], $0xffff  }
0x440: {  	v9 =	vld.idx.msk [tilespmem:v9+s22+$0x0], $0xffff  }
0x441: {  	v1 =	vld.idx.msk [tilespmem:v1+s22+$0x0], $0xffff;
	v4 =	vor.u32 v4, v51  }
0x442: {  	[tilespmem:s24+$0xFFFFFF00] =	vst v7;
	v10 =	vld.idx.msk [tilespmem:v10+s22+$0x0], $0xffff  }
0x443: {  	[tilespmem:s24+$0xFFFFFE70] =	vst v8;
	v2 =	vld.idx.msk [tilespmem:v2+s22+$0x0], $0xffff  }
0x444: {  	v6 =	vld.idx.msk [tilespmem:v6+s22+$0x0], $0xffff;
	[tilespmem:s24+$0xFFFFFE00] =	vst v11  }
0x445: {  	v49 =	vld [tilespmem:$0x1FF60]  }
0x446: {  	v7 =	vor.u32 v47, v51;
	[tilespmem:s24+$0xFFFFFC70] =	vst v3;
	v4 =	vld.idx.msk [tilespmem:v4+s22+$0x0], $0xffff  }
0x447: {  	v8 =	vor.u32 v40, v51;
	v3 =	vld [tilespmem:$0x1FF40];
	[tilespmem:s24+$0xFFFFFCE0] =	vst v5  }
0x448: {  	v5 =	vld [tilespmem:$0x1FF20];
	[tilespmem:s24+$0xFFFFFD60] =	vst v1  }
0x449: {  	v44 =	vmov v27;
	s28 =	simm.s32 $0x59F0;
	[tilespmem:s24+$0xFFFFFF80] =	vst v9  }
0x44a: {  	v46 =	vmov v50;
	v1 =	vor.u32 v44, v0;
	[tilespmem:s28+$0xFFFFFC10] =	vst v10  }
0x44b: {  	v7 =	vld.idx.msk [tilespmem:v7+s22+$0x0], $0xffff;
	v9 =	vor.u32 v46, v0;
	[tilespmem:s28+$0xFFFFFC90] =	vst v2  }
0x44c: {  	v8 =	vld.idx.msk [tilespmem:v8+s22+$0x0], $0xffff;
	[tilespmem:s24+$0xFFFFFE80] =	vst v4  }
0x44d: {  	v43 =	vmov v36;
	v36 =	vmov v47;
	v11 =	vor.u32 v49, v0;
	v47 =	vld [tilespmem:$0x1FF50];
	[tilespmem:s28+$0xFFFFFD10] =	vst v6  }
0x44e: {  	v39 =	vmov v25;
	v3 =	vor.u32 v3, v0;
	v25 =	vld [tilespmem:$0x1FF30]  }
0x44f: {  	v5 =	vor.u32 v5, v0;
	v1 =	vld.idx.msk [tilespmem:v1+s22+$0x0], $0xffff  }
0x450: {  	v2 =	vor.u32 v41, v0;
	[tilespmem:s24+$0xFFFFFCF0] =	vst v7;
	v9 =	vld.idx.msk [tilespmem:v9+s22+$0x0], $0xffff  }
0x451: {  	v42 =	vld [tilespmem:$0x1FEE0];
	[tilespmem:s24+$0xFFFFFD70] =	vst v8;
	v8 =	vor.u32 v33, v0  }
0x452: {  	v10 =	vld.idx.msk [tilespmem:v11+s22+$0x0], $0xffff;
	v11 =	vor.u32 v14, v51  }
0x453: {  	v3 =	vld.idx.msk [tilespmem:v3+s22+$0x0], $0xffff;
	v4 =	vor.u32 v47, v0  }
0x454: {  	v5 =	vld.idx.msk [tilespmem:v5+s22+$0x0], $0xffff;
	v6 =	vor.u32 v25, v0  }
0x455: {  	v2 =	vld.idx.msk [tilespmem:v2+s22+$0x0], $0xffff  }
0x456: {  	v7 =	vor.u32 v42, v0;
	v8 =	vld.idx.msk [tilespmem:v8+s22+$0x0], $0xffff  }
0x457: {  	v11 =	vld.idx.msk [tilespmem:v11+s22+$0x0], $0xffff;
	[tilespmem:s28+$0xFFFFFD90] =	vst v10  }
0x458: {  	[tilespmem:s28+$0xFFFFFE10] =	vst v3;
	v4 =	vld.idx.msk [tilespmem:v4+s22+$0x0], $0xffff  }
0x459: {  	v10 =	vor.u32 v48, v0;
	[tilespmem:s28+$0xFFFFFE90] =	vst v5;
	v6 =	vld.idx.msk [tilespmem:v6+s22+$0x0], $0xffff  }
0x45a: {  	v15 =	vmov v23;
	v3 =	vor.u32 v19, v0;
	v23 =	vld [tilespmem:$0x1FE50]  }
0x45b: {  	[tilespmem:s28+$0xFFFFFF10] =	vst v1;
	v7 =	vld.idx.msk [tilespmem:v7+s22+$0x0], $0xffff  }
0x45c: {  	v63 =	vmov v48;
	v48 =	vld [tilespmem:$0x1FE40];
	[tilespmem:s28+$0xFFFFFF90] =	vst v9  }
0x45d: {  	v33 =	vld [tilespmem:$0x1FE80];
	[tilespmem:s24+$0xFFFFFD00] =	vst v11  }
0x45e: {  	v10 =	vld.idx.msk [tilespmem:v10+s22+$0x0], $0xffff;
	[tilespmem:s28+$0xFFFFFD20] =	vst v2  }
0x45f: {  	v11 =	vor.u32 v58, v0;
	v3 =	vld.idx.msk [tilespmem:v3+s22+$0x0], $0xffff;
	[tilespmem:s28+$0xFFFFFDA0] =	vst v4  }
0x460: {  	v58 =	vld [tilespmem:$0x1FE70];
	[tilespmem:s28+$0xFFFFFE20] =	vst v6  }
0x461: {  	v5 =	vor.u32 v23, v0;
	[tilespmem:s28+$0xFFFFFEA0] =	vst v7  }
0x462: {  	v1 =	vor.u32 v48, v0;
	v26 =	vld [tilespmem:$0x1FCA0];
	[tilespmem:s28+$0xFFFFFCA0] =	vst v8  }
0x463: {  	v2 =	vor.u32 v39, v0;
	v9 =	vor.u32 v33, v0;
	v39 =	vld [tilespmem:$0x1FEA0];
	[tilespmem:s28+$0xFFFFFFA0] =	vst v10  }
0x464: {  	v11 =	vld.idx.msk [tilespmem:v11+s22+$0x0], $0xffff;
	[tilespmem:s28+$0xFFFFFC20] =	vst v3  }
0x465: {  	v6 =	vor.u32 v59, v0;
	v59 =	vld [tilespmem:$0x1FED0]  }
0x466: {  	v4 =	vor.u32 v58, v0;
	v5 =	vld.idx.msk [tilespmem:v5+s22+$0x0], $0xffff  }
0x467: {  	v1 =	vld.idx.msk [tilespmem:v1+s22+$0x0], $0xffff;
	v7 =	vor.u32 v26, v51  }
0x468: {  	v10 =	vor.u32 v45, v0;
	v9 =	vld.idx.msk [tilespmem:v9+s22+$0x0], $0xffff  }
0x469: {  	v2 =	vld.idx.msk [tilespmem:v2+s22+$0x0], $0xffff  }
0x46a: {  	v6 =	vld.idx.msk [tilespmem:v6+s22+$0x0], $0xffff;
	v8 =	vor.u32 v39, v0  }
0x46b: {  	v3 =	vor.u32 v59, v0;
	v4 =	vld.idx.msk [tilespmem:v4+s22+$0x0], $0xffff;
	[tilespmem:s28+$0xFFFFFF20] =	vst v5  }
0x46c: {  	[tilespmem:s28+$0xFFFFFDB0] =	vst v1;
	v7 =	vld.idx.msk [tilespmem:v7+s22+$0x0], $0xffff  }
0x46d: {  	v5 =	vor.u32 v20, v0;
	v10 =	vld.idx.msk [tilespmem:v10+s22+$0x0], $0xffff;
	[tilespmem:s28+$0xFFFFFE30] =	vst v9  }
0x46e: {  	v31 =	vmov v57;
	v57 =	vmov v61;
	v1 =	vor.u32 v61, v0;
	v61 =	vld [tilespmem:$0x1FEB0];
	[tilespmem:s28+$0xFFFFFEB0] =	vst v11  }
0x46f: {  	v8 =	vld.idx.msk [tilespmem:v8+s22+$0x0], $0xffff;
	[tilespmem:s28+$0xFFFFFCB0] =	vst v2  }
0x470: {  	v11 =	vor.u32 v31, v0;
	v3 =	vld.idx.msk [tilespmem:v3+s22+$0x0], $0xffff;
	[tilespmem:s28+$0xFFFFFFB0] =	vst v4  }
0x471: {  	v16 =	vmov v38;
	v38 =	vmov v62;
	v62 =	vld [tilespmem:$0x1FFD0]  }
0x472: {  	v2 =	vor.u32 v55, v0;
	v5 =	vld.idx.msk [tilespmem:v5+s22+$0x0], $0xffff;
	[tilespmem:s28+$0xFFFFFD30] =	vst v6  }
0x473: {  	v29 =	vld [tilespmem:$0x1FF10];
	[tilespmem:s24+$0xFFFFFD80] =	vst v7  }
0x474: {  	v1 =	vld.idx.msk [tilespmem:v1+s22+$0x0], $0xffff;
	[tilespmem:s28+$0xFFFFFF30] =	vst v10;
	v9 =	vor.u32 v61, v0  }
0x475: {  	v7 =	vor.u32 v16, v0;
	[tilespmem:s28+$0xFFFFFDC0] =	vst v8;
	v11 =	vld.idx.msk [tilespmem:v11+s22+$0x0], $0xffff  }
0x476: {  	v31 =	vmov v55;
	v55 =	vld [tilespmem:$0x1FF00];
	[tilespmem:s28+$0xFFFFFEC0] =	vst v3  }
0x477: {  	v2 =	vld.idx.msk [tilespmem:v2+s22+$0x0], $0xffff;
	v4 =	vor.u32 v62, v0;
	[tilespmem:s28+$0xFFFFFC30] =	vst v5  }
0x478: {  	v6 =	vor.u32 v29, v0;
	v22 =	vld [tilespmem:$0x1FD00]  }
0x479: {  	v8 =	vor.u32 v15, v0;
	v9 =	vld.idx.msk [tilespmem:v9+s22+$0x0], $0xffff  }
0x47a: {  	v7 =	vld.idx.msk [tilespmem:v7+s22+$0x0], $0xffff;
	[tilespmem:s28+$0xFFFFFFC0] =	vst v1  }
0x47b: {  	v18 =	vld [tilespmem:$0x1FFC0];
	v10 =	vor.u32 v55, v0  }
0x47c: {  	v3 =	vor.u32 v35, v0;
	v4 =	vld.idx.msk [tilespmem:v4+s22+$0x0], $0xffff  }
0x47d: {  	v5 =	vld.idx.msk [tilespmem:v6+s22+$0x0], $0xffff  }
0x47e: {  	v8 =	vld.idx.msk [tilespmem:v8+s22+$0x0], $0xffff;
	[tilespmem:s28+$0xFFFFFE40] =	vst v9  }
0x47f: {  	v40 =	vmov v35;
	v35 =	vld [tilespmem:$0x1FFA0];
	[tilespmem:s28+$0xFFFFFD40] =	vst v11  }
0x480: {  	v10 =	vld.idx.msk [tilespmem:v10+s22+$0x0], $0xffff;
	[tilespmem:s28+$0xFFFFFDD0] =	vst v2  }
0x481: {  	v6 =	vor.u32 v22, v51;
	v3 =	vld.idx.msk [tilespmem:v3+s22+$0x0], $0xffff;
	[tilespmem:s28+$0xFFFFFF40] =	vst v4  }
0x482: {  	v4 =	vld [tilespmem:$0x1FC20];
	[tilespmem:s28+$0xFFFFFED0] =	vst v5  }
0x483: {  	v60 =	vmov v56;
	v1 =	vor.u32 v18, v0;
	v56 =	vld [tilespmem:$0x1FFB0];
	[tilespmem:s28+$0xFFFFFCC0] =	vst v7  }
0x484: {  	v2 =	vor.u32 v21, v0;
	v21 =	vld [tilespmem:$0x1FD10];
	[tilespmem:s28+$0xFFFFFC40] =	vst v8;
	v9 =	vor.u32 v35, v0  }
0x485: {  	v24 =	vmov v30;
	v11 =	vor.u32 v52, v0;
	v30 =	vld [tilespmem:$0x1FF80];
	[tilespmem:s28+$0xFFFFFFD0] =	vst v10  }
0x486: {  	v6 =	vld.idx.msk [tilespmem:v6+s22+$0x0], $0xffff;
	[tilespmem:s28+$0xFFFFFE50] =	vst v3  }
0x487: {  	v27 =	vmov v37;
	v37 =	vld [tilespmem:$0x1FF90];
	v41 =	vmov v4;
	v4 =	vor.u32 v4, v51  }
0x488: {  	v1 =	vld.idx.msk [tilespmem:v1+s22+$0x0], $0xffff;
	v5 =	vor.u32 v56, v0  }
0x489: {  	v7 =	vld.idx.msk [tilespmem:v9+s22+$0x0], $0xffff;
	v9 =	vor.u32 v21, v51  }
0x48a: {  	v12 =	vor.u32 v38, v0;
	v11 =	vld.idx.msk [tilespmem:v11+s22+$0x0], $0xffff  }
0x48b: {  	v13 =	vld.idx.msk [tilespmem:v2+s22+$0x0], $0xffff;
	v2 =	vor.u32 v30, v0  }
0x48c: {  	v3 =	vor.u32 v37, v0;
	v14 =	vld.idx.msk [tilespmem:v4+s22+$0x0], $0xffff  }
0x48d: {  	v15 =	vor.u32 v53, v0;
	[tilespmem:s24+$0xFFFFFFF0] =	vst v6;
	v16 =	vld.idx.msk [tilespmem:v5+s22+$0x0], $0xffff  }
0x48e: {  	[tilespmem:s28+$0xFFFFFF50] =	vst v1;
	v5 =	vor.u32 v43, v0;
	v8 =	vld.idx.msk [tilespmem:v9+s22+$0x0], $0xffff  }
0x48f: {  	[tilespmem:s28+$0xFFFFFEE0] =	vst v7;
	v7 =	vld.idx.msk [tilespmem:v12+s22+$0x0], $0xffff  }
0x490: {  	[tilespmem:s28+$0xFFFFFDE0] =	vst v11;
	v2 =	vld.idx.msk [tilespmem:v2+s22+$0x0], $0xffff  }
0x491: {  	v50 =	vmov v54;
	[tilespmem:s28+$0xFFFFFC50] =	vst v13;
	v6 =	vld.idx.msk [tilespmem:v3+s22+$0x0], $0xffff  }
0x492: {  	v3 =	vld.idx.msk [tilespmem:v15+s22+$0x0], $0xffff;
	[tilespmem:s24+$0xFFFFFC80] =	vst v14  }
0x493: {  	v54 =	vmovc v45;
	v46 =	vmov v49;
	v45 =	vmov v26;
	v26 =	vmov v52;
	v5 =	vld.idx.msk [tilespmem:v5+s22+$0x0], $0xffff;
	[tilespmem:s28+$0xFFFFFFE0] =	vst v16  }
0x494: {  	v49 =	vmovc v39;
	v39 =	vmovc v33;
	v33 =	vmov v34;
	v43 =	vmov v50;
	v50 =	vmov v31;
	v31 =	vld [tilespmem:$0x1FF40]  }
0x495: {  	v52 =	vmovc v53;
	v53 =	vmovc v18;
	v10 =	vor.u32 v60, v0;
	v1 =	vor.u32 v32, v0;
	v51 =	vmov v28;
	v44 =	vld [tilespmem:$0x1FCD0]  }
0x496: {  	v11 =	vor.u32 v34, v0;
	v4 =	vor.u32 v27, v0;
	v12 =	vor.u32 v28, v0;
	v28 =	vmovc v24;
	v27 =	vld [tilespmem:$0x1FF20]  }
0x497: {  	s29 =	simm.s32 $0x10;
	v9 =	vor.u32 v24, v0;
	v24 =	vmovc v32;
	v32 =	vmovc v59;
	v59 =	vmov v63;
	v63 =	vmov v21;
	v34 =	vld [tilespmem:$0x1FE60]  }
.LBB2_13:
0x498: {  	_ =	sdelay $0x3  }
0x499: {  	v12 =	vld.idx.msk [tilespmem:v12+s22+$0x0], $0xffff  }
0x49a: {  	v4 =	vld.idx.msk [tilespmem:v4+s22+$0x0], $0xffff  }
0x49b: {  	v13 =	vmov s29;
	v18 =	vld [tilespmem:$0x1FC90]  }
0x49c: {  	[tilespmem:s24+$0x0] =	vst v8;
	v8 =	vshrl.u32 v13, $0x3;
	v13 =	vld [tilespmem:$0x1FDB0]  }
0x49d: {  	[tilespmem:s28+$0xFFFFFDF0] =	vst v3;
	v3 =	vld [tilespmem:$0x1FD60]  }
0x49e: {  	[tilespmem:s28+$0xFFFFFF60] =	vst v7;
	v7 =	vshll.u32 v8, $0x3;
	v8 =	vld [tilespmem:$0x1FDD0]  }
0x49f: {  	[tilespmem:s28+$0xFFFFFEF0] =	vst v2;
	v10 =	vld.idx.msk [tilespmem:v10+s22+$0x0], $0xffff  }
0x4a0: {  	[tilespmem:s28+$0xFFFFFE60] =	vst v6;
	v6 =	vld.idx.msk [tilespmem:v9+s22+$0x0], $0xffff  }
0x4a1: {  	v9 =	vld.idx.msk [tilespmem:v11+s22+$0x0], $0xffff  }
0x4a2: {  	[tilespmem:s28+$0xFFFFFC60] =	vst v5;
	v5 =	vld.idx.msk [tilespmem:v1+s22+$0x0], $0xffff  }
0x4a3: {  	v1 =	vld [tilespmem:$0x1FD80];
	[tilespmem:s28+$0xFFFFFCD0] =	vst v12;
	v2 =	vbroadcast v7, $0x0;
	v7 =	vor.u32 v43, v0  }
0x4a4: {  	v12 =	vld [tilespmem:$0x1FD70];
	[tilespmem:s28+$0xFFFFFD50] =	vst v4;
	v4 =	vor.u32 v44, v0  }
0x4a5: {  	v43 =	vld [tilespmem:$0x1FC80];
	v13 =	vor.u32 v13, v0  }
0x4a6: {  	v14 =	vor.u32 v17, v2;
	v17 =	vor.u32 v36, v0;
	v36 =	vld [tilespmem:$0x1FC50];
	v11 =	vor.u32 v3, v0  }
0x4a7: {  	[tilespmem:s28+$0xFFFFFE00] =	vst v5;
	v5 =	vld [tilespmem:$0x1FD90]  }
0x4a8: {  	v8 =	vor.u32 v8, v0;
	[tilespmem:s28+$0xFFFFFE70] =	vst v9;
	v7 =	vld.idx.msk [tilespmem:v7+s22+$0x0], $0xffff  }
0x4a9: {  	v15 =	vor.u32 v1, v2;
	v4 =	vld.idx.msk [tilespmem:v4+s22+$0x0], $0xffff  }
0x4aa: {  	[tilespmem:s28+$0xFFFFFF70] =	vst v10;
	v13 =	vld.idx.msk [tilespmem:v13+s22+$0x0], $0xffff  }
0x4ab: {  	v12 =	vor.u32 v12, v2;
	[tilespmem:s28+$0xFFFFFF00] =	vst v6;
	v6 =	vld.idx.msk [tilespmem:v11+s22+$0x0], $0xffff  }
0x4ac: {  	v18 =	vor.u32 v18, v0;
	v11 =	vld.idx.msk [tilespmem:v14+s22+$0x0], $0xffff  }
0x4ad: {  	v16 =	vor.u32 v46, v2;
	v8 =	vld.idx.msk [tilespmem:v8+s22+$0x0], $0xffff  }
0x4ae: {  	v9 =	vld.idx.msk [tilespmem:v15+s22+$0x0], $0xffff  }
0x4af: {  	v14 =	vor.u32 v27, v2;
	v15 =	vld [tilespmem:$0x1FCE0]  }
0x4b0: {  	v12 =	vld.idx.msk [tilespmem:v12+s22+$0x0], $0xffff;
	[tilespmem:s28+$0xFFFFFD60] =	vst v7  }
0x4b1: {  	s24 =	smov.u32 s28;
	v5 =	vor.u32 v5, v2;
	v18 =	vld.idx.msk [tilespmem:v18+s22+$0x0], $0xffff  }
0x4b2: {  	[tilespmem:s24+$0xFFFFFF80] =	vst v6;
	v6 =	vld.idx.msk [tilespmem:v16+s22+$0x0], $0xffff  }
0x4b3: {  	v10 =	vor.u32 v31, v2;
	v16 =	vld [tilespmem:$0x1FC60]  }
0x4b4: {  	[tilespmem:s28+$0xFFFFFC70] =	vst v13;
	v13 =	vor.u32 v19, v2;
	v14 =	vld.idx.msk [tilespmem:v14+s22+$0x0], $0xffff  }
0x4b5: {  	v15 =	vor.u32 v15, v2;
	[tilespmem:s28+$0xFFFFFCE0] =	vst v8;
	v8 =	vld [tilespmem:$0x1FDA0]  }
0x4b6: {  	s28 =	sadd.s32 $0x400, s28;
	v5 =	vld.idx.msk [tilespmem:v5+s22+$0x0], $0xffff  }
0x4b7: {  	v7 =	vor.u32 v47, v2;
	v17 =	vld.idx.msk [tilespmem:v17+s22+$0x0], $0xffff;
	[tilespmem:s28+$0xFFFFFC10] =	vst v11  }
0x4b8: {  	[tilespmem:s28+$0xFFFFFC90] =	vst v9;
	v9 =	vld.idx.msk [tilespmem:v10+s22+$0x0], $0xffff  }
0x4b9: {  	v10 =	vor.u32 v42, v2;
	[tilespmem:s24+$0xFFFFFE80] =	vst v4;
	v13 =	vld.idx.msk [tilespmem:v13+s22+$0x0], $0xffff  }
0x4ba: {  	[tilespmem:s28+$0xFFFFFD10] =	vst v12;
	v12 =	vor.u32 v59, v2;
	v4 =	vld.idx.msk [tilespmem:v15+s22+$0x0], $0xffff  }
0x4bb: {  	v11 =	vor.u32 v25, v2;
	[tilespmem:s28+$0xFFFFFD90] =	vst v6;
	v15 =	vor.u32 v20, v2;
	v20 =	vld [tilespmem:$0x1FDC0]  }
0x4bc: {  	v16 =	vor.u32 v16, v0;
	[tilespmem:s28+$0xFFFFFE90] =	vst v14;
	v7 =	vld.idx.msk [tilespmem:v7+s22+$0x0], $0xffff  }
0x4bd: {  	v8 =	vor.u32 v8, v2;
	[tilespmem:s24+$0xFFFFFCF0] =	vst v17;
	v17 =	vld [tilespmem:$0x1FDE0]  }
0x4be: {  	v19 =	vor.u32 v23, v2;
	[tilespmem:s28+$0xFFFFFF90] =	vst v5;
	v10 =	vld.idx.msk [tilespmem:v10+s22+$0x0], $0xffff  }
0x4bf: {  	v6 =	vor.u32 v48, v2;
	[tilespmem:s28+$0xFFFFFE10] =	vst v9;
	v12 =	vld.idx.msk [tilespmem:v12+s22+$0x0], $0xffff  }
0x4c0: {  	v14 =	vor.u32 v34, v2;
	v11 =	vld.idx.msk [tilespmem:v11+s22+$0x0], $0xffff  }
0x4c1: {  	[tilespmem:s24+$0xFFFFFD70] =	vst v18;
	v5 =	vor.u32 v58, v2;
	v16 =	vld.idx.msk [tilespmem:v16+s22+$0x0], $0xffff  }
0x4c2: {  	v9 =	vor.u32 v39, v2;
	v8 =	vld.idx.msk [tilespmem:v8+s22+$0x0], $0xffff;
	[tilespmem:s28+$0xFFFFFF10] =	vst v4  }
0x4c3: {  	v20 =	vor.u32 v20, v2;
	[tilespmem:s28+$0xFFFFFDA0] =	vst v7;
	v19 =	vld.idx.msk [tilespmem:v19+s22+$0x0], $0xffff  }
0x4c4: {  	v6 =	vld.idx.msk [tilespmem:v6+s22+$0x0], $0xffff;
	[tilespmem:s28+$0xFFFFFEA0] =	vst v10  }
0x4c5: {  	[tilespmem:s28+$0xFFFFFFA0] =	vst v12;
	v14 =	vld.idx.msk [tilespmem:v14+s22+$0x0], $0xffff  }
0x4c6: {  	v17 =	vor.u32 v17, v2;
	[tilespmem:s28+$0xFFFFFE20] =	vst v11;
	v5 =	vld.idx.msk [tilespmem:v5+s22+$0x0], $0xffff  }
0x4c7: {  	v9 =	vld.idx.msk [tilespmem:v9+s22+$0x0], $0xffff  }
0x4c8: {  	v7 =	vor.u32 v49, v2;
	v4 =	vld.idx.msk [tilespmem:v20+s22+$0x0], $0xffff  }
0x4c9: {  	[tilespmem:s24+$0xFFFFFD00] =	vst v16;
	v16 =	vld [tilespmem:$0x1FE10]  }
0x4ca: {  	v18 =	vor.u32 v54, v2;
	[tilespmem:s28+$0xFFFFFD20] =	vst v8;
	v8 =	vld [tilespmem:$0x1FDF0]  }
0x4cb: {  	v10 =	vor.u32 v32, v2;
	v17 =	vld.idx.msk [tilespmem:v17+s22+$0x0], $0xffff;
	[tilespmem:s28+$0xFFFFFF20] =	vst v19  }
0x4cc: {  	v12 =	vor.u32 v57, v2;
	v19 =	vld [tilespmem:$0x1FD30];
	[tilespmem:s28+$0xFFFFFDB0] =	vst v6  }
0x4cd: {  	[tilespmem:s28+$0xFFFFFC20] =	vst v13;
	v11 =	vor.u32 v61, v2;
	v7 =	vld.idx.msk [tilespmem:v7+s22+$0x0], $0xffff  }
0x4ce: {  	v20 =	vor.u32 v45, v0;
	[tilespmem:s28+$0xFFFFFEB0] =	vst v14;
	v14 =	vld.idx.msk [tilespmem:v15+s22+$0x0], $0xffff  }
0x4cf: {  	[tilespmem:s28+$0xFFFFFE30] =	vst v9;
	v9 =	vld.idx.msk [tilespmem:v18+s22+$0x0], $0xffff  }
0x4d0: {  	[tilespmem:s28+$0xFFFFFFB0] =	vst v5;
	v10 =	vld.idx.msk [tilespmem:v10+s22+$0x0], $0xffff  }
0x4d1: {  	v3 =	vor.u32 v50, v2;
	v12 =	vld.idx.msk [tilespmem:v12+s22+$0x0], $0xffff  }
0x4d2: {  	v21 =	vor.u32 v62, v2;
	v11 =	vld.idx.msk [tilespmem:v11+s22+$0x0], $0xffff  }
0x4d3: {  	v6 =	vld.idx.msk [tilespmem:v20+s22+$0x0], $0xffff  }
0x4d4: {  	[tilespmem:s28+$0xFFFFFCA0] =	vst v4;
	v4 =	vld [tilespmem:$0x1FC30]  }
0x4d5: {  	v16 =	vor.u32 v16, v2;
	v20 =	vld [tilespmem:$0x1FD40];
	[tilespmem:s28+$0xFFFFFDC0] =	vst v7  }
0x4d6: {  	v5 =	vor.u32 v29, v2;
	v3 =	vld.idx.msk [tilespmem:v3+s22+$0x0], $0xffff;
	[tilespmem:s28+$0xFFFFFF30] =	vst v9  }
0x4d7: {  	v8 =	vor.u32 v8, v2;
	[tilespmem:s28+$0xFFFFFEC0] =	vst v10;
	v10 =	vld.idx.msk [tilespmem:v21+s22+$0x0], $0xffff  }
0x4d8: {  	[tilespmem:s24+$0xFFFFFD80] =	vst v6;
	v6 =	vld [tilespmem:$0x1FE00]  }
0x4d9: {  	v7 =	vor.u32 v55, v2;
	v21 =	vld [tilespmem:$0x1FD50]  }
0x4da: {  	[tilespmem:s28+$0xFFFFFD30] =	vst v17;
	v9 =	vor.u32 v40, v2;
	v16 =	vld.idx.msk [tilespmem:v16+s22+$0x0], $0xffff  }
0x4db: {  	[tilespmem:s28+$0xFFFFFC30] =	vst v14;
	v5 =	vld.idx.msk [tilespmem:v5+s22+$0x0], $0xffff;
	v13 =	vor.u32 v4, v2  }
0x4dc: {  	v14 =	vor.u32 v22, v0;
	[tilespmem:s28+$0xFFFFFFC0] =	vst v12;
	v8 =	vld.idx.msk [tilespmem:v8+s22+$0x0], $0xffff  }
0x4dd: {  	[tilespmem:s28+$0xFFFFFE40] =	vst v11;
	v4 =	vld [tilespmem:$0x1FC70];
	v6 =	vor.u32 v6, v2  }
0x4de: {  	v15 =	vor.u32 v53, v2;
	v7 =	vld.idx.msk [tilespmem:v7+s22+$0x0], $0xffff;
	[tilespmem:s28+$0xFFFFFDD0] =	vst v3  }
0x4df: {  	v11 =	vor.u32 v35, v2;
	v3 =	vld.idx.msk [tilespmem:v9+s22+$0x0], $0xffff;
	[tilespmem:s28+$0xFFFFFCB0] =	vst v16  }
0x4e0: {  	[tilespmem:s28+$0xFFFFFF40] =	vst v10;
	v13 =	vld.idx.msk [tilespmem:v13+s22+$0x0], $0xffff  }
0x4e1: {  	v10 =	vld.idx.msk [tilespmem:v14+s22+$0x0], $0xffff;
	[tilespmem:s28+$0xFFFFFD40] =	vst v8;
	v8 =	vor.u32 v26, v2  }
0x4e2: {  	v14 =	vor.u32 v56, v2;
	v6 =	vld.idx.msk [tilespmem:v6+s22+$0x0], $0xffff  }
0x4e3: {  	v12 =	vor.u32 v21, v2;
	[tilespmem:s28+$0xFFFFFED0] =	vst v5;
	v5 =	vld.idx.msk [tilespmem:v15+s22+$0x0], $0xffff  }
0x4e4: {  	v9 =	vor.u32 v41, v0;
	v11 =	vld.idx.msk [tilespmem:v11+s22+$0x0], $0xffff;
	[tilespmem:s28+$0xFFFFFFD0] =	vst v7  }
0x4e5: {  	v1 =	vor.u32 v24, v2;
	v7 =	vld [tilespmem:$0x1FC10];
	[tilespmem:s28+$0xFFFFFCC0] =	vst v13;
	v13 =	vor.u32 v63, v0;
	v0 =	vmov v2  }
0x4e6: {  	v4 =	vor.u32 v4, v2;
	[tilespmem:s28+$0xFFFFFE50] =	vst v3;
	v2 =	vld.idx.msk [tilespmem:v8+s22+$0x0], $0xffff;
	v16 =	vor.u32 v30, v0  }
0x4e7: {  	v14 =	vld.idx.msk [tilespmem:v14+s22+$0x0], $0xffff;
	[tilespmem:s28+$0xFFFFFC40] =	vst v6;
	v6 =	vor.u32 v38, v0  }
0x4e8: {  	[tilespmem:s24+$0xFFFFFFF0] =	vst v10;
	v3 =	vor.u32 v37, v0;
	v15 =	vld.idx.msk [tilespmem:v12+s22+$0x0], $0xffff  }
0x4e9: {  	[tilespmem:s28+$0xFFFFFF50] =	vst v5;
	v17 =	vld.idx.msk [tilespmem:v9+s22+$0x0], $0xffff;
	v9 =	vor.u32 v52, v0  }
0x4ea: {  	[tilespmem:s28+$0xFFFFFEE0] =	vst v11;
	v8 =	vld.idx.msk [tilespmem:v13+s22+$0x0], $0xffff  }
0x4eb: {  	[tilespmem:s28+$0xFFFFFDE0] =	vst v2;
	v2 =	vld.idx.msk [tilespmem:v16+s22+$0x0], $0xffff  }
0x4ec: {  	p0 =	slt.u32 s29, $0x38;
	v18 =	vor.u32 v7, v0;
	v7 =	vld.idx.msk [tilespmem:v6+s22+$0x0], $0xffff  }
.Ltmp9:
0x4ed: {  	v6 =	vld.idx.msk [tilespmem:v3+s22+$0x0], $0xffff;
	(pc) =	sbr.rel @p0 .LBB2_13-.Ltmp9, $4  }
0x4ee: {  	v3 =	vld.idx.msk [tilespmem:v9+s22+$0x0], $0xffff  }
0x4ef: {  	[tilespmem:s28+$0xFFFFFC50] =	vst v15;
	v15 =	vld [tilespmem:$0x1FC90]  }
0x4f0: {  	v10 =	vor.u32 v60, v0;
	v11 =	vor.u32 v33, v0;
	[tilespmem:s24+$0xFFFFFC80] =	vst v17;
	v17 =	vld [tilespmem:$0x1FD20]  }
0x4f1: {  	s29 =	sadd.s32 $0x8, s29;
	v12 =	vor.u32 v51, v0;
	[tilespmem:s28+$0xFFFFFFE0] =	vst v14;
	v9 =	vor.u32 v28, v0;
	v5 =	vld.idx.msk [tilespmem:v18+s22+$0x0], $0xffff  }
0x4f2: {  	_ =	sdelay $0x1  }
0x4f3: {  	v18 =	vld [tilespmem:$0x1FDD0];
	_ =	sdelay $0x1  }
0x4f4: {  	v4 =	vld.idx.msk [tilespmem:v4+s22+$0x0], $0xffff  }
0x4f5: {  	v12 =	vld.idx.msk [tilespmem:v12+s22+$0x0], $0xffff;
	v14 =	vor.u32 v43, v0;
	[tilespmem:s24+$0x0] =	vst v8  }
0x4f6: {  	[tilespmem:s28+$0xFFFFFF60] =	vst v7  }
0x4f7: {  	[tilespmem:s28+$0xFFFFFEF0] =	vst v2;
	v13 =	vor.u32 v18, v0  }
0x4f8: {  	[tilespmem:s28+$0xFFFFFE60] =	vst v6  }
0x4f9: {  	v8 =	vld.idx.msk [tilespmem:v10+s22+$0x0], $0xffff;
	[tilespmem:s28+$0xFFFFFD50] =	vst v4  }
0x4fa: {  	[tilespmem:s28+$0xFFFFFCD0] =	vst v12;
	v51 =	vld.idx.msk [tilespmem:v14+s22+$0x0], $0xffff  }
0x4fb: {  	v6 =	vor.u32 v15, v0;
	v15 =	vld [tilespmem:$0x1FDB0];
	[tilespmem:s28+$0xFFFFFDF0] =	vst v3  }
0x4fc: {  	[tilespmem:s28+$0xFFFFFC60] =	vst v5;
	v7 =	vld.idx.msk [tilespmem:v13+s22+$0x0], $0xffff  }
0x4fd: {  	v4 =	vor.u32 v36, v0;
	v36 =	vld [tilespmem:$0x1FD60]  }
0x4fe: {  	v9 =	vld.idx.msk [tilespmem:v9+s22+$0x0], $0xffff  }
0x4ff: {  	v52 =	vld.idx.msk [tilespmem:v11+s22+$0x0], $0xffff;
	v5 =	vor.u32 v22, v0;
	[tilespmem:s28+$0xFFFFFF70] =	vst v8  }
0x500: {  	v1 =	vld.idx.msk [tilespmem:v1+s22+$0x0], $0xffff;
	v10 =	vor.u32 v15, v0;
	[tilespmem:s28+$0xFFFFFD60] =	vst v51  }
0x501: {  	v2 =	vld.idx.msk [tilespmem:v6+s22+$0x0], $0xffff;
	[tilespmem:s28+$0xFFFFFCE0] =	vst v7  }
0x502: {  	v11 =	vor.u32 v36, v0;
	v6 =	vld [tilespmem:$0x1FC60]  }
0x503: {  	v7 =	vor.u32 v44, v0  }
0x504: {  	v5 =	vld.idx.msk [tilespmem:v5+s22+$0x0], $0xffff;
	[tilespmem:s28+$0xFFFFFF00] =	vst v9;
	v9 =	vor.u32 v45, v0  }
0x505: {  	v44 =	vor.u32 v63, v0;
	v8 =	vld.idx.msk [tilespmem:v10+s22+$0x0], $0xffff  }
0x506: {  	v43 =	vor.u32 v41, v0;
	v4 =	vld.idx.msk [tilespmem:v4+s22+$0x0], $0xffff;
	[tilespmem:s28+$0xFFFFFE70] =	vst v52  }
0x507: {  	[tilespmem:s28+$0xFFFFFE00] =	vst v1;
	v10 =	vld.idx.msk [tilespmem:v11+s22+$0x0], $0xffff;
	v6 =	vor.u32 v6, v0  }
0x508: {  	[tilespmem:s28+$0xFFFFFD70] =	vst v2;
	v45 =	vld.idx.msk [tilespmem:v7+s22+$0x0], $0xffff  }
0x509: {  	[tilespmem:s28+$0xFFFFFFF0] =	vst v5;
	v2 =	vld.idx.msk [tilespmem:v9+s22+$0x0], $0xffff  }
0x50a: {  	[tilespmem:s28+$0xFFFFFC70] =	vst v8;
	v0 =	vld.idx.msk [tilespmem:v44+s22+$0x0], $0xffff  }
0x50b: {  	[tilespmem:s28+$0xFFFFFCF0] =	vst v4;
	v3 =	vld.idx.msk [tilespmem:v43+s22+$0x0], $0xffff  }
0x50c: {  	[tilespmem:s28+$0xFFFFFF80] =	vst v10;
	v4 =	vld.idx.msk [tilespmem:v6+s22+$0x0], $0xffff  }
0x50d: {  	[tilespmem:s28+$0xFFFFFE80] =	vst v45  }
0x50e: {  	[tilespmem:s28+$0xFFFFFD80] =	vst v2  }
0x50f: {  	[tilespmem:s28+$0x0] =	vst v0  }
0x510: {  	s0 =	sand.u32 $0xFF, s25;
	[tilespmem:s28+$0xFFFFFC80] =	vst v3  }
0x511: {  	s0 =	smul.u32 $0x29, s0;
	[tilespmem:s28+$0xFFFFFD00] =	vst v4  }
0x512: {  	v16 =	vld [tilespmem:$0x1FD80]  }
0x513: {  	s0 =	sshrl.u32 s0, $0xB;
	v11 =	vld [tilespmem:$0x1FDC0]  }
0x514: {  	s0 =	smul.u32 $0x32, s0;
	v14 =	vld [tilespmem:$0x1FE10]  }
0x515: {  	v38 =	vmov v50;
	v50 =	vmov v25;
	v8 =	vld [tilespmem:$0x1FDA0]  }
.Ltmp10:
0x516: {  	v12 =	vmovc v49;
	s0 =	ssub.s32 s25, s0;
	v22 =	vmovc v23;
	v13 =	vmov v28;
	v28 =	vmov v34;
	v63 =	vmov v53;
	v41 =	vld [tilespmem:$0x1FDF0];
	(pc) =	sbr.rel .LBB2_2-.Ltmp10, $4  }
0x517: {  	s0 =	sand.u32 $0xFF, s0;
	v53 =	vmovc v40;
	v52 =	vmovc v57;
	v9 =	vmov v46;
	v44 =	vmov v32;
	v32 =	vmov v35;
	v7 =	vld [tilespmem:$0x1FD90]  }
0x518: {  	s3 =	sadd.s32 s1, s26;
	s0 =	sshll.u32 s0, $0x11;
	v43 =	vmovc v18;
	v10 =	vmovc v47;
	v18 =	vmov v61;
	v61 =	vmov v33;
	v45 =	vmov v26;
	v25 =	vld [tilespmem:$0x1FE00]  }
0x519: {  	s23 =	sadd.s32 $0x1, s23;
	s0 =	sadd.s32 s0, s3;
	v2 =	vmovc v54;
	v0 =	vmovc v48;
	v48 =	vmov v58;
	v54 =	vmov v56;
	v58 =	vmov v37;
	v37 =	vld [tilespmem:$0x1FDE0]  }
0x51a: {  	v6 =	vmovc v31;
	v31 =	vmovc v27;
	v27 =	vmov v50;
	v24 =	vmov v2;
	v40 =	vmov v0;
	[hbm4b:s0+s10] =	stream.strided.scatter [tilespmem:s15], [sflag:$0x6], $0x2000, s11, s10, $0x38;
	v33 =	vld [tilespmem:$0x1FD70]  }
.LBB2_16:
0x51b: {  	_ =	sfence.sel $0x180000  }
0x51c: {  	[bflag:$0x0] =	sbarrier.arrive $0xFFFF  }
0x51d: {  	_ =	strace $0x90000047  }
0x51e: {  	s0 =	stileid.u32;
	[bflag:$0x2] =	sbarrier.arrive $0xFFFF  }
0x51f: {  	p0 =	sne.s32 s0, $0x0;
	s0 =	rddreg [dreg:$0x2]  }
0x520: {  	s0 =	sadd.s32 @!p0 $0x100000, s0  }
0x521: {  	[sflag:s0] =	ssyncadd.tile.s32 @!p0 $0x1;
	_ =	shalt  }
.Lfunc_end2:
_tile_overlayer_lowered:
.L_overlay_start_2:
0x522: {  	(tag) =	ssettag $0x2  }
0x523: {  	s0 =	rddreg [dreg:$0x0];
	s2 =	stileid.u32  }
0x524: {  	s1 =	rddreg [dreg:$0x1];
	p0 =	sne.s32 s2, $0x0  }
0x525: {  	s3 =	rddreg [dreg:$0x2];
	[bflag:$0x3] =	sbarrier.arrive $0xFFFF;
	s2 =	simm.s32 @!p0 $0x1C07  }
0x526: {  	[timem:s3], [sflag:s2] =	dma.local @!p0 [hbm:s0], s1  }
0x527: {  	s0 =	simm.s32 @!p0 $0x7  }
0x528: {  	_ =	swait.ge @!p0 [sflag:s0], s1  }
0x529: {  	s1 =	ssub.s32 @!p0 $0x0, s1;
	[sflag:s0] =	ssyncset.done @!p0 $0x0  }
0x52a: {  	[sflag:s0] =	ssyncadd.s32 @!p0 s1  }
0x52b: {  	[bflag:$0x3] =	sbarrier.arrive $0xFFFF  }
0x52c: {  	_ =	shalt  }

</sc_bundles>
